<compile_context>
chip_gen: v7x
topology: tpu7x:2x2x1
jax: 0.10.2.dev20260603
libtpu: 0.0.44.dev20260713+nightly
codegen_flags: <defaults>
</compile_context>

<pallas_src>
import functools

import jax
import jax.numpy as jnp
from jax import lax
from jax.experimental import pallas as pl
from jax.experimental.pallas import tpu as pltpu
from jax.experimental.pallas import tpu_sc as plsc

N = 10000
D = 128
NC = 2
NT = 16
CH = 64
K = 160
KG = 2
G = K // KG
EPAD = NC * NT * K * CH
NPAD = 10240
RPT = NPAD // NT
ZCH = 64
BLK = 640
BLK2 = 5000


def _mesh():
    return plsc.VectorSubcoreMesh(core_axis_name="c", subcore_axis_name="s")


def _zero_acc(zrow, buf, acc_s, base):
    pltpu.sync_copy(zrow, buf)
    for t in range(RPT // ZCH):
        pltpu.sync_copy(buf, acc_s.at[pl.ds(base + t * ZCH, ZCH)])


def _stage_out(acc_s, buf, out_hbm, cid, base):
    for t in range(RPT // ZCH):
        sl = pl.ds(base + t * ZCH, ZCH)
        pltpu.sync_copy(acc_s.at[sl], buf)
        pltpu.sync_copy(buf, out_hbm.at[cid, sl])


def _agg_loop(x_hbm, src_hbm, dst_hbm, cid, sid,
              src_v, dst_v, bufa, bufb, acc_s, semga, semgb):

    def group(g, carry):
        pltpu.sync_copy(src_hbm.at[cid, sid, g], src_v)
        pltpu.sync_copy(dst_hbm.at[cid, sid, g], dst_v)
        pltpu.async_copy(x_hbm.at[src_v.at[0]], bufa, semga)

        def pair(i, c2):
            j = 2 * i
            pltpu.async_copy(x_hbm.at[src_v.at[j + 1]], bufb, semgb)
            pltpu.make_async_copy(x_hbm.at[src_v.at[j]], bufa, semga).wait()
            pltpu.sync_copy(bufa, acc_s.at[dst_v.at[j]], add=True)
            pltpu.async_copy(x_hbm.at[src_v.at[j + 2]], bufa, semga)
            pltpu.make_async_copy(x_hbm.at[src_v.at[j + 1]], bufb,
                                  semgb).wait()
            pltpu.sync_copy(bufb, acc_s.at[dst_v.at[j + 1]], add=True)
            return c2

        lax.fori_loop(0, G // 2, pair, 0)
        pltpu.make_async_copy(x_hbm.at[src_v.at[G]], bufa, semga).wait()
        return carry

    lax.fori_loop(0, KG, group, 0)


def _count_loop(dst_hbm, cid, sid, dst_v, buf, acc_s):

    def group(g, carry):
        pltpu.sync_copy(dst_hbm.at[cid, sid, g], dst_v)

        def step(j, c2):
            pltpu.sync_copy(buf, acc_s.at[dst_v.at[j]], add=True)
            return c2

        lax.fori_loop(0, G, step, 0)
        return carry

    lax.fori_loop(0, KG, group, 0)


def _sc_cnt_agg_body(x_hbm, src_hbm, dst_hbm, zrow, ones,
                     cnt_out, acc_out,
                     src_v, dst_v, bufa, bufb, acc_s,
                     semga, semgb):
    cid = lax.axis_index("c")
    sid = lax.axis_index("s")
    base = sid * RPT

    _zero_acc(zrow, bufa, acc_s, base)
    pltpu.sync_copy(ones, bufa)
    plsc.subcore_barrier()
    _count_loop(dst_hbm, cid, sid, dst_v, bufa, acc_s)
    plsc.subcore_barrier()
    _stage_out(acc_s, bufa, cnt_out, cid, base)

    _zero_acc(zrow, bufa, acc_s, base)
    plsc.subcore_barrier()
    _agg_loop(x_hbm, src_hbm, dst_hbm, cid, sid,
              src_v, dst_v, bufa, bufb, acc_s, semga, semgb)
    plsc.subcore_barrier()
    _stage_out(acc_s, bufa, acc_out, cid, base)


_sc_cnt_agg = pl.kernel(
    _sc_cnt_agg_body,
    out_type=[jax.ShapeDtypeStruct((NC, NPAD, D), jnp.float32),
              jax.ShapeDtypeStruct((NC, NPAD, D), jnp.float32)],
    mesh=_mesh(),
    scratch_types=[
        pltpu.VMEM((G + 2, CH), jnp.int32),
        pltpu.VMEM((G, CH), jnp.int32),
        pltpu.VMEM((CH, D), jnp.float32),
        pltpu.VMEM((CH, D), jnp.float32),
        pltpu.VMEM_SHARED((NPAD, D), jnp.float32),
        pltpu.SemaphoreType.DMA,
        pltpu.SemaphoreType.DMA,
    ],
)


def _sc_agg_body(x_hbm, src_hbm, dst_hbm, zrow, acc_out,
                 src_v, dst_v, bufa, bufb, acc_s,
                 semga, semgb):
    cid = lax.axis_index("c")
    sid = lax.axis_index("s")
    base = sid * RPT

    _zero_acc(zrow, bufa, acc_s, base)
    plsc.subcore_barrier()
    _agg_loop(x_hbm, src_hbm, dst_hbm, cid, sid,
              src_v, dst_v, bufa, bufb, acc_s, semga, semgb)
    plsc.subcore_barrier()
    _stage_out(acc_s, bufa, acc_out, cid, base)


_sc_agg = pl.kernel(
    _sc_agg_body,
    out_type=jax.ShapeDtypeStruct((NC, NPAD, D), jnp.float32),
    mesh=_mesh(),
    scratch_types=[
        pltpu.VMEM((G + 2, CH), jnp.int32),
        pltpu.VMEM((G, CH), jnp.int32),
        pltpu.VMEM((CH, D), jnp.float32),
        pltpu.VMEM((CH, D), jnp.float32),
        pltpu.VMEM_SHARED((NPAD, D), jnp.float32),
        pltpu.SemaphoreType.DMA,
        pltpu.SemaphoreType.DMA,
    ],
)


def _dot_t(a, w):
    return lax.dot_general(a, w, (((1,), (1,)), ((), ())),
                           preferred_element_type=jnp.float32)


def _tc_layer_body(normalize, acc_ref, cnt_ref, x_ref, wl_ref, wr_ref, b_ref,
                   o_ref):
    agg = acc_ref[0] + acc_ref[1]
    cnt = cnt_ref[0, :, :1] + cnt_ref[1, :, :1]
    a = agg / jnp.maximum(cnt, 1.0)
    h = _dot_t(a, wl_ref[...]) + _dot_t(x_ref[...], wr_ref[...]) + b_ref[...]
    if normalize:
        nrm = jnp.sqrt(jnp.sum(h * h, axis=1, keepdims=True))
        h = h / jnp.maximum(nrm, 1e-12)
    o_ref[...] = jax.nn.sigmoid(h)


def _make_tc_layer(normalize):
    return pl.pallas_call(
        functools.partial(_tc_layer_body, normalize),
        grid=(N // BLK2,),
        in_specs=[
            pl.BlockSpec((NC, BLK2, D), lambda i: (0, i, 0)),
            pl.BlockSpec((NC, BLK2, D), lambda i: (0, i, 0)),
            pl.BlockSpec((BLK2, D), lambda i: (i, 0)),
            pl.BlockSpec((D, D), lambda i: (0, 0)),
            pl.BlockSpec((D, D), lambda i: (0, 0)),
            pl.BlockSpec((1, D), lambda i: (0, 0)),
        ],
        out_specs=pl.BlockSpec((BLK2, D), lambda i: (i, 0)),
        out_shape=jax.ShapeDtypeStruct((N, D), jnp.float32),
    )


_tc_layer1 = _make_tc_layer(False)
_tc_layer2 = _make_tc_layer(True)


@jax.jit
def kernel(node_feat, edge_index, W1l, b1, W1r, W2l, b2, W2r):
    pad = EPAD - edge_index.shape[1]
    arange_pad = jnp.arange(pad, dtype=jnp.int32) % NT
    src_p = jnp.concatenate([edge_index[0], arange_pad]).reshape(
        NC, NT, KG, G, CH)
    dst_p = jnp.concatenate([edge_index[1], N + arange_pad]).reshape(
        NC, NT, KG, G, CH)
    xtra = jnp.broadcast_to(
        (jnp.arange(2 * CH, dtype=jnp.int32) % NT).reshape(1, 1, 1, 2, CH),
        (NC, NT, KG, 2, CH))
    src_p = jnp.concatenate([src_p, xtra], axis=3)

    zrow = jnp.zeros((ZCH, D), jnp.float32)
    ones = jnp.ones((ZCH, D), jnp.float32)

    cnt, acc1 = _sc_cnt_agg(node_feat, src_p, dst_p, zrow, ones)
    x1 = _tc_layer1(acc1, cnt, node_feat, W1l, W1r, b1.reshape(1, D))
    acc2 = _sc_agg(x1, src_p, dst_p, zrow)
    x2 = _tc_layer2(acc2, cnt, x1, W2l, W2r, b2.reshape(1, D))
    return x2

# --- scband reference (transcript-rebuilt; emitter-appended) ---
"""Pipeline reference for scband-graph-sage-simple-55989193671326 (READ-ONLY COPY).

The authoritative reference and input builder live on the scoring server;
editing this copy changes nothing except your own understanding.
"""

import jax, jax.numpy as jnp
import numpy as np

N = 10000
E = 320000
D = 128
H = 128
O = 128


def setup_inputs(seed: int = 0) -> dict:
    key = jax.random.key(seed)
    ks = jax.random.split(key, 8)
    node_feat = jax.random.normal(ks[0], (N, D), dtype=jnp.float32)
    edge_index = jax.random.randint(ks[1], (2, E), 0, N, dtype=jnp.int32)

    def glorot(k, shape, fan_in):
        return jax.random.normal(k, shape, dtype=jnp.float32) * (1.0 / np.sqrt(fan_in))

    W1l = glorot(ks[2], (H, D), D)
    b1 = jnp.zeros((H,), dtype=jnp.float32)
    W1r = glorot(ks[3], (H, D), D)
    W2l = glorot(ks[4], (O, H), H)
    b2 = jnp.zeros((O,), dtype=jnp.float32)
    W2r = glorot(ks[5], (O, H), H)
    return {
        'node_feat': node_feat,
        'edge_index': edge_index,
        'W1l': W1l,
        'b1': b1,
        'W1r': W1r,
        'W2l': W2l,
        'b2': b2,
        'W2r': W2r,
    }


def _sage_conv(x, src, dst, Wl, b, Wr, normalize):
    # PyG SAGEConv with mean aggregation:
    #   out = lin_l(mean_{j in N(i)} x_j) + lin_r(x_i)
    msg = jnp.take(x, src, axis=0)
    agg = jax.ops.segment_sum(msg, dst, num_segments=x.shape[0])
    cnt = jax.ops.segment_sum(jnp.ones((src.shape[0],), dtype=x.dtype), dst,
                              num_segments=x.shape[0])
    agg = agg / jnp.maximum(cnt, 1.0)[:, None]
    out = agg @ Wl.T + b + x @ Wr.T
    if normalize:
        nrm = jnp.linalg.norm(out, ord=2, axis=-1, keepdims=True)
        out = out / jnp.maximum(nrm, 1e-12)
    return out


def reference(node_feat, edge_index, W1l, b1, W1r, W2l, b2, W2r):
    src = edge_index[0]
    dst = edge_index[1]
    x1 = _sage_conv(node_feat, src, dst, W1l, b1, W1r, normalize=False)
    x1 = jax.nn.sigmoid(x1)
    # dropout p=0.0 -> identity
    x2 = _sage_conv(x1, src, dst, W2l, b2, W2r, normalize=True)
    x2 = jax.nn.sigmoid(x2)
    return x2

if __name__ == "__main__":
    import jax
    _d = setup_inputs()
    print(jax.jit(kernel)(*tuple(_d.values())))

</pallas_src>

<mosaic_0001>
#map = affine_map<(d0, d1) -> (0, 0)>
#map1 = affine_map<(d0, d1) -> (0, 0, 0, 0, 0)>
#map2 = affine_map<(d0, d1) -> (0, 0, 0)>
module attributes {stable_mosaic.version = 14 : i64} {
  func.func @_sc_agg_body(%arg0: i32, %arg1: i32, %arg2: memref<10000x128xf32, #tpu.memory_space<hbm>>, %arg3: memref<2x16x2x82x64xi32, #tpu.memory_space<hbm>>, %arg4: memref<2x16x2x80x64xi32, #tpu.memory_space<hbm>>, %arg5: memref<64x128xf32, #tpu.memory_space<hbm>>, %arg6: memref<2x10240x128xf32, #tpu.memory_space<hbm>>, %arg7: memref<82x64xi32, #tpu.memory_space<vmem>>, %arg8: memref<80x64xi32, #tpu.memory_space<vmem>>, %arg9: memref<64x128xf32, #tpu.memory_space<vmem>>, %arg10: memref<64x128xf32, #tpu.memory_space<vmem>>, %arg11: memref<10240x128xf32, #tpu.memory_space<vmem_shared>>, %arg12: memref<!tpu.dma_semaphore, #tpu.memory_space<semaphore_mem>>, %arg13: memref<!tpu.dma_semaphore, #tpu.memory_space<semaphore_mem>>) attributes {dimension_semantics = [#tpu.dimension_semantics<core_parallel>, #tpu.dimension_semantics<subcore_parallel>], iteration_bounds = array<i64: 2, 16>, scalar_prefetch = 0 : i64, scratch_operands = 7 : i64, tpu.core_type = #tpu.core_type<sc_vector_subcore>, window_params = [{transform_indices = #map}, {transform_indices = #map1}, {transform_indices = #map1}, {transform_indices = #map}, {transform_indices = #map2}]} {
    %mul3A = arith.constant 640 : i32
    %mul3A_0 = arith.muli %arg1, %mul3A : i32
    "tpu.region"() ({
      %run_scoped3A = tpu.sem_alloc : memref<!tpu.dma_semaphore, #tpu.memory_space<semaphore_mem>>
      tpu.enqueue_dma source(%arg5 : memref<64x128xf32, #tpu.memory_space<hbm>>) target(%arg9 : memref<64x128xf32, #tpu.memory_space<vmem>>) target_semaphore(%run_scoped3A : memref<!tpu.dma_semaphore, #tpu.memory_space<semaphore_mem>>)
      tpu.wait_dma2 semaphore(%run_scoped3A : memref<!tpu.dma_semaphore, #tpu.memory_space<semaphore_mem>>) src(%arg5 : memref<64x128xf32, #tpu.memory_space<hbm>>) dst(%arg9 : memref<64x128xf32, #tpu.memory_space<vmem>>)
      tpu.yield
    }) : () -> ()
    %add3A = arith.constant 0 : i32
    %add3A_1 = arith.addi %mul3A_0, %add3A : i32
    "tpu.region"() ({
      %run_scoped3A = tpu.sem_alloc : memref<!tpu.dma_semaphore, #tpu.memory_space<semaphore_mem>>
      %dma_start3A = arith.constant 0 : i32
      %dma_start3A_46 = tpu.memref_slice %arg11[%add3A_1, %dma_start3A] : memref<10240x128xf32, #tpu.memory_space<vmem_shared>> -> memref<64x128xf32, #tpu.memory_space<vmem_shared>>
      %dma_start3A_47 = arith.constant 0 : i32
      %dma_start3A_48 = tpu.memref_slice %arg11[%add3A_1, %dma_start3A_47] : memref<10240x128xf32, #tpu.memory_space<vmem_shared>> -> memref<64x128xf32, #tpu.memory_space<vmem_shared>>
      tpu.enqueue_dma source(%arg9 : memref<64x128xf32, #tpu.memory_space<vmem>>) target(%dma_start3A_48 : memref<64x128xf32, #tpu.memory_space<vmem_shared>>) target_semaphore(%run_scoped3A : memref<!tpu.dma_semaphore, #tpu.memory_space<semaphore_mem>>)
      %dma_wait3A = arith.constant 0 : i32
      %dma_wait3A_49 = tpu.memref_slice %arg11[%add3A_1, %dma_wait3A] : memref<10240x128xf32, #tpu.memory_space<vmem_shared>> -> memref<64x128xf32, #tpu.memory_space<vmem_shared>>
      %dma_wait3A_50 = arith.constant 0 : i32
      %dma_wait3A_51 = tpu.memref_slice %arg11[%add3A_1, %dma_wait3A_50] : memref<10240x128xf32, #tpu.memory_space<vmem_shared>> -> memref<64x128xf32, #tpu.memory_space<vmem_shared>>
      tpu.wait_dma2 semaphore(%run_scoped3A : memref<!tpu.dma_semaphore, #tpu.memory_space<semaphore_mem>>) src(%arg9 : memref<64x128xf32, #tpu.memory_space<vmem>>) dst(%dma_wait3A_51 : memref<64x128xf32, #tpu.memory_space<vmem_shared>>)
      tpu.yield
    }) : () -> ()
    %add3A_2 = arith.constant 64 : i32
    %add3A_3 = arith.addi %mul3A_0, %add3A_2 : i32
    "tpu.region"() ({
      %run_scoped3A = tpu.sem_alloc : memref<!tpu.dma_semaphore, #tpu.memory_space<semaphore_mem>>
      %dma_start3A = arith.constant 0 : i32
      %dma_start3A_46 = tpu.memref_slice %arg11[%add3A_3, %dma_start3A] : memref<10240x128xf32, #tpu.memory_space<vmem_shared>> -> memref<64x128xf32, #tpu.memory_space<vmem_shared>>
      %dma_start3A_47 = arith.constant 0 : i32
      %dma_start3A_48 = tpu.memref_slice %arg11[%add3A_3, %dma_start3A_47] : memref<10240x128xf32, #tpu.memory_space<vmem_shared>> -> memref<64x128xf32, #tpu.memory_space<vmem_shared>>
      tpu.enqueue_dma source(%arg9 : memref<64x128xf32, #tpu.memory_space<vmem>>) target(%dma_start3A_48 : memref<64x128xf32, #tpu.memory_space<vmem_shared>>) target_semaphore(%run_scoped3A : memref<!tpu.dma_semaphore, #tpu.memory_space<semaphore_mem>>)
      %dma_wait3A = arith.constant 0 : i32
      %dma_wait3A_49 = tpu.memref_slice %arg11[%add3A_3, %dma_wait3A] : memref<10240x128xf32, #tpu.memory_space<vmem_shared>> -> memref<64x128xf32, #tpu.memory_space<vmem_shared>>
      %dma_wait3A_50 = arith.constant 0 : i32
      %dma_wait3A_51 = tpu.memref_slice %arg11[%add3A_3, %dma_wait3A_50] : memref<10240x128xf32, #tpu.memory_space<vmem_shared>> -> memref<64x128xf32, #tpu.memory_space<vmem_shared>>
      tpu.wait_dma2 semaphore(%run_scoped3A : memref<!tpu.dma_semaphore, #tpu.memory_space<semaphore_mem>>) src(%arg9 : memref<64x128xf32, #tpu.memory_space<vmem>>) dst(%dma_wait3A_51 : memref<64x128xf32, #tpu.memory_space<vmem_shared>>)
      tpu.yield
    }) : () -> ()
    %add3A_4 = arith.constant 128 : i32
    %add3A_5 = arith.addi %mul3A_0, %add3A_4 : i32
    "tpu.region"() ({
      %run_scoped3A = tpu.sem_alloc : memref<!tpu.dma_semaphore, #tpu.memory_space<semaphore_mem>>
      %dma_start3A = arith.constant 0 : i32
      %dma_start3A_46 = tpu.memref_slice %arg11[%add3A_5, %dma_start3A] : memref<10240x128xf32, #tpu.memory_space<vmem_shared>> -> memref<64x128xf32, #tpu.memory_space<vmem_shared>>
      %dma_start3A_47 = arith.constant 0 : i32
      %dma_start3A_48 = tpu.memref_slice %arg11[%add3A_5, %dma_start3A_47] : memref<10240x128xf32, #tpu.memory_space<vmem_shared>> -> memref<64x128xf32, #tpu.memory_space<vmem_shared>>
      tpu.enqueue_dma source(%arg9 : memref<64x128xf32, #tpu.memory_space<vmem>>) target(%dma_start3A_48 : memref<64x128xf32, #tpu.memory_space<vmem_shared>>) target_semaphore(%run_scoped3A : memref<!tpu.dma_semaphore, #tpu.memory_space<semaphore_mem>>)
      %dma_wait3A = arith.constant 0 : i32
      %dma_wait3A_49 = tpu.memref_slice %arg11[%add3A_5, %dma_wait3A] : memref<10240x128xf32, #tpu.memory_space<vmem_shared>> -> memref<64x128xf32, #tpu.memory_space<vmem_shared>>
      %dma_wait3A_50 = arith.constant 0 : i32
      %dma_wait3A_51 = tpu.memref_slice %arg11[%add3A_5, %dma_wait3A_50] : memref<10240x128xf32, #tpu.memory_space<vmem_shared>> -> memref<64x128xf32, #tpu.memory_space<vmem_shared>>
      tpu.wait_dma2 semaphore(%run_scoped3A : memref<!tpu.dma_semaphore, #tpu.memory_space<semaphore_mem>>) src(%arg9 : memref<64x128xf32, #tpu.memory_space<vmem>>) dst(%dma_wait3A_51 : memref<64x128xf32, #tpu.memory_space<vmem_shared>>)
      tpu.yield
    }) : () -> ()
    %add3A_6 = arith.constant 192 : i32
    %add3A_7 = arith.addi %mul3A_0, %add3A_6 : i32
    "tpu.region"() ({
      %run_scoped3A = tpu.sem_alloc : memref<!tpu.dma_semaphore, #tpu.memory_space<semaphore_mem>>
      %dma_start3A = arith.constant 0 : i32
      %dma_start3A_46 = tpu.memref_slice %arg11[%add3A_7, %dma_start3A] : memref<10240x128xf32, #tpu.memory_space<vmem_shared>> -> memref<64x128xf32, #tpu.memory_space<vmem_shared>>
      %dma_start3A_47 = arith.constant 0 : i32
      %dma_start3A_48 = tpu.memref_slice %arg11[%add3A_7, %dma_start3A_47] : memref<10240x128xf32, #tpu.memory_space<vmem_shared>> -> memref<64x128xf32, #tpu.memory_space<vmem_shared>>
      tpu.enqueue_dma source(%arg9 : memref<64x128xf32, #tpu.memory_space<vmem>>) target(%dma_start3A_48 : memref<64x128xf32, #tpu.memory_space<vmem_shared>>) target_semaphore(%run_scoped3A : memref<!tpu.dma_semaphore, #tpu.memory_space<semaphore_mem>>)
      %dma_wait3A = arith.constant 0 : i32
      %dma_wait3A_49 = tpu.memref_slice %arg11[%add3A_7, %dma_wait3A] : memref<10240x128xf32, #tpu.memory_space<vmem_shared>> -> memref<64x128xf32, #tpu.memory_space<vmem_shared>>
      %dma_wait3A_50 = arith.constant 0 : i32
      %dma_wait3A_51 = tpu.memref_slice %arg11[%add3A_7, %dma_wait3A_50] : memref<10240x128xf32, #tpu.memory_space<vmem_shared>> -> memref<64x128xf32, #tpu.memory_space<vmem_shared>>
      tpu.wait_dma2 semaphore(%run_scoped3A : memref<!tpu.dma_semaphore, #tpu.memory_space<semaphore_mem>>) src(%arg9 : memref<64x128xf32, #tpu.memory_space<vmem>>) dst(%dma_wait3A_51 : memref<64x128xf32, #tpu.memory_space<vmem_shared>>)
      tpu.yield
    }) : () -> ()
    %add3A_8 = arith.constant 256 : i32
    %add3A_9 = arith.addi %mul3A_0, %add3A_8 : i32
    "tpu.region"() ({
      %run_scoped3A = tpu.sem_alloc : memref<!tpu.dma_semaphore, #tpu.memory_space<semaphore_mem>>
      %dma_start3A = arith.constant 0 : i32
      %dma_start3A_46 = tpu.memref_slice %arg11[%add3A_9, %dma_start3A] : memref<10240x128xf32, #tpu.memory_space<vmem_shared>> -> memref<64x128xf32, #tpu.memory_space<vmem_shared>>
      %dma_start3A_47 = arith.constant 0 : i32
      %dma_start3A_48 = tpu.memref_slice %arg11[%add3A_9, %dma_start3A_47] : memref<10240x128xf32, #tpu.memory_space<vmem_shared>> -> memref<64x128xf32, #tpu.memory_space<vmem_shared>>
      tpu.enqueue_dma source(%arg9 : memref<64x128xf32, #tpu.memory_space<vmem>>) target(%dma_start3A_48 : memref<64x128xf32, #tpu.memory_space<vmem_shared>>) target_semaphore(%run_scoped3A : memref<!tpu.dma_semaphore, #tpu.memory_space<semaphore_mem>>)
      %dma_wait3A = arith.constant 0 : i32
      %dma_wait3A_49 = tpu.memref_slice %arg11[%add3A_9, %dma_wait3A] : memref<10240x128xf32, #tpu.memory_space<vmem_shared>> -> memref<64x128xf32, #tpu.memory_space<vmem_shared>>
      %dma_wait3A_50 = arith.constant 0 : i32
      %dma_wait3A_51 = tpu.memref_slice %arg11[%add3A_9, %dma_wait3A_50] : memref<10240x128xf32, #tpu.memory_space<vmem_shared>> -> memref<64x128xf32, #tpu.memory_space<vmem_shared>>
      tpu.wait_dma2 semaphore(%run_scoped3A : memref<!tpu.dma_semaphore, #tpu.memory_space<semaphore_mem>>) src(%arg9 : memref<64x128xf32, #tpu.memory_space<vmem>>) dst(%dma_wait3A_51 : memref<64x128xf32, #tpu.memory_space<vmem_shared>>)
      tpu.yield
    }) : () -> ()
    %add3A_10 = arith.constant 320 : i32
    %add3A_11 = arith.addi %mul3A_0, %add3A_10 : i32
    "tpu.region"() ({
      %run_scoped3A = tpu.sem_alloc : memref<!tpu.dma_semaphore, #tpu.memory_space<semaphore_mem>>
      %dma_start3A = arith.constant 0 : i32
      %dma_start3A_46 = tpu.memref_slice %arg11[%add3A_11, %dma_start3A] : memref<10240x128xf32, #tpu.memory_space<vmem_shared>> -> memref<64x128xf32, #tpu.memory_space<vmem_shared>>
      %dma_start3A_47 = arith.constant 0 : i32
      %dma_start3A_48 = tpu.memref_slice %arg11[%add3A_11, %dma_start3A_47] : memref<10240x128xf32, #tpu.memory_space<vmem_shared>> -> memref<64x128xf32, #tpu.memory_space<vmem_shared>>
      tpu.enqueue_dma source(%arg9 : memref<64x128xf32, #tpu.memory_space<vmem>>) target(%dma_start3A_48 : memref<64x128xf32, #tpu.memory_space<vmem_shared>>) target_semaphore(%run_scoped3A : memref<!tpu.dma_semaphore, #tpu.memory_space<semaphore_mem>>)
      %dma_wait3A = arith.constant 0 : i32
      %dma_wait3A_49 = tpu.memref_slice %arg11[%add3A_11, %dma_wait3A] : memref<10240x128xf32, #tpu.memory_space<vmem_shared>> -> memref<64x128xf32, #tpu.memory_space<vmem_shared>>
      %dma_wait3A_50 = arith.constant 0 : i32
      %dma_wait3A_51 = tpu.memref_slice %arg11[%add3A_11, %dma_wait3A_50] : memref<10240x128xf32, #tpu.memory_space<vmem_shared>> -> memref<64x128xf32, #tpu.memory_space<vmem_shared>>
      tpu.wait_dma2 semaphore(%run_scoped3A : memref<!tpu.dma_semaphore, #tpu.memory_space<semaphore_mem>>) src(%arg9 : memref<64x128xf32, #tpu.memory_space<vmem>>) dst(%dma_wait3A_51 : memref<64x128xf32, #tpu.memory_space<vmem_shared>>)
      tpu.yield
    }) : () -> ()
    %add3A_12 = arith.constant 384 : i32
    %add3A_13 = arith.addi %mul3A_0, %add3A_12 : i32
    "tpu.region"() ({
      %run_scoped3A = tpu.sem_alloc : memref<!tpu.dma_semaphore, #tpu.memory_space<semaphore_mem>>
      %dma_start3A = arith.constant 0 : i32
      %dma_start3A_46 = tpu.memref_slice %arg11[%add3A_13, %dma_start3A] : memref<10240x128xf32, #tpu.memory_space<vmem_shared>> -> memref<64x128xf32, #tpu.memory_space<vmem_shared>>
      %dma_start3A_47 = arith.constant 0 : i32
      %dma_start3A_48 = tpu.memref_slice %arg11[%add3A_13, %dma_start3A_47] : memref<10240x128xf32, #tpu.memory_space<vmem_shared>> -> memref<64x128xf32, #tpu.memory_space<vmem_shared>>
      tpu.enqueue_dma source(%arg9 : memref<64x128xf32, #tpu.memory_space<vmem>>) target(%dma_start3A_48 : memref<64x128xf32, #tpu.memory_space<vmem_shared>>) target_semaphore(%run_scoped3A : memref<!tpu.dma_semaphore, #tpu.memory_space<semaphore_mem>>)
      %dma_wait3A = arith.constant 0 : i32
      %dma_wait3A_49 = tpu.memref_slice %arg11[%add3A_13, %dma_wait3A] : memref<10240x128xf32, #tpu.memory_space<vmem_shared>> -> memref<64x128xf32, #tpu.memory_space<vmem_shared>>
      %dma_wait3A_50 = arith.constant 0 : i32
      %dma_wait3A_51 = tpu.memref_slice %arg11[%add3A_13, %dma_wait3A_50] : memref<10240x128xf32, #tpu.memory_space<vmem_shared>> -> memref<64x128xf32, #tpu.memory_space<vmem_shared>>
      tpu.wait_dma2 semaphore(%run_scoped3A : memref<!tpu.dma_semaphore, #tpu.memory_space<semaphore_mem>>) src(%arg9 : memref<64x128xf32, #tpu.memory_space<vmem>>) dst(%dma_wait3A_51 : memref<64x128xf32, #tpu.memory_space<vmem_shared>>)
      tpu.yield
    }) : () -> ()
    %add3A_14 = arith.constant 448 : i32
    %add3A_15 = arith.addi %mul3A_0, %add3A_14 : i32
    "tpu.region"() ({
      %run_scoped3A = tpu.sem_alloc : memref<!tpu.dma_semaphore, #tpu.memory_space<semaphore_mem>>
      %dma_start3A = arith.constant 0 : i32
      %dma_start3A_46 = tpu.memref_slice %arg11[%add3A_15, %dma_start3A] : memref<10240x128xf32, #tpu.memory_space<vmem_shared>> -> memref<64x128xf32, #tpu.memory_space<vmem_shared>>
      %dma_start3A_47 = arith.constant 0 : i32
      %dma_start3A_48 = tpu.memref_slice %arg11[%add3A_15, %dma_start3A_47] : memref<10240x128xf32, #tpu.memory_space<vmem_shared>> -> memref<64x128xf32, #tpu.memory_space<vmem_shared>>
      tpu.enqueue_dma source(%arg9 : memref<64x128xf32, #tpu.memory_space<vmem>>) target(%dma_start3A_48 : memref<64x128xf32, #tpu.memory_space<vmem_shared>>) target_semaphore(%run_scoped3A : memref<!tpu.dma_semaphore, #tpu.memory_space<semaphore_mem>>)
      %dma_wait3A = arith.constant 0 : i32
      %dma_wait3A_49 = tpu.memref_slice %arg11[%add3A_15, %dma_wait3A] : memref<10240x128xf32, #tpu.memory_space<vmem_shared>> -> memref<64x128xf32, #tpu.memory_space<vmem_shared>>
      %dma_wait3A_50 = arith.constant 0 : i32
      %dma_wait3A_51 = tpu.memref_slice %arg11[%add3A_15, %dma_wait3A_50] : memref<10240x128xf32, #tpu.memory_space<vmem_shared>> -> memref<64x128xf32, #tpu.memory_space<vmem_shared>>
      tpu.wait_dma2 semaphore(%run_scoped3A : memref<!tpu.dma_semaphore, #tpu.memory_space<semaphore_mem>>) src(%arg9 : memref<64x128xf32, #tpu.memory_space<vmem>>) dst(%dma_wait3A_51 : memref<64x128xf32, #tpu.memory_space<vmem_shared>>)
      tpu.yield
    }) : () -> ()
    %add3A_16 = arith.constant 512 : i32
    %add3A_17 = arith.addi %mul3A_0, %add3A_16 : i32
    "tpu.region"() ({
      %run_scoped3A = tpu.sem_alloc : memref<!tpu.dma_semaphore, #tpu.memory_space<semaphore_mem>>
      %dma_start3A = arith.constant 0 : i32
      %dma_start3A_46 = tpu.memref_slice %arg11[%add3A_17, %dma_start3A] : memref<10240x128xf32, #tpu.memory_space<vmem_shared>> -> memref<64x128xf32, #tpu.memory_space<vmem_shared>>
      %dma_start3A_47 = arith.constant 0 : i32
      %dma_start3A_48 = tpu.memref_slice %arg11[%add3A_17, %dma_start3A_47] : memref<10240x128xf32, #tpu.memory_space<vmem_shared>> -> memref<64x128xf32, #tpu.memory_space<vmem_shared>>
      tpu.enqueue_dma source(%arg9 : memref<64x128xf32, #tpu.memory_space<vmem>>) target(%dma_start3A_48 : memref<64x128xf32, #tpu.memory_space<vmem_shared>>) target_semaphore(%run_scoped3A : memref<!tpu.dma_semaphore, #tpu.memory_space<semaphore_mem>>)
      %dma_wait3A = arith.constant 0 : i32
      %dma_wait3A_49 = tpu.memref_slice %arg11[%add3A_17, %dma_wait3A] : memref<10240x128xf32, #tpu.memory_space<vmem_shared>> -> memref<64x128xf32, #tpu.memory_space<vmem_shared>>
      %dma_wait3A_50 = arith.constant 0 : i32
      %dma_wait3A_51 = tpu.memref_slice %arg11[%add3A_17, %dma_wait3A_50] : memref<10240x128xf32, #tpu.memory_space<vmem_shared>> -> memref<64x128xf32, #tpu.memory_space<vmem_shared>>
      tpu.wait_dma2 semaphore(%run_scoped3A : memref<!tpu.dma_semaphore, #tpu.memory_space<semaphore_mem>>) src(%arg9 : memref<64x128xf32, #tpu.memory_space<vmem>>) dst(%dma_wait3A_51 : memref<64x128xf32, #tpu.memory_space<vmem_shared>>)
      tpu.yield
    }) : () -> ()
    %add3A_18 = arith.constant 576 : i32
    %add3A_19 = arith.addi %mul3A_0, %add3A_18 : i32
    "tpu.region"() ({
      %run_scoped3A = tpu.sem_alloc : memref<!tpu.dma_semaphore, #tpu.memory_space<semaphore_mem>>
      %dma_start3A = arith.constant 0 : i32
      %dma_start3A_46 = tpu.memref_slice %arg11[%add3A_19, %dma_start3A] : memref<10240x128xf32, #tpu.memory_space<vmem_shared>> -> memref<64x128xf32, #tpu.memory_space<vmem_shared>>
      %dma_start3A_47 = arith.constant 0 : i32
      %dma_start3A_48 = tpu.memref_slice %arg11[%add3A_19, %dma_start3A_47] : memref<10240x128xf32, #tpu.memory_space<vmem_shared>> -> memref<64x128xf32, #tpu.memory_space<vmem_shared>>
      tpu.enqueue_dma source(%arg9 : memref<64x128xf32, #tpu.memory_space<vmem>>) target(%dma_start3A_48 : memref<64x128xf32, #tpu.memory_space<vmem_shared>>) target_semaphore(%run_scoped3A : memref<!tpu.dma_semaphore, #tpu.memory_space<semaphore_mem>>)
      %dma_wait3A = arith.constant 0 : i32
      %dma_wait3A_49 = tpu.memref_slice %arg11[%add3A_19, %dma_wait3A] : memref<10240x128xf32, #tpu.memory_space<vmem_shared>> -> memref<64x128xf32, #tpu.memory_space<vmem_shared>>
      %dma_wait3A_50 = arith.constant 0 : i32
      %dma_wait3A_51 = tpu.memref_slice %arg11[%add3A_19, %dma_wait3A_50] : memref<10240x128xf32, #tpu.memory_space<vmem_shared>> -> memref<64x128xf32, #tpu.memory_space<vmem_shared>>
      tpu.wait_dma2 semaphore(%run_scoped3A : memref<!tpu.dma_semaphore, #tpu.memory_space<semaphore_mem>>) src(%arg9 : memref<64x128xf32, #tpu.memory_space<vmem>>) dst(%dma_wait3A_51 : memref<64x128xf32, #tpu.memory_space<vmem_shared>>)
      tpu.yield
    }) : () -> ()
    %barrier3A = arith.constant 0 : index
    tpu.barrier barrier_id(%barrier3A)
    %scan3A = arith.constant 0 : i32
    %scan3A_20 = arith.constant 0 : i32
    %scan3A_21 = arith.constant 2 : i32
    %scan3A_22 = arith.addi %scan3A_20, %scan3A_21 : i32
    %scan3A_23 = arith.constant 1 : i32
    scf.for %scan3A_46 = %scan3A_20 to %scan3A_22 step %scan3A_23  : i32 {
      "tpu.region"() ({
        %run_scoped3A = tpu.sem_alloc : memref<!tpu.dma_semaphore, #tpu.memory_space<semaphore_mem>>
        %dma_start3A_65 = arith.constant 0 : i32
        %dma_start3A_66 = arith.constant 0 : i32
        %dma_start3A_67 = tpu.memref_slice %arg3[%arg0, %arg1, %scan3A_46, %dma_start3A_65, %dma_start3A_66] : memref<2x16x2x82x64xi32, #tpu.memory_space<hbm>> -> memref<1x1x1x82x64xi32, #tpu.memory_space<hbm>>
        %dma_start3A_68 = tpu.memref_squeeze %dma_start3A_67 : memref<1x1x1x82x64xi32, #tpu.memory_space<hbm>> -> memref<82x64xi32, #tpu.memory_space<hbm>>
        %dma_start3A_69 = arith.constant 0 : i32
        %dma_start3A_70 = arith.constant 0 : i32
        %dma_start3A_71 = tpu.memref_slice %arg3[%arg0, %arg1, %scan3A_46, %dma_start3A_69, %dma_start3A_70] : memref<2x16x2x82x64xi32, #tpu.memory_space<hbm>> -> memref<1x1x1x82x64xi32, #tpu.memory_space<hbm>>
        %dma_start3A_72 = tpu.memref_squeeze %dma_start3A_71 : memref<1x1x1x82x64xi32, #tpu.memory_space<hbm>> -> memref<82x64xi32, #tpu.memory_space<hbm>>
        tpu.enqueue_dma source(%dma_start3A_72 : memref<82x64xi32, #tpu.memory_space<hbm>>) target(%arg7 : memref<82x64xi32, #tpu.memory_space<vmem>>) target_semaphore(%run_scoped3A : memref<!tpu.dma_semaphore, #tpu.memory_space<semaphore_mem>>)
        %dma_wait3A_73 = arith.constant 0 : i32
        %dma_wait3A_74 = arith.constant 0 : i32
        %dma_wait3A_75 = tpu.memref_slice %arg3[%arg0, %arg1, %scan3A_46, %dma_wait3A_73, %dma_wait3A_74] : memref<2x16x2x82x64xi32, #tpu.memory_space<hbm>> -> memref<1x1x1x82x64xi32, #tpu.memory_space<hbm>>
        %dma_wait3A_76 = tpu.memref_squeeze %dma_wait3A_75 : memref<1x1x1x82x64xi32, #tpu.memory_space<hbm>> -> memref<82x64xi32, #tpu.memory_space<hbm>>
        %dma_wait3A_77 = arith.constant 0 : i32
        %dma_wait3A_78 = arith.constant 0 : i32
        %dma_wait3A_79 = tpu.memref_slice %arg3[%arg0, %arg1, %scan3A_46, %dma_wait3A_77, %dma_wait3A_78] : memref<2x16x2x82x64xi32, #tpu.memory_space<hbm>> -> memref<1x1x1x82x64xi32, #tpu.memory_space<hbm>>
        %dma_wait3A_80 = tpu.memref_squeeze %dma_wait3A_79 : memref<1x1x1x82x64xi32, #tpu.memory_space<hbm>> -> memref<82x64xi32, #tpu.memory_space<hbm>>
        tpu.wait_dma2 semaphore(%run_scoped3A : memref<!tpu.dma_semaphore, #tpu.memory_space<semaphore_mem>>) src(%dma_wait3A_80 : memref<82x64xi32, #tpu.memory_space<hbm>>) dst(%arg7 : memref<82x64xi32, #tpu.memory_space<vmem>>)
        tpu.yield
      }) : () -> ()
      "tpu.region"() ({
        %run_scoped3A = tpu.sem_alloc : memref<!tpu.dma_semaphore, #tpu.memory_space<semaphore_mem>>
        %dma_start3A_65 = arith.constant 0 : i32
        %dma_start3A_66 = arith.constant 0 : i32
        %dma_start3A_67 = tpu.memref_slice %arg4[%arg0, %arg1, %scan3A_46, %dma_start3A_65, %dma_start3A_66] : memref<2x16x2x80x64xi32, #tpu.memory_space<hbm>> -> memref<1x1x1x80x64xi32, #tpu.memory_space<hbm>>
        %dma_start3A_68 = tpu.memref_squeeze %dma_start3A_67 : memref<1x1x1x80x64xi32, #tpu.memory_space<hbm>> -> memref<80x64xi32, #tpu.memory_space<hbm>>
        %dma_start3A_69 = arith.constant 0 : i32
        %dma_start3A_70 = arith.constant 0 : i32
        %dma_start3A_71 = tpu.memref_slice %arg4[%arg0, %arg1, %scan3A_46, %dma_start3A_69, %dma_start3A_70] : memref<2x16x2x80x64xi32, #tpu.memory_space<hbm>> -> memref<1x1x1x80x64xi32, #tpu.memory_space<hbm>>
        %dma_start3A_72 = tpu.memref_squeeze %dma_start3A_71 : memref<1x1x1x80x64xi32, #tpu.memory_space<hbm>> -> memref<80x64xi32, #tpu.memory_space<hbm>>
        tpu.enqueue_dma source(%dma_start3A_72 : memref<80x64xi32, #tpu.memory_space<hbm>>) target(%arg8 : memref<80x64xi32, #tpu.memory_space<vmem>>) target_semaphore(%run_scoped3A : memref<!tpu.dma_semaphore, #tpu.memory_space<semaphore_mem>>)
        %dma_wait3A_73 = arith.constant 0 : i32
        %dma_wait3A_74 = arith.constant 0 : i32
        %dma_wait3A_75 = tpu.memref_slice %arg4[%arg0, %arg1, %scan3A_46, %dma_wait3A_73, %dma_wait3A_74] : memref<2x16x2x80x64xi32, #tpu.memory_space<hbm>> -> memref<1x1x1x80x64xi32, #tpu.memory_space<hbm>>
        %dma_wait3A_76 = tpu.memref_squeeze %dma_wait3A_75 : memref<1x1x1x80x64xi32, #tpu.memory_space<hbm>> -> memref<80x64xi32, #tpu.memory_space<hbm>>
        %dma_wait3A_77 = arith.constant 0 : i32
        %dma_wait3A_78 = arith.constant 0 : i32
        %dma_wait3A_79 = tpu.memref_slice %arg4[%arg0, %arg1, %scan3A_46, %dma_wait3A_77, %dma_wait3A_78] : memref<2x16x2x80x64xi32, #tpu.memory_space<hbm>> -> memref<1x1x1x80x64xi32, #tpu.memory_space<hbm>>
        %dma_wait3A_80 = tpu.memref_squeeze %dma_wait3A_79 : memref<1x1x1x80x64xi32, #tpu.memory_space<hbm>> -> memref<80x64xi32, #tpu.memory_space<hbm>>
        tpu.wait_dma2 semaphore(%run_scoped3A : memref<!tpu.dma_semaphore, #tpu.memory_space<semaphore_mem>>) src(%dma_wait3A_80 : memref<80x64xi32, #tpu.memory_space<hbm>>) dst(%arg8 : memref<80x64xi32, #tpu.memory_space<vmem>>)
        tpu.yield
      }) : () -> ()
      %dma_start3A = arith.constant 0 : i32
      %dma_start3A_47 = arith.constant 0 : i32
      %dma_start3A_48 = tpu.memref_slice %arg7[%dma_start3A, %dma_start3A_47] : memref<82x64xi32, #tpu.memory_space<vmem>> -> memref<1x64xi32, #tpu.memory_space<vmem>>
      %dma_start3A_49 = tpu.memref_squeeze %dma_start3A_48 : memref<1x64xi32, #tpu.memory_space<vmem>> -> memref<64xi32, #tpu.memory_space<vmem>>
      %dma_start3A_50 = arith.constant 0 : i32
      %dma_start3A_51 = arith.constant 0 : i32
      %dma_start3A_52 = tpu.memref_slice %arg2[%dma_start3A_50, %dma_start3A_51] : memref<10000x128xf32, #tpu.memory_space<hbm>> -> memref<10000x128xf32, #tpu.memory_space<hbm>>
      tpu.enqueue_indirect_dma source(%dma_start3A_52 : memref<10000x128xf32, #tpu.memory_space<hbm>>) target(%arg9 : memref<64x128xf32, #tpu.memory_space<vmem>>) offsets(%dma_start3A_49 : memref<64xi32, #tpu.memory_space<vmem>>) semaphore(%arg12 : memref<!tpu.dma_semaphore, #tpu.memory_space<semaphore_mem>>)
      %scan3A_53 = arith.constant 0 : i32
      %scan3A_54 = arith.constant 0 : i32
      %scan3A_55 = arith.constant 40 : i32
      %scan3A_56 = arith.addi %scan3A_54, %scan3A_55 : i32
      %scan3A_57 = arith.constant 1 : i32
      scf.for %scan3A_65 = %scan3A_54 to %scan3A_56 step %scan3A_57  : i32 {
        %mul3A_66 = arith.constant 2 : i32
        %mul3A_67 = arith.muli %mul3A_66, %scan3A_65 : i32
        %add3A_68 = arith.constant 1 : i32
        %add3A_69 = arith.addi %mul3A_67, %add3A_68 : i32
        %dma_start3A_70 = arith.constant 0 : i32
        %dma_start3A_71 = tpu.memref_slice %arg7[%add3A_69, %dma_start3A_70] : memref<82x64xi32, #tpu.memory_space<vmem>> -> memref<1x64xi32, #tpu.memory_space<vmem>>
        %dma_start3A_72 = tpu.memref_squeeze %dma_start3A_71 : memref<1x64xi32, #tpu.memory_space<vmem>> -> memref<64xi32, #tpu.memory_space<vmem>>
        %dma_start3A_73 = arith.constant 0 : i32
        %dma_start3A_74 = arith.constant 0 : i32
        %dma_start3A_75 = tpu.memref_slice %arg2[%dma_start3A_73, %dma_start3A_74] : memref<10000x128xf32, #tpu.memory_space<hbm>> -> memref<10000x128xf32, #tpu.memory_space<hbm>>
        tpu.enqueue_indirect_dma source(%dma_start3A_75 : memref<10000x128xf32, #tpu.memory_space<hbm>>) target(%arg10 : memref<64x128xf32, #tpu.memory_space<vmem>>) offsets(%dma_start3A_72 : memref<64xi32, #tpu.memory_space<vmem>>) semaphore(%arg13 : memref<!tpu.dma_semaphore, #tpu.memory_space<semaphore_mem>>)
        %dma_wait3A_76 = arith.constant 0 : i32
        %dma_wait3A_77 = tpu.memref_slice %arg7[%mul3A_67, %dma_wait3A_76] : memref<82x64xi32, #tpu.memory_space<vmem>> -> memref<1x64xi32, #tpu.memory_space<vmem>>
        %dma_wait3A_78 = tpu.memref_squeeze %dma_wait3A_77 : memref<1x64xi32, #tpu.memory_space<vmem>> -> memref<64xi32, #tpu.memory_space<vmem>>
        %dma_wait3A_79 = arith.constant 0 : i32
        %dma_wait3A_80 = arith.constant 0 : i32
        %dma_wait3A_81 = tpu.memref_slice %arg2[%dma_wait3A_79, %dma_wait3A_80] : memref<10000x128xf32, #tpu.memory_space<hbm>> -> memref<10000x128xf32, #tpu.memory_space<hbm>>
        tpu.wait_indirect_dma semaphore(%arg12 : memref<!tpu.dma_semaphore, #tpu.memory_space<semaphore_mem>>) src(%dma_wait3A_81 : memref<10000x128xf32, #tpu.memory_space<hbm>>) dst(%arg9 : memref<64x128xf32, #tpu.memory_space<vmem>>)
        "tpu.region"() ({
          %run_scoped3A = tpu.sem_alloc : memref<!tpu.dma_semaphore, #tpu.memory_space<semaphore_mem>>
          %dma_start3A_100 = arith.constant 0 : i32
          %dma_start3A_101 = tpu.memref_slice %arg8[%mul3A_67, %dma_start3A_100] : memref<80x64xi32, #tpu.memory_space<vmem>> -> memref<1x64xi32, #tpu.memory_space<vmem>>
          %dma_start3A_102 = tpu.memref_squeeze %dma_start3A_101 : memref<1x64xi32, #tpu.memory_space<vmem>> -> memref<64xi32, #tpu.memory_space<vmem>>
          %dma_start3A_103 = arith.constant 0 : i32
          %dma_start3A_104 = arith.constant 0 : i32
          %dma_start3A_105 = tpu.memref_slice %arg11[%dma_start3A_103, %dma_start3A_104] : memref<10240x128xf32, #tpu.memory_space<vmem_shared>> -> memref<10240x128xf32, #tpu.memory_space<vmem_shared>>
          tpu.enqueue_indirect_dma source(%arg9 : memref<64x128xf32, #tpu.memory_space<vmem>>) target(%dma_start3A_105 : memref<10240x128xf32, #tpu.memory_space<vmem_shared>>) offsets(%dma_start3A_102 : memref<64xi32, #tpu.memory_space<vmem>>) semaphore(%run_scoped3A : memref<!tpu.dma_semaphore, #tpu.memory_space<semaphore_mem>>) {add = true}
          %dma_wait3A_106 = arith.constant 0 : i32
          %dma_wait3A_107 = tpu.memref_slice %arg8[%mul3A_67, %dma_wait3A_106] : memref<80x64xi32, #tpu.memory_space<vmem>> -> memref<1x64xi32, #tpu.memory_space<vmem>>
          %dma_wait3A_108 = tpu.memref_squeeze %dma_wait3A_107 : memref<1x64xi32, #tpu.memory_space<vmem>> -> memref<64xi32, #tpu.memory_space<vmem>>
          %dma_wait3A_109 = arith.constant 0 : i32
          %dma_wait3A_110 = arith.constant 0 : i32
          %dma_wait3A_111 = tpu.memref_slice %arg11[%dma_wait3A_109, %dma_wait3A_110] : memref<10240x128xf32, #tpu.memory_space<vmem_shared>> -> memref<10240x128xf32, #tpu.memory_space<vmem_shared>>
          tpu.wait_indirect_dma semaphore(%run_scoped3A : memref<!tpu.dma_semaphore, #tpu.memory_space<semaphore_mem>>) src(%arg9 : memref<64x128xf32, #tpu.memory_space<vmem>>) dst(%dma_wait3A_111 : memref<10240x128xf32, #tpu.memory_space<vmem_shared>>)
          tpu.yield
        }) : () -> ()
        %add3A_82 = arith.constant 2 : i32
        %add3A_83 = arith.addi %mul3A_67, %add3A_82 : i32
        %dma_start3A_84 = arith.constant 0 : i32
        %dma_start3A_85 = tpu.memref_slice %arg7[%add3A_83, %dma_start3A_84] : memref<82x64xi32, #tpu.memory_space<vmem>> -> memref<1x64xi32, #tpu.memory_space<vmem>>
        %dma_start3A_86 = tpu.memref_squeeze %dma_start3A_85 : memref<1x64xi32, #tpu.memory_space<vmem>> -> memref<64xi32, #tpu.memory_space<vmem>>
        %dma_start3A_87 = arith.constant 0 : i32
        %dma_start3A_88 = arith.constant 0 : i32
        %dma_start3A_89 = tpu.memref_slice %arg2[%dma_start3A_87, %dma_start3A_88] : memref<10000x128xf32, #tpu.memory_space<hbm>> -> memref<10000x128xf32, #tpu.memory_space<hbm>>
        tpu.enqueue_indirect_dma source(%dma_start3A_89 : memref<10000x128xf32, #tpu.memory_space<hbm>>) target(%arg9 : memref<64x128xf32, #tpu.memory_space<vmem>>) offsets(%dma_start3A_86 : memref<64xi32, #tpu.memory_space<vmem>>) semaphore(%arg12 : memref<!tpu.dma_semaphore, #tpu.memory_space<semaphore_mem>>)
        %add3A_90 = arith.constant 1 : i32
        %add3A_91 = arith.addi %mul3A_67, %add3A_90 : i32
        %dma_wait3A_92 = arith.constant 0 : i32
        %dma_wait3A_93 = tpu.memref_slice %arg7[%add3A_91, %dma_wait3A_92] : memref<82x64xi32, #tpu.memory_space<vmem>> -> memref<1x64xi32, #tpu.memory_space<vmem>>
        %dma_wait3A_94 = tpu.memref_squeeze %dma_wait3A_93 : memref<1x64xi32, #tpu.memory_space<vmem>> -> memref<64xi32, #tpu.memory_space<vmem>>
        %dma_wait3A_95 = arith.constant 0 : i32
        %dma_wait3A_96 = arith.constant 0 : i32
        %dma_wait3A_97 = tpu.memref_slice %arg2[%dma_wait3A_95, %dma_wait3A_96] : memref<10000x128xf32, #tpu.memory_space<hbm>> -> memref<10000x128xf32, #tpu.memory_space<hbm>>
        tpu.wait_indirect_dma semaphore(%arg13 : memref<!tpu.dma_semaphore, #tpu.memory_space<semaphore_mem>>) src(%dma_wait3A_97 : memref<10000x128xf32, #tpu.memory_space<hbm>>) dst(%arg10 : memref<64x128xf32, #tpu.memory_space<vmem>>)
        %add3A_98 = arith.constant 1 : i32
        %add3A_99 = arith.addi %mul3A_67, %add3A_98 : i32
        "tpu.region"() ({
          %run_scoped3A = tpu.sem_alloc : memref<!tpu.dma_semaphore, #tpu.memory_space<semaphore_mem>>
          %dma_start3A_100 = arith.constant 0 : i32
          %dma_start3A_101 = tpu.memref_slice %arg8[%add3A_99, %dma_start3A_100] : memref<80x64xi32, #tpu.memory_space<vmem>> -> memref<1x64xi32, #tpu.memory_space<vmem>>
          %dma_start3A_102 = tpu.memref_squeeze %dma_start3A_101 : memref<1x64xi32, #tpu.memory_space<vmem>> -> memref<64xi32, #tpu.memory_space<vmem>>
          %dma_start3A_103 = arith.constant 0 : i32
          %dma_start3A_104 = arith.constant 0 : i32
          %dma_start3A_105 = tpu.memref_slice %arg11[%dma_start3A_103, %dma_start3A_104] : memref<10240x128xf32, #tpu.memory_space<vmem_shared>> -> memref<10240x128xf32, #tpu.memory_space<vmem_shared>>
          tpu.enqueue_indirect_dma source(%arg10 : memref<64x128xf32, #tpu.memory_space<vmem>>) target(%dma_start3A_105 : memref<10240x128xf32, #tpu.memory_space<vmem_shared>>) offsets(%dma_start3A_102 : memref<64xi32, #tpu.memory_space<vmem>>) semaphore(%run_scoped3A : memref<!tpu.dma_semaphore, #tpu.memory_space<semaphore_mem>>) {add = true}
          %dma_wait3A_106 = arith.constant 0 : i32
          %dma_wait3A_107 = tpu.memref_slice %arg8[%add3A_99, %dma_wait3A_106] : memref<80x64xi32, #tpu.memory_space<vmem>> -> memref<1x64xi32, #tpu.memory_space<vmem>>
          %dma_wait3A_108 = tpu.memref_squeeze %dma_wait3A_107 : memref<1x64xi32, #tpu.memory_space<vmem>> -> memref<64xi32, #tpu.memory_space<vmem>>
          %dma_wait3A_109 = arith.constant 0 : i32
          %dma_wait3A_110 = arith.constant 0 : i32
          %dma_wait3A_111 = tpu.memref_slice %arg11[%dma_wait3A_109, %dma_wait3A_110] : memref<10240x128xf32, #tpu.memory_space<vmem_shared>> -> memref<10240x128xf32, #tpu.memory_space<vmem_shared>>
          tpu.wait_indirect_dma semaphore(%run_scoped3A : memref<!tpu.dma_semaphore, #tpu.memory_space<semaphore_mem>>) src(%arg10 : memref<64x128xf32, #tpu.memory_space<vmem>>) dst(%dma_wait3A_111 : memref<10240x128xf32, #tpu.memory_space<vmem_shared>>)
          tpu.yield
        }) : () -> ()
      }
      %scan3A_58 = arith.constant 40 : i32
      %dma_wait3A = arith.constant 80 : i32
      %dma_wait3A_59 = arith.constant 0 : i32
      %dma_wait3A_60 = tpu.memref_slice %arg7[%dma_wait3A, %dma_wait3A_59] : memref<82x64xi32, #tpu.memory_space<vmem>> -> memref<1x64xi32, #tpu.memory_space<vmem>>
      %dma_wait3A_61 = tpu.memref_squeeze %dma_wait3A_60 : memref<1x64xi32, #tpu.memory_space<vmem>> -> memref<64xi32, #tpu.memory_space<vmem>>
      %dma_wait3A_62 = arith.constant 0 : i32
      %dma_wait3A_63 = arith.constant 0 : i32
      %dma_wait3A_64 = tpu.memref_slice %arg2[%dma_wait3A_62, %dma_wait3A_63] : memref<10000x128xf32, #tpu.memory_space<hbm>> -> memref<10000x128xf32, #tpu.memory_space<hbm>>
      tpu.wait_indirect_dma semaphore(%arg12 : memref<!tpu.dma_semaphore, #tpu.memory_space<semaphore_mem>>) src(%dma_wait3A_64 : memref<10000x128xf32, #tpu.memory_space<hbm>>) dst(%arg9 : memref<64x128xf32, #tpu.memory_space<vmem>>)
    }
    %scan3A_24 = arith.constant 2 : i32
    %barrier3A_25 = arith.constant 0 : index
    tpu.barrier barrier_id(%barrier3A_25)
    %add3A_26 = arith.constant 0 : i32
    %add3A_27 = arith.addi %mul3A_0, %add3A_26 : i32
    "tpu.region"() ({
      %run_scoped3A = tpu.sem_alloc : memref<!tpu.dma_semaphore, #tpu.memory_space<semaphore_mem>>
      %dma_start3A = arith.constant 0 : i32
      %dma_start3A_46 = tpu.memref_slice %arg11[%add3A_27, %dma_start3A] : memref<10240x128xf32, #tpu.memory_space<vmem_shared>> -> memref<64x128xf32, #tpu.memory_space<vmem_shared>>
      %dma_start3A_47 = arith.constant 0 : i32
      %dma_start3A_48 = tpu.memref_slice %arg11[%add3A_27, %dma_start3A_47] : memref<10240x128xf32, #tpu.memory_space<vmem_shared>> -> memref<64x128xf32, #tpu.memory_space<vmem_shared>>
      tpu.enqueue_dma source(%dma_start3A_48 : memref<64x128xf32, #tpu.memory_space<vmem_shared>>) target(%arg9 : memref<64x128xf32, #tpu.memory_space<vmem>>) target_semaphore(%run_scoped3A : memref<!tpu.dma_semaphore, #tpu.memory_space<semaphore_mem>>)
      %dma_wait3A = arith.constant 0 : i32
      %dma_wait3A_49 = tpu.memref_slice %arg11[%add3A_27, %dma_wait3A] : memref<10240x128xf32, #tpu.memory_space<vmem_shared>> -> memref<64x128xf32, #tpu.memory_space<vmem_shared>>
      %dma_wait3A_50 = arith.constant 0 : i32
      %dma_wait3A_51 = tpu.memref_slice %arg11[%add3A_27, %dma_wait3A_50] : memref<10240x128xf32, #tpu.memory_space<vmem_shared>> -> memref<64x128xf32, #tpu.memory_space<vmem_shared>>
      tpu.wait_dma2 semaphore(%run_scoped3A : memref<!tpu.dma_semaphore, #tpu.memory_space<semaphore_mem>>) src(%dma_wait3A_51 : memref<64x128xf32, #tpu.memory_space<vmem_shared>>) dst(%arg9 : memref<64x128xf32, #tpu.memory_space<vmem>>)
      tpu.yield
    }) : () -> ()
    "tpu.region"() ({
      %run_scoped3A = tpu.sem_alloc : memref<!tpu.dma_semaphore, #tpu.memory_space<semaphore_mem>>
      %dma_start3A = arith.constant 0 : i32
      %dma_start3A_46 = tpu.memref_slice %arg6[%arg0, %add3A_27, %dma_start3A] : memref<2x10240x128xf32, #tpu.memory_space<hbm>> -> memref<1x64x128xf32, #tpu.memory_space<hbm>>
      %dma_start3A_47 = tpu.memref_squeeze %dma_start3A_46 : memref<1x64x128xf32, #tpu.memory_space<hbm>> -> memref<64x128xf32, #tpu.memory_space<hbm>>
      %dma_start3A_48 = arith.constant 0 : i32
      %dma_start3A_49 = tpu.memref_slice %arg6[%arg0, %add3A_27, %dma_start3A_48] : memref<2x10240x128xf32, #tpu.memory_space<hbm>> -> memref<1x64x128xf32, #tpu.memory_space<hbm>>
      %dma_start3A_50 = tpu.memref_squeeze %dma_start3A_49 : memref<1x64x128xf32, #tpu.memory_space<hbm>> -> memref<64x128xf32, #tpu.memory_space<hbm>>
      tpu.enqueue_dma source(%arg9 : memref<64x128xf32, #tpu.memory_space<vmem>>) target(%dma_start3A_50 : memref<64x128xf32, #tpu.memory_space<hbm>>) target_semaphore(%run_scoped3A : memref<!tpu.dma_semaphore, #tpu.memory_space<semaphore_mem>>)
      %dma_wait3A = arith.constant 0 : i32
      %dma_wait3A_51 = tpu.memref_slice %arg6[%arg0, %add3A_27, %dma_wait3A] : memref<2x10240x128xf32, #tpu.memory_space<hbm>> -> memref<1x64x128xf32, #tpu.memory_space<hbm>>
      %dma_wait3A_52 = tpu.memref_squeeze %dma_wait3A_51 : memref<1x64x128xf32, #tpu.memory_space<hbm>> -> memref<64x128xf32, #tpu.memory_space<hbm>>
      %dma_wait3A_53 = arith.constant 0 : i32
      %dma_wait3A_54 = tpu.memref_slice %arg6[%arg0, %add3A_27, %dma_wait3A_53] : memref<2x10240x128xf32, #tpu.memory_space<hbm>> -> memref<1x64x128xf32, #tpu.memory_space<hbm>>
      %dma_wait3A_55 = tpu.memref_squeeze %dma_wait3A_54 : memref<1x64x128xf32, #tpu.memory_space<hbm>> -> memref<64x128xf32, #tpu.memory_space<hbm>>
      tpu.wait_dma2 semaphore(%run_scoped3A : memref<!tpu.dma_semaphore, #tpu.memory_space<semaphore_mem>>) src(%arg9 : memref<64x128xf32, #tpu.memory_space<vmem>>) dst(%dma_wait3A_55 : memref<64x128xf32, #tpu.memory_space<hbm>>)
      tpu.yield
    }) : () -> ()
    %add3A_28 = arith.constant 64 : i32
    %add3A_29 = arith.addi %mul3A_0, %add3A_28 : i32
    "tpu.region"() ({
      %run_scoped3A = tpu.sem_alloc : memref<!tpu.dma_semaphore, #tpu.memory_space<semaphore_mem>>
      %dma_start3A = arith.constant 0 : i32
      %dma_start3A_46 = tpu.memref_slice %arg11[%add3A_29, %dma_start3A] : memref<10240x128xf32, #tpu.memory_space<vmem_shared>> -> memref<64x128xf32, #tpu.memory_space<vmem_shared>>
      %dma_start3A_47 = arith.constant 0 : i32
      %dma_start3A_48 = tpu.memref_slice %arg11[%add3A_29, %dma_start3A_47] : memref<10240x128xf32, #tpu.memory_space<vmem_shared>> -> memref<64x128xf32, #tpu.memory_space<vmem_shared>>
      tpu.enqueue_dma source(%dma_start3A_48 : memref<64x128xf32, #tpu.memory_space<vmem_shared>>) target(%arg9 : memref<64x128xf32, #tpu.memory_space<vmem>>) target_semaphore(%run_scoped3A : memref<!tpu.dma_semaphore, #tpu.memory_space<semaphore_mem>>)
      %dma_wait3A = arith.constant 0 : i32
      %dma_wait3A_49 = tpu.memref_slice %arg11[%add3A_29, %dma_wait3A] : memref<10240x128xf32, #tpu.memory_space<vmem_shared>> -> memref<64x128xf32, #tpu.memory_space<vmem_shared>>
      %dma_wait3A_50 = arith.constant 0 : i32
      %dma_wait3A_51 = tpu.memref_slice %arg11[%add3A_29, %dma_wait3A_50] : memref<10240x128xf32, #tpu.memory_space<vmem_shared>> -> memref<64x128xf32, #tpu.memory_space<vmem_shared>>
      tpu.wait_dma2 semaphore(%run_scoped3A : memref<!tpu.dma_semaphore, #tpu.memory_space<semaphore_mem>>) src(%dma_wait3A_51 : memref<64x128xf32, #tpu.memory_space<vmem_shared>>) dst(%arg9 : memref<64x128xf32, #tpu.memory_space<vmem>>)
      tpu.yield
    }) : () -> ()
    "tpu.region"() ({
      %run_scoped3A = tpu.sem_alloc : memref<!tpu.dma_semaphore, #tpu.memory_space<semaphore_mem>>
      %dma_start3A = arith.constant 0 : i32
      %dma_start3A_46 = tpu.memref_slice %arg6[%arg0, %add3A_29, %dma_start3A] : memref<2x10240x128xf32, #tpu.memory_space<hbm>> -> memref<1x64x128xf32, #tpu.memory_space<hbm>>
      %dma_start3A_47 = tpu.memref_squeeze %dma_start3A_46 : memref<1x64x128xf32, #tpu.memory_space<hbm>> -> memref<64x128xf32, #tpu.memory_space<hbm>>
      %dma_start3A_48 = arith.constant 0 : i32
      %dma_start3A_49 = tpu.memref_slice %arg6[%arg0, %add3A_29, %dma_start3A_48] : memref<2x10240x128xf32, #tpu.memory_space<hbm>> -> memref<1x64x128xf32, #tpu.memory_space<hbm>>
      %dma_start3A_50 = tpu.memref_squeeze %dma_start3A_49 : memref<1x64x128xf32, #tpu.memory_space<hbm>> -> memref<64x128xf32, #tpu.memory_space<hbm>>
      tpu.enqueue_dma source(%arg9 : memref<64x128xf32, #tpu.memory_space<vmem>>) target(%dma_start3A_50 : memref<64x128xf32, #tpu.memory_space<hbm>>) target_semaphore(%run_scoped3A : memref<!tpu.dma_semaphore, #tpu.memory_space<semaphore_mem>>)
      %dma_wait3A = arith.constant 0 : i32
      %dma_wait3A_51 = tpu.memref_slice %arg6[%arg0, %add3A_29, %dma_wait3A] : memref<2x10240x128xf32, #tpu.memory_space<hbm>> -> memref<1x64x128xf32, #tpu.memory_space<hbm>>
      %dma_wait3A_52 = tpu.memref_squeeze %dma_wait3A_51 : memref<1x64x128xf32, #tpu.memory_space<hbm>> -> memref<64x128xf32, #tpu.memory_space<hbm>>
      %dma_wait3A_53 = arith.constant 0 : i32
      %dma_wait3A_54 = tpu.memref_slice %arg6[%arg0, %add3A_29, %dma_wait3A_53] : memref<2x10240x128xf32, #tpu.memory_space<hbm>> -> memref<1x64x128xf32, #tpu.memory_space<hbm>>
      %dma_wait3A_55 = tpu.memref_squeeze %dma_wait3A_54 : memref<1x64x128xf32, #tpu.memory_space<hbm>> -> memref<64x128xf32, #tpu.memory_space<hbm>>
      tpu.wait_dma2 semaphore(%run_scoped3A : memref<!tpu.dma_semaphore, #tpu.memory_space<semaphore_mem>>) src(%arg9 : memref<64x128xf32, #tpu.memory_space<vmem>>) dst(%dma_wait3A_55 : memref<64x128xf32, #tpu.memory_space<hbm>>)
      tpu.yield
    }) : () -> ()
    %add3A_30 = arith.constant 128 : i32
    %add3A_31 = arith.addi %mul3A_0, %add3A_30 : i32
    "tpu.region"() ({
      %run_scoped3A = tpu.sem_alloc : memref<!tpu.dma_semaphore, #tpu.memory_space<semaphore_mem>>
      %dma_start3A = arith.constant 0 : i32
      %dma_start3A_46 = tpu.memref_slice %arg11[%add3A_31, %dma_start3A] : memref<10240x128xf32, #tpu.memory_space<vmem_shared>> -> memref<64x128xf32, #tpu.memory_space<vmem_shared>>
      %dma_start3A_47 = arith.constant 0 : i32
      %dma_start3A_48 = tpu.memref_slice %arg11[%add3A_31, %dma_start3A_47] : memref<10240x128xf32, #tpu.memory_space<vmem_shared>> -> memref<64x128xf32, #tpu.memory_space<vmem_shared>>
      tpu.enqueue_dma source(%dma_start3A_48 : memref<64x128xf32, #tpu.memory_space<vmem_shared>>) target(%arg9 : memref<64x128xf32, #tpu.memory_space<vmem>>) target_semaphore(%run_scoped3A : memref<!tpu.dma_semaphore, #tpu.memory_space<semaphore_mem>>)
      %dma_wait3A = arith.constant 0 : i32
      %dma_wait3A_49 = tpu.memref_slice %arg11[%add3A_31, %dma_wait3A] : memref<10240x128xf32, #tpu.memory_space<vmem_shared>> -> memref<64x128xf32, #tpu.memory_space<vmem_shared>>
      %dma_wait3A_50 = arith.constant 0 : i32
      %dma_wait3A_51 = tpu.memref_slice %arg11[%add3A_31, %dma_wait3A_50] : memref<10240x128xf32, #tpu.memory_space<vmem_shared>> -> memref<64x128xf32, #tpu.memory_space<vmem_shared>>
      tpu.wait_dma2 semaphore(%run_scoped3A : memref<!tpu.dma_semaphore, #tpu.memory_space<semaphore_mem>>) src(%dma_wait3A_51 : memref<64x128xf32, #tpu.memory_space<vmem_shared>>) dst(%arg9 : memref<64x128xf32, #tpu.memory_space<vmem>>)
      tpu.yield
    }) : () -> ()
    "tpu.region"() ({
      %run_scoped3A = tpu.sem_alloc : memref<!tpu.dma_semaphore, #tpu.memory_space<semaphore_mem>>
      %dma_start3A = arith.constant 0 : i32
      %dma_start3A_46 = tpu.memref_slice %arg6[%arg0, %add3A_31, %dma_start3A] : memref<2x10240x128xf32, #tpu.memory_space<hbm>> -> memref<1x64x128xf32, #tpu.memory_space<hbm>>
      %dma_start3A_47 = tpu.memref_squeeze %dma_start3A_46 : memref<1x64x128xf32, #tpu.memory_space<hbm>> -> memref<64x128xf32, #tpu.memory_space<hbm>>
      %dma_start3A_48 = arith.constant 0 : i32
      %dma_start3A_49 = tpu.memref_slice %arg6[%arg0, %add3A_31, %dma_start3A_48] : memref<2x10240x128xf32, #tpu.memory_space<hbm>> -> memref<1x64x128xf32, #tpu.memory_space<hbm>>
      %dma_start3A_50 = tpu.memref_squeeze %dma_start3A_49 : memref<1x64x128xf32, #tpu.memory_space<hbm>> -> memref<64x128xf32, #tpu.memory_space<hbm>>
      tpu.enqueue_dma source(%arg9 : memref<64x128xf32, #tpu.memory_space<vmem>>) target(%dma_start3A_50 : memref<64x128xf32, #tpu.memory_space<hbm>>) target_semaphore(%run_scoped3A : memref<!tpu.dma_semaphore, #tpu.memory_space<semaphore_mem>>)
      %dma_wait3A = arith.constant 0 : i32
      %dma_wait3A_51 = tpu.memref_slice %arg6[%arg0, %add3A_31, %dma_wait3A] : memref<2x10240x128xf32, #tpu.memory_space<hbm>> -> memref<1x64x128xf32, #tpu.memory_space<hbm>>
      %dma_wait3A_52 = tpu.memref_squeeze %dma_wait3A_51 : memref<1x64x128xf32, #tpu.memory_space<hbm>> -> memref<64x128xf32, #tpu.memory_space<hbm>>
      %dma_wait3A_53 = arith.constant 0 : i32
      %dma_wait3A_54 = tpu.memref_slice %arg6[%arg0, %add3A_31, %dma_wait3A_53] : memref<2x10240x128xf32, #tpu.memory_space<hbm>> -> memref<1x64x128xf32, #tpu.memory_space<hbm>>
      %dma_wait3A_55 = tpu.memref_squeeze %dma_wait3A_54 : memref<1x64x128xf32, #tpu.memory_space<hbm>> -> memref<64x128xf32, #tpu.memory_space<hbm>>
      tpu.wait_dma2 semaphore(%run_scoped3A : memref<!tpu.dma_semaphore, #tpu.memory_space<semaphore_mem>>) src(%arg9 : memref<64x128xf32, #tpu.memory_space<vmem>>) dst(%dma_wait3A_55 : memref<64x128xf32, #tpu.memory_space<hbm>>)
      tpu.yield
    }) : () -> ()
    %add3A_32 = arith.constant 192 : i32
    %add3A_33 = arith.addi %mul3A_0, %add3A_32 : i32
    "tpu.region"() ({
      %run_scoped3A = tpu.sem_alloc : memref<!tpu.dma_semaphore, #tpu.memory_space<semaphore_mem>>
      %dma_start3A = arith.constant 0 : i32
      %dma_start3A_46 = tpu.memref_slice %arg11[%add3A_33, %dma_start3A] : memref<10240x128xf32, #tpu.memory_space<vmem_shared>> -> memref<64x128xf32, #tpu.memory_space<vmem_shared>>
      %dma_start3A_47 = arith.constant 0 : i32
      %dma_start3A_48 = tpu.memref_slice %arg11[%add3A_33, %dma_start3A_47] : memref<10240x128xf32, #tpu.memory_space<vmem_shared>> -> memref<64x128xf32, #tpu.memory_space<vmem_shared>>
      tpu.enqueue_dma source(%dma_start3A_48 : memref<64x128xf32, #tpu.memory_space<vmem_shared>>) target(%arg9 : memref<64x128xf32, #tpu.memory_space<vmem>>) target_semaphore(%run_scoped3A : memref<!tpu.dma_semaphore, #tpu.memory_space<semaphore_mem>>)
      %dma_wait3A = arith.constant 0 : i32
      %dma_wait3A_49 = tpu.memref_slice %arg11[%add3A_33, %dma_wait3A] : memref<10240x128xf32, #tpu.memory_space<vmem_shared>> -> memref<64x128xf32, #tpu.memory_space<vmem_shared>>
      %dma_wait3A_50 = arith.constant 0 : i32
      %dma_wait3A_51 = tpu.memref_slice %arg11[%add3A_33, %dma_wait3A_50] : memref<10240x128xf32, #tpu.memory_space<vmem_shared>> -> memref<64x128xf32, #tpu.memory_space<vmem_shared>>
      tpu.wait_dma2 semaphore(%run_scoped3A : memref<!tpu.dma_semaphore, #tpu.memory_space<semaphore_mem>>) src(%dma_wait3A_51 : memref<64x128xf32, #tpu.memory_space<vmem_shared>>) dst(%arg9 : memref<64x128xf32, #tpu.memory_space<vmem>>)
      tpu.yield
    }) : () -> ()
    "tpu.region"() ({
      %run_scoped3A = tpu.sem_alloc : memref<!tpu.dma_semaphore, #tpu.memory_space<semaphore_mem>>
      %dma_start3A = arith.constant 0 : i32
      %dma_start3A_46 = tpu.memref_slice %arg6[%arg0, %add3A_33, %dma_start3A] : memref<2x10240x128xf32, #tpu.memory_space<hbm>> -> memref<1x64x128xf32, #tpu.memory_space<hbm>>
      %dma_start3A_47 = tpu.memref_squeeze %dma_start3A_46 : memref<1x64x128xf32, #tpu.memory_space<hbm>> -> memref<64x128xf32, #tpu.memory_space<hbm>>
      %dma_start3A_48 = arith.constant 0 : i32
      %dma_start3A_49 = tpu.memref_slice %arg6[%arg0, %add3A_33, %dma_start3A_48] : memref<2x10240x128xf32, #tpu.memory_space<hbm>> -> memref<1x64x128xf32, #tpu.memory_space<hbm>>
      %dma_start3A_50 = tpu.memref_squeeze %dma_start3A_49 : memref<1x64x128xf32, #tpu.memory_space<hbm>> -> memref<64x128xf32, #tpu.memory_space<hbm>>
      tpu.enqueue_dma source(%arg9 : memref<64x128xf32, #tpu.memory_space<vmem>>) target(%dma_start3A_50 : memref<64x128xf32, #tpu.memory_space<hbm>>) target_semaphore(%run_scoped3A : memref<!tpu.dma_semaphore, #tpu.memory_space<semaphore_mem>>)
      %dma_wait3A = arith.constant 0 : i32
      %dma_wait3A_51 = tpu.memref_slice %arg6[%arg0, %add3A_33, %dma_wait3A] : memref<2x10240x128xf32, #tpu.memory_space<hbm>> -> memref<1x64x128xf32, #tpu.memory_space<hbm>>
      %dma_wait3A_52 = tpu.memref_squeeze %dma_wait3A_51 : memref<1x64x128xf32, #tpu.memory_space<hbm>> -> memref<64x128xf32, #tpu.memory_space<hbm>>
      %dma_wait3A_53 = arith.constant 0 : i32
      %dma_wait3A_54 = tpu.memref_slice %arg6[%arg0, %add3A_33, %dma_wait3A_53] : memref<2x10240x128xf32, #tpu.memory_space<hbm>> -> memref<1x64x128xf32, #tpu.memory_space<hbm>>
      %dma_wait3A_55 = tpu.memref_squeeze %dma_wait3A_54 : memref<1x64x128xf32, #tpu.memory_space<hbm>> -> memref<64x128xf32, #tpu.memory_space<hbm>>
      tpu.wait_dma2 semaphore(%run_scoped3A : memref<!tpu.dma_semaphore, #tpu.memory_space<semaphore_mem>>) src(%arg9 : memref<64x128xf32, #tpu.memory_space<vmem>>) dst(%dma_wait3A_55 : memref<64x128xf32, #tpu.memory_space<hbm>>)
      tpu.yield
    }) : () -> ()
    %add3A_34 = arith.constant 256 : i32
    %add3A_35 = arith.addi %mul3A_0, %add3A_34 : i32
    "tpu.region"() ({
      %run_scoped3A = tpu.sem_alloc : memref<!tpu.dma_semaphore, #tpu.memory_space<semaphore_mem>>
      %dma_start3A = arith.constant 0 : i32
      %dma_start3A_46 = tpu.memref_slice %arg11[%add3A_35, %dma_start3A] : memref<10240x128xf32, #tpu.memory_space<vmem_shared>> -> memref<64x128xf32, #tpu.memory_space<vmem_shared>>
      %dma_start3A_47 = arith.constant 0 : i32
      %dma_start3A_48 = tpu.memref_slice %arg11[%add3A_35, %dma_start3A_47] : memref<10240x128xf32, #tpu.memory_space<vmem_shared>> -> memref<64x128xf32, #tpu.memory_space<vmem_shared>>
      tpu.enqueue_dma source(%dma_start3A_48 : memref<64x128xf32, #tpu.memory_space<vmem_shared>>) target(%arg9 : memref<64x128xf32, #tpu.memory_space<vmem>>) target_semaphore(%run_scoped3A : memref<!tpu.dma_semaphore, #tpu.memory_space<semaphore_mem>>)
      %dma_wait3A = arith.constant 0 : i32
      %dma_wait3A_49 = tpu.memref_slice %arg11[%add3A_35, %dma_wait3A] : memref<10240x128xf32, #tpu.memory_space<vmem_shared>> -> memref<64x128xf32, #tpu.memory_space<vmem_shared>>
      %dma_wait3A_50 = arith.constant 0 : i32
      %dma_wait3A_51 = tpu.memref_slice %arg11[%add3A_35, %dma_wait3A_50] : memref<10240x128xf32, #tpu.memory_space<vmem_shared>> -> memref<64x128xf32, #tpu.memory_space<vmem_shared>>
      tpu.wait_dma2 semaphore(%run_scoped3A : memref<!tpu.dma_semaphore, #tpu.memory_space<semaphore_mem>>) src(%dma_wait3A_51 : memref<64x128xf32, #tpu.memory_space<vmem_shared>>) dst(%arg9 : memref<64x128xf32, #tpu.memory_space<vmem>>)
      tpu.yield
    }) : () -> ()
    "tpu.region"() ({
      %run_scoped3A = tpu.sem_alloc : memref<!tpu.dma_semaphore, #tpu.memory_space<semaphore_mem>>
      %dma_start3A = arith.constant 0 : i32
      %dma_start3A_46 = tpu.memref_slice %arg6[%arg0, %add3A_35, %dma_start3A] : memref<2x10240x128xf32, #tpu.memory_space<hbm>> -> memref<1x64x128xf32, #tpu.memory_space<hbm>>
      %dma_start3A_47 = tpu.memref_squeeze %dma_start3A_46 : memref<1x64x128xf32, #tpu.memory_space<hbm>> -> memref<64x128xf32, #tpu.memory_space<hbm>>
      %dma_start3A_48 = arith.constant 0 : i32
      %dma_start3A_49 = tpu.memref_slice %arg6[%arg0, %add3A_35, %dma_start3A_48] : memref<2x10240x128xf32, #tpu.memory_space<hbm>> -> memref<1x64x128xf32, #tpu.memory_space<hbm>>
      %dma_start3A_50 = tpu.memref_squeeze %dma_start3A_49 : memref<1x64x128xf32, #tpu.memory_space<hbm>> -> memref<64x128xf32, #tpu.memory_space<hbm>>
      tpu.enqueue_dma source(%arg9 : memref<64x128xf32, #tpu.memory_space<vmem>>) target(%dma_start3A_50 : memref<64x128xf32, #tpu.memory_space<hbm>>) target_semaphore(%run_scoped3A : memref<!tpu.dma_semaphore, #tpu.memory_space<semaphore_mem>>)
      %dma_wait3A = arith.constant 0 : i32
      %dma_wait3A_51 = tpu.memref_slice %arg6[%arg0, %add3A_35, %dma_wait3A] : memref<2x10240x128xf32, #tpu.memory_space<hbm>> -> memref<1x64x128xf32, #tpu.memory_space<hbm>>
      %dma_wait3A_52 = tpu.memref_squeeze %dma_wait3A_51 : memref<1x64x128xf32, #tpu.memory_space<hbm>> -> memref<64x128xf32, #tpu.memory_space<hbm>>
      %dma_wait3A_53 = arith.constant 0 : i32
      %dma_wait3A_54 = tpu.memref_slice %arg6[%arg0, %add3A_35, %dma_wait3A_53] : memref<2x10240x128xf32, #tpu.memory_space<hbm>> -> memref<1x64x128xf32, #tpu.memory_space<hbm>>
      %dma_wait3A_55 = tpu.memref_squeeze %dma_wait3A_54 : memref<1x64x128xf32, #tpu.memory_space<hbm>> -> memref<64x128xf32, #tpu.memory_space<hbm>>
      tpu.wait_dma2 semaphore(%run_scoped3A : memref<!tpu.dma_semaphore, #tpu.memory_space<semaphore_mem>>) src(%arg9 : memref<64x128xf32, #tpu.memory_space<vmem>>) dst(%dma_wait3A_55 : memref<64x128xf32, #tpu.memory_space<hbm>>)
      tpu.yield
    }) : () -> ()
    %add3A_36 = arith.constant 320 : i32
    %add3A_37 = arith.addi %mul3A_0, %add3A_36 : i32
    "tpu.region"() ({
      %run_scoped3A = tpu.sem_alloc : memref<!tpu.dma_semaphore, #tpu.memory_space<semaphore_mem>>
      %dma_start3A = arith.constant 0 : i32
      %dma_start3A_46 = tpu.memref_slice %arg11[%add3A_37, %dma_start3A] : memref<10240x128xf32, #tpu.memory_space<vmem_shared>> -> memref<64x128xf32, #tpu.memory_space<vmem_shared>>
      %dma_start3A_47 = arith.constant 0 : i32
      %dma_start3A_48 = tpu.memref_slice %arg11[%add3A_37, %dma_start3A_47] : memref<10240x128xf32, #tpu.memory_space<vmem_shared>> -> memref<64x128xf32, #tpu.memory_space<vmem_shared>>
      tpu.enqueue_dma source(%dma_start3A_48 : memref<64x128xf32, #tpu.memory_space<vmem_shared>>) target(%arg9 : memref<64x128xf32, #tpu.memory_space<vmem>>) target_semaphore(%run_scoped3A : memref<!tpu.dma_semaphore, #tpu.memory_space<semaphore_mem>>)
      %dma_wait3A = arith.constant 0 : i32
      %dma_wait3A_49 = tpu.memref_slice %arg11[%add3A_37, %dma_wait3A] : memref<10240x128xf32, #tpu.memory_space<vmem_shared>> -> memref<64x128xf32, #tpu.memory_space<vmem_shared>>
      %dma_wait3A_50 = arith.constant 0 : i32
      %dma_wait3A_51 = tpu.memref_slice %arg11[%add3A_37, %dma_wait3A_50] : memref<10240x128xf32, #tpu.memory_space<vmem_shared>> -> memref<64x128xf32, #tpu.memory_space<vmem_shared>>
      tpu.wait_dma2 semaphore(%run_scoped3A : memref<!tpu.dma_semaphore, #tpu.memory_space<semaphore_mem>>) src(%dma_wait3A_51 : memref<64x128xf32, #tpu.memory_space<vmem_shared>>) dst(%arg9 : memref<64x128xf32, #tpu.memory_space<vmem>>)
      tpu.yield
    }) : () -> ()
    "tpu.region"() ({
      %run_scoped3A = tpu.sem_alloc : memref<!tpu.dma_semaphore, #tpu.memory_space<semaphore_mem>>
      %dma_start3A = arith.constant 0 : i32
      %dma_start3A_46 = tpu.memref_slice %arg6[%arg0, %add3A_37, %dma_start3A] : memref<2x10240x128xf32, #tpu.memory_space<hbm>> -> memref<1x64x128xf32, #tpu.memory_space<hbm>>
      %dma_start3A_47 = tpu.memref_squeeze %dma_start3A_46 : memref<1x64x128xf32, #tpu.memory_space<hbm>> -> memref<64x128xf32, #tpu.memory_space<hbm>>
      %dma_start3A_48 = arith.constant 0 : i32
      %dma_start3A_49 = tpu.memref_slice %arg6[%arg0, %add3A_37, %dma_start3A_48] : memref<2x10240x128xf32, #tpu.memory_space<hbm>> -> memref<1x64x128xf32, #tpu.memory_space<hbm>>
      %dma_start3A_50 = tpu.memref_squeeze %dma_start3A_49 : memref<1x64x128xf32, #tpu.memory_space<hbm>> -> memref<64x128xf32, #tpu.memory_space<hbm>>
      tpu.enqueue_dma source(%arg9 : memref<64x128xf32, #tpu.memory_space<vmem>>) target(%dma_start3A_50 : memref<64x128xf32, #tpu.memory_space<hbm>>) target_semaphore(%run_scoped3A : memref<!tpu.dma_semaphore, #tpu.memory_space<semaphore_mem>>)
      %dma_wait3A = arith.constant 0 : i32
      %dma_wait3A_51 = tpu.memref_slice %arg6[%arg0, %add3A_37, %dma_wait3A] : memref<2x10240x128xf32, #tpu.memory_space<hbm>> -> memref<1x64x128xf32, #tpu.memory_space<hbm>>
      %dma_wait3A_52 = tpu.memref_squeeze %dma_wait3A_51 : memref<1x64x128xf32, #tpu.memory_space<hbm>> -> memref<64x128xf32, #tpu.memory_space<hbm>>
      %dma_wait3A_53 = arith.constant 0 : i32
      %dma_wait3A_54 = tpu.memref_slice %arg6[%arg0, %add3A_37, %dma_wait3A_53] : memref<2x10240x128xf32, #tpu.memory_space<hbm>> -> memref<1x64x128xf32, #tpu.memory_space<hbm>>
      %dma_wait3A_55 = tpu.memref_squeeze %dma_wait3A_54 : memref<1x64x128xf32, #tpu.memory_space<hbm>> -> memref<64x128xf32, #tpu.memory_space<hbm>>
      tpu.wait_dma2 semaphore(%run_scoped3A : memref<!tpu.dma_semaphore, #tpu.memory_space<semaphore_mem>>) src(%arg9 : memref<64x128xf32, #tpu.memory_space<vmem>>) dst(%dma_wait3A_55 : memref<64x128xf32, #tpu.memory_space<hbm>>)
      tpu.yield
    }) : () -> ()
    %add3A_38 = arith.constant 384 : i32
    %add3A_39 = arith.addi %mul3A_0, %add3A_38 : i32
    "tpu.region"() ({
      %run_scoped3A = tpu.sem_alloc : memref<!tpu.dma_semaphore, #tpu.memory_space<semaphore_mem>>
      %dma_start3A = arith.constant 0 : i32
      %dma_start3A_46 = tpu.memref_slice %arg11[%add3A_39, %dma_start3A] : memref<10240x128xf32, #tpu.memory_space<vmem_shared>> -> memref<64x128xf32, #tpu.memory_space<vmem_shared>>
      %dma_start3A_47 = arith.constant 0 : i32
      %dma_start3A_48 = tpu.memref_slice %arg11[%add3A_39, %dma_start3A_47] : memref<10240x128xf32, #tpu.memory_space<vmem_shared>> -> memref<64x128xf32, #tpu.memory_space<vmem_shared>>
      tpu.enqueue_dma source(%dma_start3A_48 : memref<64x128xf32, #tpu.memory_space<vmem_shared>>) target(%arg9 : memref<64x128xf32, #tpu.memory_space<vmem>>) target_semaphore(%run_scoped3A : memref<!tpu.dma_semaphore, #tpu.memory_space<semaphore_mem>>)
      %dma_wait3A = arith.constant 0 : i32
      %dma_wait3A_49 = tpu.memref_slice %arg11[%add3A_39, %dma_wait3A] : memref<10240x128xf32, #tpu.memory_space<vmem_shared>> -> memref<64x128xf32, #tpu.memory_space<vmem_shared>>
      %dma_wait3A_50 = arith.constant 0 : i32
      %dma_wait3A_51 = tpu.memref_slice %arg11[%add3A_39, %dma_wait3A_50] : memref<10240x128xf32, #tpu.memory_space<vmem_shared>> -> memref<64x128xf32, #tpu.memory_space<vmem_shared>>
      tpu.wait_dma2 semaphore(%run_scoped3A : memref<!tpu.dma_semaphore, #tpu.memory_space<semaphore_mem>>) src(%dma_wait3A_51 : memref<64x128xf32, #tpu.memory_space<vmem_shared>>) dst(%arg9 : memref<64x128xf32, #tpu.memory_space<vmem>>)
      tpu.yield
    }) : () -> ()
    "tpu.region"() ({
      %run_scoped3A = tpu.sem_alloc : memref<!tpu.dma_semaphore, #tpu.memory_space<semaphore_mem>>
      %dma_start3A = arith.constant 0 : i32
      %dma_start3A_46 = tpu.memref_slice %arg6[%arg0, %add3A_39, %dma_start3A] : memref<2x10240x128xf32, #tpu.memory_space<hbm>> -> memref<1x64x128xf32, #tpu.memory_space<hbm>>
      %dma_start3A_47 = tpu.memref_squeeze %dma_start3A_46 : memref<1x64x128xf32, #tpu.memory_space<hbm>> -> memref<64x128xf32, #tpu.memory_space<hbm>>
      %dma_start3A_48 = arith.constant 0 : i32
      %dma_start3A_49 = tpu.memref_slice %arg6[%arg0, %add3A_39, %dma_start3A_48] : memref<2x10240x128xf32, #tpu.memory_space<hbm>> -> memref<1x64x128xf32, #tpu.memory_space<hbm>>
      %dma_start3A_50 = tpu.memref_squeeze %dma_start3A_49 : memref<1x64x128xf32, #tpu.memory_space<hbm>> -> memref<64x128xf32, #tpu.memory_space<hbm>>
      tpu.enqueue_dma source(%arg9 : memref<64x128xf32, #tpu.memory_space<vmem>>) target(%dma_start3A_50 : memref<64x128xf32, #tpu.memory_space<hbm>>) target_semaphore(%run_scoped3A : memref<!tpu.dma_semaphore, #tpu.memory_space<semaphore_mem>>)
      %dma_wait3A = arith.constant 0 : i32
      %dma_wait3A_51 = tpu.memref_slice %arg6[%arg0, %add3A_39, %dma_wait3A] : memref<2x10240x128xf32, #tpu.memory_space<hbm>> -> memref<1x64x128xf32, #tpu.memory_space<hbm>>
      %dma_wait3A_52 = tpu.memref_squeeze %dma_wait3A_51 : memref<1x64x128xf32, #tpu.memory_space<hbm>> -> memref<64x128xf32, #tpu.memory_space<hbm>>
      %dma_wait3A_53 = arith.constant 0 : i32
      %dma_wait3A_54 = tpu.memref_slice %arg6[%arg0, %add3A_39, %dma_wait3A_53] : memref<2x10240x128xf32, #tpu.memory_space<hbm>> -> memref<1x64x128xf32, #tpu.memory_space<hbm>>
      %dma_wait3A_55 = tpu.memref_squeeze %dma_wait3A_54 : memref<1x64x128xf32, #tpu.memory_space<hbm>> -> memref<64x128xf32, #tpu.memory_space<hbm>>
      tpu.wait_dma2 semaphore(%run_scoped3A : memref<!tpu.dma_semaphore, #tpu.memory_space<semaphore_mem>>) src(%arg9 : memref<64x128xf32, #tpu.memory_space<vmem>>) dst(%dma_wait3A_55 : memref<64x128xf32, #tpu.memory_space<hbm>>)
      tpu.yield
    }) : () -> ()
    %add3A_40 = arith.constant 448 : i32
    %add3A_41 = arith.addi %mul3A_0, %add3A_40 : i32
    "tpu.region"() ({
      %run_scoped3A = tpu.sem_alloc : memref<!tpu.dma_semaphore, #tpu.memory_space<semaphore_mem>>
      %dma_start3A = arith.constant 0 : i32
      %dma_start3A_46 = tpu.memref_slice %arg11[%add3A_41, %dma_start3A] : memref<10240x128xf32, #tpu.memory_space<vmem_shared>> -> memref<64x128xf32, #tpu.memory_space<vmem_shared>>
      %dma_start3A_47 = arith.constant 0 : i32
      %dma_start3A_48 = tpu.memref_slice %arg11[%add3A_41, %dma_start3A_47] : memref<10240x128xf32, #tpu.memory_space<vmem_shared>> -> memref<64x128xf32, #tpu.memory_space<vmem_shared>>
      tpu.enqueue_dma source(%dma_start3A_48 : memref<64x128xf32, #tpu.memory_space<vmem_shared>>) target(%arg9 : memref<64x128xf32, #tpu.memory_space<vmem>>) target_semaphore(%run_scoped3A : memref<!tpu.dma_semaphore, #tpu.memory_space<semaphore_mem>>)
      %dma_wait3A = arith.constant 0 : i32
      %dma_wait3A_49 = tpu.memref_slice %arg11[%add3A_41, %dma_wait3A] : memref<10240x128xf32, #tpu.memory_space<vmem_shared>> -> memref<64x128xf32, #tpu.memory_space<vmem_shared>>
      %dma_wait3A_50 = arith.constant 0 : i32
      %dma_wait3A_51 = tpu.memref_slice %arg11[%add3A_41, %dma_wait3A_50] : memref<10240x128xf32, #tpu.memory_space<vmem_shared>> -> memref<64x128xf32, #tpu.memory_space<vmem_shared>>
      tpu.wait_dma2 semaphore(%run_scoped3A : memref<!tpu.dma_semaphore, #tpu.memory_space<semaphore_mem>>) src(%dma_wait3A_51 : memref<64x128xf32, #tpu.memory_space<vmem_shared>>) dst(%arg9 : memref<64x128xf32, #tpu.memory_space<vmem>>)
      tpu.yield
    }) : () -> ()
    "tpu.region"() ({
      %run_scoped3A = tpu.sem_alloc : memref<!tpu.dma_semaphore, #tpu.memory_space<semaphore_mem>>
      %dma_start3A = arith.constant 0 : i32
      %dma_start3A_46 = tpu.memref_slice %arg6[%arg0, %add3A_41, %dma_start3A] : memref<2x10240x128xf32, #tpu.memory_space<hbm>> -> memref<1x64x128xf32, #tpu.memory_space<hbm>>
      %dma_start3A_47 = tpu.memref_squeeze %dma_start3A_46 : memref<1x64x128xf32, #tpu.memory_space<hbm>> -> memref<64x128xf32, #tpu.memory_space<hbm>>
      %dma_start3A_48 = arith.constant 0 : i32
      %dma_start3A_49 = tpu.memref_slice %arg6[%arg0, %add3A_41, %dma_start3A_48] : memref<2x10240x128xf32, #tpu.memory_space<hbm>> -> memref<1x64x128xf32, #tpu.memory_space<hbm>>
      %dma_start3A_50 = tpu.memref_squeeze %dma_start3A_49 : memref<1x64x128xf32, #tpu.memory_space<hbm>> -> memref<64x128xf32, #tpu.memory_space<hbm>>
      tpu.enqueue_dma source(%arg9 : memref<64x128xf32, #tpu.memory_space<vmem>>) target(%dma_start3A_50 : memref<64x128xf32, #tpu.memory_space<hbm>>) target_semaphore(%run_scoped3A : memref<!tpu.dma_semaphore, #tpu.memory_space<semaphore_mem>>)
      %dma_wait3A = arith.constant 0 : i32
      %dma_wait3A_51 = tpu.memref_slice %arg6[%arg0, %add3A_41, %dma_wait3A] : memref<2x10240x128xf32, #tpu.memory_space<hbm>> -> memref<1x64x128xf32, #tpu.memory_space<hbm>>
      %dma_wait3A_52 = tpu.memref_squeeze %dma_wait3A_51 : memref<1x64x128xf32, #tpu.memory_space<hbm>> -> memref<64x128xf32, #tpu.memory_space<hbm>>
      %dma_wait3A_53 = arith.constant 0 : i32
      %dma_wait3A_54 = tpu.memref_slice %arg6[%arg0, %add3A_41, %dma_wait3A_53] : memref<2x10240x128xf32, #tpu.memory_space<hbm>> -> memref<1x64x128xf32, #tpu.memory_space<hbm>>
      %dma_wait3A_55 = tpu.memref_squeeze %dma_wait3A_54 : memref<1x64x128xf32, #tpu.memory_space<hbm>> -> memref<64x128xf32, #tpu.memory_space<hbm>>
      tpu.wait_dma2 semaphore(%run_scoped3A : memref<!tpu.dma_semaphore, #tpu.memory_space<semaphore_mem>>) src(%arg9 : memref<64x128xf32, #tpu.memory_space<vmem>>) dst(%dma_wait3A_55 : memref<64x128xf32, #tpu.memory_space<hbm>>)
      tpu.yield
    }) : () -> ()
    %add3A_42 = arith.constant 512 : i32
    %add3A_43 = arith.addi %mul3A_0, %add3A_42 : i32
    "tpu.region"() ({
      %run_scoped3A = tpu.sem_alloc : memref<!tpu.dma_semaphore, #tpu.memory_space<semaphore_mem>>
      %dma_start3A = arith.constant 0 : i32
      %dma_start3A_46 = tpu.memref_slice %arg11[%add3A_43, %dma_start3A] : memref<10240x128xf32, #tpu.memory_space<vmem_shared>> -> memref<64x128xf32, #tpu.memory_space<vmem_shared>>
      %dma_start3A_47 = arith.constant 0 : i32
      %dma_start3A_48 = tpu.memref_slice %arg11[%add3A_43, %dma_start3A_47] : memref<10240x128xf32, #tpu.memory_space<vmem_shared>> -> memref<64x128xf32, #tpu.memory_space<vmem_shared>>
      tpu.enqueue_dma source(%dma_start3A_48 : memref<64x128xf32, #tpu.memory_space<vmem_shared>>) target(%arg9 : memref<64x128xf32, #tpu.memory_space<vmem>>) target_semaphore(%run_scoped3A : memref<!tpu.dma_semaphore, #tpu.memory_space<semaphore_mem>>)
      %dma_wait3A = arith.constant 0 : i32
      %dma_wait3A_49 = tpu.memref_slice %arg11[%add3A_43, %dma_wait3A] : memref<10240x128xf32, #tpu.memory_space<vmem_shared>> -> memref<64x128xf32, #tpu.memory_space<vmem_shared>>
      %dma_wait3A_50 = arith.constant 0 : i32
      %dma_wait3A_51 = tpu.memref_slice %arg11[%add3A_43, %dma_wait3A_50] : memref<10240x128xf32, #tpu.memory_space<vmem_shared>> -> memref<64x128xf32, #tpu.memory_space<vmem_shared>>
      tpu.wait_dma2 semaphore(%run_scoped3A : memref<!tpu.dma_semaphore, #tpu.memory_space<semaphore_mem>>) src(%dma_wait3A_51 : memref<64x128xf32, #tpu.memory_space<vmem_shared>>) dst(%arg9 : memref<64x128xf32, #tpu.memory_space<vmem>>)
      tpu.yield
    }) : () -> ()
    "tpu.region"() ({
      %run_scoped3A = tpu.sem_alloc : memref<!tpu.dma_semaphore, #tpu.memory_space<semaphore_mem>>
      %dma_start3A = arith.constant 0 : i32
      %dma_start3A_46 = tpu.memref_slice %arg6[%arg0, %add3A_43, %dma_start3A] : memref<2x10240x128xf32, #tpu.memory_space<hbm>> -> memref<1x64x128xf32, #tpu.memory_space<hbm>>
      %dma_start3A_47 = tpu.memref_squeeze %dma_start3A_46 : memref<1x64x128xf32, #tpu.memory_space<hbm>> -> memref<64x128xf32, #tpu.memory_space<hbm>>
      %dma_start3A_48 = arith.constant 0 : i32
      %dma_start3A_49 = tpu.memref_slice %arg6[%arg0, %add3A_43, %dma_start3A_48] : memref<2x10240x128xf32, #tpu.memory_space<hbm>> -> memref<1x64x128xf32, #tpu.memory_space<hbm>>
      %dma_start3A_50 = tpu.memref_squeeze %dma_start3A_49 : memref<1x64x128xf32, #tpu.memory_space<hbm>> -> memref<64x128xf32, #tpu.memory_space<hbm>>
      tpu.enqueue_dma source(%arg9 : memref<64x128xf32, #tpu.memory_space<vmem>>) target(%dma_start3A_50 : memref<64x128xf32, #tpu.memory_space<hbm>>) target_semaphore(%run_scoped3A : memref<!tpu.dma_semaphore, #tpu.memory_space<semaphore_mem>>)
      %dma_wait3A = arith.constant 0 : i32
      %dma_wait3A_51 = tpu.memref_slice %arg6[%arg0, %add3A_43, %dma_wait3A] : memref<2x10240x128xf32, #tpu.memory_space<hbm>> -> memref<1x64x128xf32, #tpu.memory_space<hbm>>
      %dma_wait3A_52 = tpu.memref_squeeze %dma_wait3A_51 : memref<1x64x128xf32, #tpu.memory_space<hbm>> -> memref<64x128xf32, #tpu.memory_space<hbm>>
      %dma_wait3A_53 = arith.constant 0 : i32
      %dma_wait3A_54 = tpu.memref_slice %arg6[%arg0, %add3A_43, %dma_wait3A_53] : memref<2x10240x128xf32, #tpu.memory_space<hbm>> -> memref<1x64x128xf32, #tpu.memory_space<hbm>>
      %dma_wait3A_55 = tpu.memref_squeeze %dma_wait3A_54 : memref<1x64x128xf32, #tpu.memory_space<hbm>> -> memref<64x128xf32, #tpu.memory_space<hbm>>
      tpu.wait_dma2 semaphore(%run_scoped3A : memref<!tpu.dma_semaphore, #tpu.memory_space<semaphore_mem>>) src(%arg9 : memref<64x128xf32, #tpu.memory_space<vmem>>) dst(%dma_wait3A_55 : memref<64x128xf32, #tpu.memory_space<hbm>>)
      tpu.yield
    }) : () -> ()
    %add3A_44 = arith.constant 576 : i32
    %add3A_45 = arith.addi %mul3A_0, %add3A_44 : i32
    "tpu.region"() ({
      %run_scoped3A = tpu.sem_alloc : memref<!tpu.dma_semaphore, #tpu.memory_space<semaphore_mem>>
      %dma_start3A = arith.constant 0 : i32
      %dma_start3A_46 = tpu.memref_slice %arg11[%add3A_45, %dma_start3A] : memref<10240x128xf32, #tpu.memory_space<vmem_shared>> -> memref<64x128xf32, #tpu.memory_space<vmem_shared>>
      %dma_start3A_47 = arith.constant 0 : i32
      %dma_start3A_48 = tpu.memref_slice %arg11[%add3A_45, %dma_start3A_47] : memref<10240x128xf32, #tpu.memory_space<vmem_shared>> -> memref<64x128xf32, #tpu.memory_space<vmem_shared>>
      tpu.enqueue_dma source(%dma_start3A_48 : memref<64x128xf32, #tpu.memory_space<vmem_shared>>) target(%arg9 : memref<64x128xf32, #tpu.memory_space<vmem>>) target_semaphore(%run_scoped3A : memref<!tpu.dma_semaphore, #tpu.memory_space<semaphore_mem>>)
      %dma_wait3A = arith.constant 0 : i32
      %dma_wait3A_49 = tpu.memref_slice %arg11[%add3A_45, %dma_wait3A] : memref<10240x128xf32, #tpu.memory_space<vmem_shared>> -> memref<64x128xf32, #tpu.memory_space<vmem_shared>>
      %dma_wait3A_50 = arith.constant 0 : i32
      %dma_wait3A_51 = tpu.memref_slice %arg11[%add3A_45, %dma_wait3A_50] : memref<10240x128xf32, #tpu.memory_space<vmem_shared>> -> memref<64x128xf32, #tpu.memory_space<vmem_shared>>
      tpu.wait_dma2 semaphore(%run_scoped3A : memref<!tpu.dma_semaphore, #tpu.memory_space<semaphore_mem>>) src(%dma_wait3A_51 : memref<64x128xf32, #tpu.memory_space<vmem_shared>>) dst(%arg9 : memref<64x128xf32, #tpu.memory_space<vmem>>)
      tpu.yield
    }) : () -> ()
    "tpu.region"() ({
      %run_scoped3A = tpu.sem_alloc : memref<!tpu.dma_semaphore, #tpu.memory_space<semaphore_mem>>
      %dma_start3A = arith.constant 0 : i32
      %dma_start3A_46 = tpu.memref_slice %arg6[%arg0, %add3A_45, %dma_start3A] : memref<2x10240x128xf32, #tpu.memory_space<hbm>> -> memref<1x64x128xf32, #tpu.memory_space<hbm>>
      %dma_start3A_47 = tpu.memref_squeeze %dma_start3A_46 : memref<1x64x128xf32, #tpu.memory_space<hbm>> -> memref<64x128xf32, #tpu.memory_space<hbm>>
      %dma_start3A_48 = arith.constant 0 : i32
      %dma_start3A_49 = tpu.memref_slice %arg6[%arg0, %add3A_45, %dma_start3A_48] : memref<2x10240x128xf32, #tpu.memory_space<hbm>> -> memref<1x64x128xf32, #tpu.memory_space<hbm>>
      %dma_start3A_50 = tpu.memref_squeeze %dma_start3A_49 : memref<1x64x128xf32, #tpu.memory_space<hbm>> -> memref<64x128xf32, #tpu.memory_space<hbm>>
      tpu.enqueue_dma source(%arg9 : memref<64x128xf32, #tpu.memory_space<vmem>>) target(%dma_start3A_50 : memref<64x128xf32, #tpu.memory_space<hbm>>) target_semaphore(%run_scoped3A : memref<!tpu.dma_semaphore, #tpu.memory_space<semaphore_mem>>)
      %dma_wait3A = arith.constant 0 : i32
      %dma_wait3A_51 = tpu.memref_slice %arg6[%arg0, %add3A_45, %dma_wait3A] : memref<2x10240x128xf32, #tpu.memory_space<hbm>> -> memref<1x64x128xf32, #tpu.memory_space<hbm>>
      %dma_wait3A_52 = tpu.memref_squeeze %dma_wait3A_51 : memref<1x64x128xf32, #tpu.memory_space<hbm>> -> memref<64x128xf32, #tpu.memory_space<hbm>>
      %dma_wait3A_53 = arith.constant 0 : i32
      %dma_wait3A_54 = tpu.memref_slice %arg6[%arg0, %add3A_45, %dma_wait3A_53] : memref<2x10240x128xf32, #tpu.memory_space<hbm>> -> memref<1x64x128xf32, #tpu.memory_space<hbm>>
      %dma_wait3A_55 = tpu.memref_squeeze %dma_wait3A_54 : memref<1x64x128xf32, #tpu.memory_space<hbm>> -> memref<64x128xf32, #tpu.memory_space<hbm>>
      tpu.wait_dma2 semaphore(%run_scoped3A : memref<!tpu.dma_semaphore, #tpu.memory_space<semaphore_mem>>) src(%arg9 : memref<64x128xf32, #tpu.memory_space<vmem>>) dst(%dma_wait3A_55 : memref<64x128xf32, #tpu.memory_space<hbm>>)
      tpu.yield
    }) : () -> ()
    return
  }
}

#map = affine_map<(d0, d1) -> (0, 0)>
#map1 = affine_map<(d0, d1) -> (0, 0, 0, 0, 0)>
#map2 = affine_map<(d0, d1) -> (0, 0, 0)>
module attributes {stable_mosaic.version = 14 : i64} {
  func.func @_sc_cnt_agg_body(%arg0: i32, %arg1: i32, %arg2: memref<10000x128xf32, #tpu.memory_space<hbm>>, %arg3: memref<2x16x2x82x64xi32, #tpu.memory_space<hbm>>, %arg4: memref<2x16x2x80x64xi32, #tpu.memory_space<hbm>>, %arg5: memref<64x128xf32, #tpu.memory_space<hbm>>, %arg6: memref<64x128xf32, #tpu.memory_space<hbm>>, %arg7: memref<2x10240x128xf32, #tpu.memory_space<hbm>>, %arg8: memref<2x10240x128xf32, #tpu.memory_space<hbm>>, %arg9: memref<82x64xi32, #tpu.memory_space<vmem>>, %arg10: memref<80x64xi32, #tpu.memory_space<vmem>>, %arg11: memref<64x128xf32, #tpu.memory_space<vmem>>, %arg12: memref<64x128xf32, #tpu.memory_space<vmem>>, %arg13: memref<10240x128xf32, #tpu.memory_space<vmem_shared>>, %arg14: memref<!tpu.dma_semaphore, #tpu.memory_space<semaphore_mem>>, %arg15: memref<!tpu.dma_semaphore, #tpu.memory_space<semaphore_mem>>) attributes {dimension_semantics = [#tpu.dimension_semantics<core_parallel>, #tpu.dimension_semantics<subcore_parallel>], iteration_bounds = array<i64: 2, 16>, scalar_prefetch = 0 : i64, scratch_operands = 7 : i64, tpu.core_type = #tpu.core_type<sc_vector_subcore>, window_params = [{transform_indices = #map}, {transform_indices = #map1}, {transform_indices = #map1}, {transform_indices = #map}, {transform_indices = #map}, {transform_indices = #map2}, {transform_indices = #map2}]} {
    %mul3A = arith.constant 640 : i32
    %mul3A_0 = arith.muli %arg1, %mul3A : i32
    "tpu.region"() ({
      %run_scoped3A = tpu.sem_alloc : memref<!tpu.dma_semaphore, #tpu.memory_space<semaphore_mem>>
      tpu.enqueue_dma source(%arg5 : memref<64x128xf32, #tpu.memory_space<hbm>>) target(%arg11 : memref<64x128xf32, #tpu.memory_space<vmem>>) target_semaphore(%run_scoped3A : memref<!tpu.dma_semaphore, #tpu.memory_space<semaphore_mem>>)
      tpu.wait_dma2 semaphore(%run_scoped3A : memref<!tpu.dma_semaphore, #tpu.memory_space<semaphore_mem>>) src(%arg5 : memref<64x128xf32, #tpu.memory_space<hbm>>) dst(%arg11 : memref<64x128xf32, #tpu.memory_space<vmem>>)
      tpu.yield
    }) : () -> ()
    %add3A = arith.constant 0 : i32
    %add3A_1 = arith.addi %mul3A_0, %add3A : i32
    "tpu.region"() ({
      %run_scoped3A = tpu.sem_alloc : memref<!tpu.dma_semaphore, #tpu.memory_space<semaphore_mem>>
      %dma_start3A = arith.constant 0 : i32
      %dma_start3A_94 = tpu.memref_slice %arg13[%add3A_1, %dma_start3A] : memref<10240x128xf32, #tpu.memory_space<vmem_shared>> -> memref<64x128xf32, #tpu.memory_space<vmem_shared>>
      %dma_start3A_95 = arith.constant 0 : i32
      %dma_start3A_96 = tpu.memref_slice %arg13[%add3A_1, %dma_start3A_95] : memref<10240x128xf32, #tpu.memory_space<vmem_shared>> -> memref<64x128xf32, #tpu.memory_space<vmem_shared>>
      tpu.enqueue_dma source(%arg11 : memref<64x128xf32, #tpu.memory_space<vmem>>) target(%dma_start3A_96 : memref<64x128xf32, #tpu.memory_space<vmem_shared>>) target_semaphore(%run_scoped3A : memref<!tpu.dma_semaphore, #tpu.memory_space<semaphore_mem>>)
      %dma_wait3A = arith.constant 0 : i32
      %dma_wait3A_97 = tpu.memref_slice %arg13[%add3A_1, %dma_wait3A] : memref<10240x128xf32, #tpu.memory_space<vmem_shared>> -> memref<64x128xf32, #tpu.memory_space<vmem_shared>>
      %dma_wait3A_98 = arith.constant 0 : i32
      %dma_wait3A_99 = tpu.memref_slice %arg13[%add3A_1, %dma_wait3A_98] : memref<10240x128xf32, #tpu.memory_space<vmem_shared>> -> memref<64x128xf32, #tpu.memory_space<vmem_shared>>
      tpu.wait_dma2 semaphore(%run_scoped3A : memref<!tpu.dma_semaphore, #tpu.memory_space<semaphore_mem>>) src(%arg11 : memref<64x128xf32, #tpu.memory_space<vmem>>) dst(%dma_wait3A_99 : memref<64x128xf32, #tpu.memory_space<vmem_shared>>)
      tpu.yield
    }) : () -> ()
    %add3A_2 = arith.constant 64 : i32
    %add3A_3 = arith.addi %mul3A_0, %add3A_2 : i32
    "tpu.region"() ({
      %run_scoped3A = tpu.sem_alloc : memref<!tpu.dma_semaphore, #tpu.memory_space<semaphore_mem>>
      %dma_start3A = arith.constant 0 : i32
      %dma_start3A_94 = tpu.memref_slice %arg13[%add3A_3, %dma_start3A] : memref<10240x128xf32, #tpu.memory_space<vmem_shared>> -> memref<64x128xf32, #tpu.memory_space<vmem_shared>>
      %dma_start3A_95 = arith.constant 0 : i32
      %dma_start3A_96 = tpu.memref_slice %arg13[%add3A_3, %dma_start3A_95] : memref<10240x128xf32, #tpu.memory_space<vmem_shared>> -> memref<64x128xf32, #tpu.memory_space<vmem_shared>>
      tpu.enqueue_dma source(%arg11 : memref<64x128xf32, #tpu.memory_space<vmem>>) target(%dma_start3A_96 : memref<64x128xf32, #tpu.memory_space<vmem_shared>>) target_semaphore(%run_scoped3A : memref<!tpu.dma_semaphore, #tpu.memory_space<semaphore_mem>>)
      %dma_wait3A = arith.constant 0 : i32
      %dma_wait3A_97 = tpu.memref_slice %arg13[%add3A_3, %dma_wait3A] : memref<10240x128xf32, #tpu.memory_space<vmem_shared>> -> memref<64x128xf32, #tpu.memory_space<vmem_shared>>
      %dma_wait3A_98 = arith.constant 0 : i32
      %dma_wait3A_99 = tpu.memref_slice %arg13[%add3A_3, %dma_wait3A_98] : memref<10240x128xf32, #tpu.memory_space<vmem_shared>> -> memref<64x128xf32, #tpu.memory_space<vmem_shared>>
      tpu.wait_dma2 semaphore(%run_scoped3A : memref<!tpu.dma_semaphore, #tpu.memory_space<semaphore_mem>>) src(%arg11 : memref<64x128xf32, #tpu.memory_space<vmem>>) dst(%dma_wait3A_99 : memref<64x128xf32, #tpu.memory_space<vmem_shared>>)
      tpu.yield
    }) : () -> ()
    %add3A_4 = arith.constant 128 : i32
    %add3A_5 = arith.addi %mul3A_0, %add3A_4 : i32
    "tpu.region"() ({
      %run_scoped3A = tpu.sem_alloc : memref<!tpu.dma_semaphore, #tpu.memory_space<semaphore_mem>>
      %dma_start3A = arith.constant 0 : i32
      %dma_start3A_94 = tpu.memref_slice %arg13[%add3A_5, %dma_start3A] : memref<10240x128xf32, #tpu.memory_space<vmem_shared>> -> memref<64x128xf32, #tpu.memory_space<vmem_shared>>
      %dma_start3A_95 = arith.constant 0 : i32
      %dma_start3A_96 = tpu.memref_slice %arg13[%add3A_5, %dma_start3A_95] : memref<10240x128xf32, #tpu.memory_space<vmem_shared>> -> memref<64x128xf32, #tpu.memory_space<vmem_shared>>
      tpu.enqueue_dma source(%arg11 : memref<64x128xf32, #tpu.memory_space<vmem>>) target(%dma_start3A_96 : memref<64x128xf32, #tpu.memory_space<vmem_shared>>) target_semaphore(%run_scoped3A : memref<!tpu.dma_semaphore, #tpu.memory_space<semaphore_mem>>)
      %dma_wait3A = arith.constant 0 : i32
      %dma_wait3A_97 = tpu.memref_slice %arg13[%add3A_5, %dma_wait3A] : memref<10240x128xf32, #tpu.memory_space<vmem_shared>> -> memref<64x128xf32, #tpu.memory_space<vmem_shared>>
      %dma_wait3A_98 = arith.constant 0 : i32
      %dma_wait3A_99 = tpu.memref_slice %arg13[%add3A_5, %dma_wait3A_98] : memref<10240x128xf32, #tpu.memory_space<vmem_shared>> -> memref<64x128xf32, #tpu.memory_space<vmem_shared>>
      tpu.wait_dma2 semaphore(%run_scoped3A : memref<!tpu.dma_semaphore, #tpu.memory_space<semaphore_mem>>) src(%arg11 : memref<64x128xf32, #tpu.memory_space<vmem>>) dst(%dma_wait3A_99 : memref<64x128xf32, #tpu.memory_space<vmem_shared>>)
      tpu.yield
    }) : () -> ()
    %add3A_6 = arith.constant 192 : i32
    %add3A_7 = arith.addi %mul3A_0, %add3A_6 : i32
    "tpu.region"() ({
      %run_scoped3A = tpu.sem_alloc : memref<!tpu.dma_semaphore, #tpu.memory_space<semaphore_mem>>
      %dma_start3A = arith.constant 0 : i32
      %dma_start3A_94 = tpu.memref_slice %arg13[%add3A_7, %dma_start3A] : memref<10240x128xf32, #tpu.memory_space<vmem_shared>> -> memref<64x128xf32, #tpu.memory_space<vmem_shared>>
      %dma_start3A_95 = arith.constant 0 : i32
      %dma_start3A_96 = tpu.memref_slice %arg13[%add3A_7, %dma_start3A_95] : memref<10240x128xf32, #tpu.memory_space<vmem_shared>> -> memref<64x128xf32, #tpu.memory_space<vmem_shared>>
      tpu.enqueue_dma source(%arg11 : memref<64x128xf32, #tpu.memory_space<vmem>>) target(%dma_start3A_96 : memref<64x128xf32, #tpu.memory_space<vmem_shared>>) target_semaphore(%run_scoped3A : memref<!tpu.dma_semaphore, #tpu.memory_space<semaphore_mem>>)
      %dma_wait3A = arith.constant 0 : i32
      %dma_wait3A_97 = tpu.memref_slice %arg13[%add3A_7, %dma_wait3A] : memref<10240x128xf32, #tpu.memory_space<vmem_shared>> -> memref<64x128xf32, #tpu.memory_space<vmem_shared>>
      %dma_wait3A_98 = arith.constant 0 : i32
      %dma_wait3A_99 = tpu.memref_slice %arg13[%add3A_7, %dma_wait3A_98] : memref<10240x128xf32, #tpu.memory_space<vmem_shared>> -> memref<64x128xf32, #tpu.memory_space<vmem_shared>>
      tpu.wait_dma2 semaphore(%run_scoped3A : memref<!tpu.dma_semaphore, #tpu.memory_space<semaphore_mem>>) src(%arg11 : memref<64x128xf32, #tpu.memory_space<vmem>>) dst(%dma_wait3A_99 : memref<64x128xf32, #tpu.memory_space<vmem_shared>>)
      tpu.yield
    }) : () -> ()
    %add3A_8 = arith.constant 256 : i32
    %add3A_9 = arith.addi %mul3A_0, %add3A_8 : i32
    "tpu.region"() ({
      %run_scoped3A = tpu.sem_alloc : memref<!tpu.dma_semaphore, #tpu.memory_space<semaphore_mem>>
      %dma_start3A = arith.constant 0 : i32
      %dma_start3A_94 = tpu.memref_slice %arg13[%add3A_9, %dma_start3A] : memref<10240x128xf32, #tpu.memory_space<vmem_shared>> -> memref<64x128xf32, #tpu.memory_space<vmem_shared>>
      %dma_start3A_95 = arith.constant 0 : i32
      %dma_start3A_96 = tpu.memref_slice %arg13[%add3A_9, %dma_start3A_95] : memref<10240x128xf32, #tpu.memory_space<vmem_shared>> -> memref<64x128xf32, #tpu.memory_space<vmem_shared>>
      tpu.enqueue_dma source(%arg11 : memref<64x128xf32, #tpu.memory_space<vmem>>) target(%dma_start3A_96 : memref<64x128xf32, #tpu.memory_space<vmem_shared>>) target_semaphore(%run_scoped3A : memref<!tpu.dma_semaphore, #tpu.memory_space<semaphore_mem>>)
      %dma_wait3A = arith.constant 0 : i32
      %dma_wait3A_97 = tpu.memref_slice %arg13[%add3A_9, %dma_wait3A] : memref<10240x128xf32, #tpu.memory_space<vmem_shared>> -> memref<64x128xf32, #tpu.memory_space<vmem_shared>>
      %dma_wait3A_98 = arith.constant 0 : i32
      %dma_wait3A_99 = tpu.memref_slice %arg13[%add3A_9, %dma_wait3A_98] : memref<10240x128xf32, #tpu.memory_space<vmem_shared>> -> memref<64x128xf32, #tpu.memory_space<vmem_shared>>
      tpu.wait_dma2 semaphore(%run_scoped3A : memref<!tpu.dma_semaphore, #tpu.memory_space<semaphore_mem>>) src(%arg11 : memref<64x128xf32, #tpu.memory_space<vmem>>) dst(%dma_wait3A_99 : memref<64x128xf32, #tpu.memory_space<vmem_shared>>)
      tpu.yield
    }) : () -> ()
    %add3A_10 = arith.constant 320 : i32
    %add3A_11 = arith.addi %mul3A_0, %add3A_10 : i32
    "tpu.region"() ({
      %run_scoped3A = tpu.sem_alloc : memref<!tpu.dma_semaphore, #tpu.memory_space<semaphore_mem>>
      %dma_start3A = arith.constant 0 : i32
      %dma_start3A_94 = tpu.memref_slice %arg13[%add3A_11, %dma_start3A] : memref<10240x128xf32, #tpu.memory_space<vmem_shared>> -> memref<64x128xf32, #tpu.memory_space<vmem_shared>>
      %dma_start3A_95 = arith.constant 0 : i32
      %dma_start3A_96 = tpu.memref_slice %arg13[%add3A_11, %dma_start3A_95] : memref<10240x128xf32, #tpu.memory_space<vmem_shared>> -> memref<64x128xf32, #tpu.memory_space<vmem_shared>>
      tpu.enqueue_dma source(%arg11 : memref<64x128xf32, #tpu.memory_space<vmem>>) target(%dma_start3A_96 : memref<64x128xf32, #tpu.memory_space<vmem_shared>>) target_semaphore(%run_scoped3A : memref<!tpu.dma_semaphore, #tpu.memory_space<semaphore_mem>>)
      %dma_wait3A = arith.constant 0 : i32
      %dma_wait3A_97 = tpu.memref_slice %arg13[%add3A_11, %dma_wait3A] : memref<10240x128xf32, #tpu.memory_space<vmem_shared>> -> memref<64x128xf32, #tpu.memory_space<vmem_shared>>
      %dma_wait3A_98 = arith.constant 0 : i32
      %dma_wait3A_99 = tpu.memref_slice %arg13[%add3A_11, %dma_wait3A_98] : memref<10240x128xf32, #tpu.memory_space<vmem_shared>> -> memref<64x128xf32, #tpu.memory_space<vmem_shared>>
      tpu.wait_dma2 semaphore(%run_scoped3A : memref<!tpu.dma_semaphore, #tpu.memory_space<semaphore_mem>>) src(%arg11 : memref<64x128xf32, #tpu.memory_space<vmem>>) dst(%dma_wait3A_99 : memref<64x128xf32, #tpu.memory_space<vmem_shared>>)
      tpu.yield
    }) : () -> ()
    %add3A_12 = arith.constant 384 : i32
    %add3A_13 = arith.addi %mul3A_0, %add3A_12 : i32
    "tpu.region"() ({
      %run_scoped3A = tpu.sem_alloc : memref<!tpu.dma_semaphore, #tpu.memory_space<semaphore_mem>>
      %dma_start3A = arith.constant 0 : i32
      %dma_start3A_94 = tpu.memref_slice %arg13[%add3A_13, %dma_start3A] : memref<10240x128xf32, #tpu.memory_space<vmem_shared>> -> memref<64x128xf32, #tpu.memory_space<vmem_shared>>
      %dma_start3A_95 = arith.constant 0 : i32
      %dma_start3A_96 = tpu.memref_slice %arg13[%add3A_13, %dma_start3A_95] : memref<10240x128xf32, #tpu.memory_space<vmem_shared>> -> memref<64x128xf32, #tpu.memory_space<vmem_shared>>
      tpu.enqueue_dma source(%arg11 : memref<64x128xf32, #tpu.memory_space<vmem>>) target(%dma_start3A_96 : memref<64x128xf32, #tpu.memory_space<vmem_shared>>) target_semaphore(%run_scoped3A : memref<!tpu.dma_semaphore, #tpu.memory_space<semaphore_mem>>)
      %dma_wait3A = arith.constant 0 : i32
      %dma_wait3A_97 = tpu.memref_slice %arg13[%add3A_13, %dma_wait3A] : memref<10240x128xf32, #tpu.memory_space<vmem_shared>> -> memref<64x128xf32, #tpu.memory_space<vmem_shared>>
      %dma_wait3A_98 = arith.constant 0 : i32
      %dma_wait3A_99 = tpu.memref_slice %arg13[%add3A_13, %dma_wait3A_98] : memref<10240x128xf32, #tpu.memory_space<vmem_shared>> -> memref<64x128xf32, #tpu.memory_space<vmem_shared>>
      tpu.wait_dma2 semaphore(%run_scoped3A : memref<!tpu.dma_semaphore, #tpu.memory_space<semaphore_mem>>) src(%arg11 : memref<64x128xf32, #tpu.memory_space<vmem>>) dst(%dma_wait3A_99 : memref<64x128xf32, #tpu.memory_space<vmem_shared>>)
      tpu.yield
    }) : () -> ()
    %add3A_14 = arith.constant 448 : i32
    %add3A_15 = arith.addi %mul3A_0, %add3A_14 : i32
    "tpu.region"() ({
      %run_scoped3A = tpu.sem_alloc : memref<!tpu.dma_semaphore, #tpu.memory_space<semaphore_mem>>
      %dma_start3A = arith.constant 0 : i32
      %dma_start3A_94 = tpu.memref_slice %arg13[%add3A_15, %dma_start3A] : memref<10240x128xf32, #tpu.memory_space<vmem_shared>> -> memref<64x128xf32, #tpu.memory_space<vmem_shared>>
      %dma_start3A_95 = arith.constant 0 : i32
      %dma_start3A_96 = tpu.memref_slice %arg13[%add3A_15, %dma_start3A_95] : memref<10240x128xf32, #tpu.memory_space<vmem_shared>> -> memref<64x128xf32, #tpu.memory_space<vmem_shared>>
      tpu.enqueue_dma source(%arg11 : memref<64x128xf32, #tpu.memory_space<vmem>>) target(%dma_start3A_96 : memref<64x128xf32, #tpu.memory_space<vmem_shared>>) target_semaphore(%run_scoped3A : memref<!tpu.dma_semaphore, #tpu.memory_space<semaphore_mem>>)
      %dma_wait3A = arith.constant 0 : i32
      %dma_wait3A_97 = tpu.memref_slice %arg13[%add3A_15, %dma_wait3A] : memref<10240x128xf32, #tpu.memory_space<vmem_shared>> -> memref<64x128xf32, #tpu.memory_space<vmem_shared>>
      %dma_wait3A_98 = arith.constant 0 : i32
      %dma_wait3A_99 = tpu.memref_slice %arg13[%add3A_15, %dma_wait3A_98] : memref<10240x128xf32, #tpu.memory_space<vmem_shared>> -> memref<64x128xf32, #tpu.memory_space<vmem_shared>>
      tpu.wait_dma2 semaphore(%run_scoped3A : memref<!tpu.dma_semaphore, #tpu.memory_space<semaphore_mem>>) src(%arg11 : memref<64x128xf32, #tpu.memory_space<vmem>>) dst(%dma_wait3A_99 : memref<64x128xf32, #tpu.memory_space<vmem_shared>>)
      tpu.yield
    }) : () -> ()
    %add3A_16 = arith.constant 512 : i32
    %add3A_17 = arith.addi %mul3A_0, %add3A_16 : i32
    "tpu.region"() ({
      %run_scoped3A = tpu.sem_alloc : memref<!tpu.dma_semaphore, #tpu.memory_space<semaphore_mem>>
      %dma_start3A = arith.constant 0 : i32
      %dma_start3A_94 = tpu.memref_slice %arg13[%add3A_17, %dma_start3A] : memref<10240x128xf32, #tpu.memory_space<vmem_shared>> -> memref<64x128xf32, #tpu.memory_space<vmem_shared>>
      %dma_start3A_95 = arith.constant 0 : i32
      %dma_start3A_96 = tpu.memref_slice %arg13[%add3A_17, %dma_start3A_95] : memref<10240x128xf32, #tpu.memory_space<vmem_shared>> -> memref<64x128xf32, #tpu.memory_space<vmem_shared>>
      tpu.enqueue_dma source(%arg11 : memref<64x128xf32, #tpu.memory_space<vmem>>) target(%dma_start3A_96 : memref<64x128xf32, #tpu.memory_space<vmem_shared>>) target_semaphore(%run_scoped3A : memref<!tpu.dma_semaphore, #tpu.memory_space<semaphore_mem>>)
      %dma_wait3A = arith.constant 0 : i32
      %dma_wait3A_97 = tpu.memref_slice %arg13[%add3A_17, %dma_wait3A] : memref<10240x128xf32, #tpu.memory_space<vmem_shared>> -> memref<64x128xf32, #tpu.memory_space<vmem_shared>>
      %dma_wait3A_98 = arith.constant 0 : i32
      %dma_wait3A_99 = tpu.memref_slice %arg13[%add3A_17, %dma_wait3A_98] : memref<10240x128xf32, #tpu.memory_space<vmem_shared>> -> memref<64x128xf32, #tpu.memory_space<vmem_shared>>
      tpu.wait_dma2 semaphore(%run_scoped3A : memref<!tpu.dma_semaphore, #tpu.memory_space<semaphore_mem>>) src(%arg11 : memref<64x128xf32, #tpu.memory_space<vmem>>) dst(%dma_wait3A_99 : memref<64x128xf32, #tpu.memory_space<vmem_shared>>)
      tpu.yield
    }) : () -> ()
    %add3A_18 = arith.constant 576 : i32
    %add3A_19 = arith.addi %mul3A_0, %add3A_18 : i32
    "tpu.region"() ({
      %run_scoped3A = tpu.sem_alloc : memref<!tpu.dma_semaphore, #tpu.memory_space<semaphore_mem>>
      %dma_start3A = arith.constant 0 : i32
      %dma_start3A_94 = tpu.memref_slice %arg13[%add3A_19, %dma_start3A] : memref<10240x128xf32, #tpu.memory_space<vmem_shared>> -> memref<64x128xf32, #tpu.memory_space<vmem_shared>>
      %dma_start3A_95 = arith.constant 0 : i32
      %dma_start3A_96 = tpu.memref_slice %arg13[%add3A_19, %dma_start3A_95] : memref<10240x128xf32, #tpu.memory_space<vmem_shared>> -> memref<64x128xf32, #tpu.memory_space<vmem_shared>>
      tpu.enqueue_dma source(%arg11 : memref<64x128xf32, #tpu.memory_space<vmem>>) target(%dma_start3A_96 : memref<64x128xf32, #tpu.memory_space<vmem_shared>>) target_semaphore(%run_scoped3A : memref<!tpu.dma_semaphore, #tpu.memory_space<semaphore_mem>>)
      %dma_wait3A = arith.constant 0 : i32
      %dma_wait3A_97 = tpu.memref_slice %arg13[%add3A_19, %dma_wait3A] : memref<10240x128xf32, #tpu.memory_space<vmem_shared>> -> memref<64x128xf32, #tpu.memory_space<vmem_shared>>
      %dma_wait3A_98 = arith.constant 0 : i32
      %dma_wait3A_99 = tpu.memref_slice %arg13[%add3A_19, %dma_wait3A_98] : memref<10240x128xf32, #tpu.memory_space<vmem_shared>> -> memref<64x128xf32, #tpu.memory_space<vmem_shared>>
      tpu.wait_dma2 semaphore(%run_scoped3A : memref<!tpu.dma_semaphore, #tpu.memory_space<semaphore_mem>>) src(%arg11 : memref<64x128xf32, #tpu.memory_space<vmem>>) dst(%dma_wait3A_99 : memref<64x128xf32, #tpu.memory_space<vmem_shared>>)
      tpu.yield
    }) : () -> ()
    "tpu.region"() ({
      %run_scoped3A = tpu.sem_alloc : memref<!tpu.dma_semaphore, #tpu.memory_space<semaphore_mem>>
      tpu.enqueue_dma source(%arg6 : memref<64x128xf32, #tpu.memory_space<hbm>>) target(%arg11 : memref<64x128xf32, #tpu.memory_space<vmem>>) target_semaphore(%run_scoped3A : memref<!tpu.dma_semaphore, #tpu.memory_space<semaphore_mem>>)
      tpu.wait_dma2 semaphore(%run_scoped3A : memref<!tpu.dma_semaphore, #tpu.memory_space<semaphore_mem>>) src(%arg6 : memref<64x128xf32, #tpu.memory_space<hbm>>) dst(%arg11 : memref<64x128xf32, #tpu.memory_space<vmem>>)
      tpu.yield
    }) : () -> ()
    %barrier3A = arith.constant 0 : index
    tpu.barrier barrier_id(%barrier3A)
    %scan3A = arith.constant 0 : i32
    %scan3A_20 = arith.constant 0 : i32
    %scan3A_21 = arith.constant 2 : i32
    %scan3A_22 = arith.addi %scan3A_20, %scan3A_21 : i32
    %scan3A_23 = arith.constant 1 : i32
    scf.for %scan3A_94 = %scan3A_20 to %scan3A_22 step %scan3A_23  : i32 {
      "tpu.region"() ({
        %run_scoped3A = tpu.sem_alloc : memref<!tpu.dma_semaphore, #tpu.memory_space<semaphore_mem>>
        %dma_start3A = arith.constant 0 : i32
        %dma_start3A_101 = arith.constant 0 : i32
        %dma_start3A_102 = tpu.memref_slice %arg4[%arg0, %arg1, %scan3A_94, %dma_start3A, %dma_start3A_101] : memref<2x16x2x80x64xi32, #tpu.memory_space<hbm>> -> memref<1x1x1x80x64xi32, #tpu.memory_space<hbm>>
        %dma_start3A_103 = tpu.memref_squeeze %dma_start3A_102 : memref<1x1x1x80x64xi32, #tpu.memory_space<hbm>> -> memref<80x64xi32, #tpu.memory_space<hbm>>
        %dma_start3A_104 = arith.constant 0 : i32
        %dma_start3A_105 = arith.constant 0 : i32
        %dma_start3A_106 = tpu.memref_slice %arg4[%arg0, %arg1, %scan3A_94, %dma_start3A_104, %dma_start3A_105] : memref<2x16x2x80x64xi32, #tpu.memory_space<hbm>> -> memref<1x1x1x80x64xi32, #tpu.memory_space<hbm>>
        %dma_start3A_107 = tpu.memref_squeeze %dma_start3A_106 : memref<1x1x1x80x64xi32, #tpu.memory_space<hbm>> -> memref<80x64xi32, #tpu.memory_space<hbm>>
        tpu.enqueue_dma source(%dma_start3A_107 : memref<80x64xi32, #tpu.memory_space<hbm>>) target(%arg10 : memref<80x64xi32, #tpu.memory_space<vmem>>) target_semaphore(%run_scoped3A : memref<!tpu.dma_semaphore, #tpu.memory_space<semaphore_mem>>)
        %dma_wait3A = arith.constant 0 : i32
        %dma_wait3A_108 = arith.constant 0 : i32
        %dma_wait3A_109 = tpu.memref_slice %arg4[%arg0, %arg1, %scan3A_94, %dma_wait3A, %dma_wait3A_108] : memref<2x16x2x80x64xi32, #tpu.memory_space<hbm>> -> memref<1x1x1x80x64xi32, #tpu.memory_space<hbm>>
        %dma_wait3A_110 = tpu.memref_squeeze %dma_wait3A_109 : memref<1x1x1x80x64xi32, #tpu.memory_space<hbm>> -> memref<80x64xi32, #tpu.memory_space<hbm>>
        %dma_wait3A_111 = arith.constant 0 : i32
        %dma_wait3A_112 = arith.constant 0 : i32
        %dma_wait3A_113 = tpu.memref_slice %arg4[%arg0, %arg1, %scan3A_94, %dma_wait3A_111, %dma_wait3A_112] : memref<2x16x2x80x64xi32, #tpu.memory_space<hbm>> -> memref<1x1x1x80x64xi32, #tpu.memory_space<hbm>>
        %dma_wait3A_114 = tpu.memref_squeeze %dma_wait3A_113 : memref<1x1x1x80x64xi32, #tpu.memory_space<hbm>> -> memref<80x64xi32, #tpu.memory_space<hbm>>
        tpu.wait_dma2 semaphore(%run_scoped3A : memref<!tpu.dma_semaphore, #tpu.memory_space<semaphore_mem>>) src(%dma_wait3A_114 : memref<80x64xi32, #tpu.memory_space<hbm>>) dst(%arg10 : memref<80x64xi32, #tpu.memory_space<vmem>>)
        tpu.yield
      }) : () -> ()
      %scan3A_95 = arith.constant 0 : i32
      %scan3A_96 = arith.constant 0 : i32
      %scan3A_97 = arith.constant 80 : i32
      %scan3A_98 = arith.addi %scan3A_96, %scan3A_97 : i32
      %scan3A_99 = arith.constant 1 : i32
      scf.for %scan3A_101 = %scan3A_96 to %scan3A_98 step %scan3A_99  : i32 {
        "tpu.region"() ({
          %run_scoped3A = tpu.sem_alloc : memref<!tpu.dma_semaphore, #tpu.memory_space<semaphore_mem>>
          %dma_start3A = arith.constant 0 : i32
          %dma_start3A_102 = tpu.memref_slice %arg10[%scan3A_101, %dma_start3A] : memref<80x64xi32, #tpu.memory_space<vmem>> -> memref<1x64xi32, #tpu.memory_space<vmem>>
          %dma_start3A_103 = tpu.memref_squeeze %dma_start3A_102 : memref<1x64xi32, #tpu.memory_space<vmem>> -> memref<64xi32, #tpu.memory_space<vmem>>
          %dma_start3A_104 = arith.constant 0 : i32
          %dma_start3A_105 = arith.constant 0 : i32
          %dma_start3A_106 = tpu.memref_slice %arg13[%dma_start3A_104, %dma_start3A_105] : memref<10240x128xf32, #tpu.memory_space<vmem_shared>> -> memref<10240x128xf32, #tpu.memory_space<vmem_shared>>
          tpu.enqueue_indirect_dma source(%arg11 : memref<64x128xf32, #tpu.memory_space<vmem>>) target(%dma_start3A_106 : memref<10240x128xf32, #tpu.memory_space<vmem_shared>>) offsets(%dma_start3A_103 : memref<64xi32, #tpu.memory_space<vmem>>) semaphore(%run_scoped3A : memref<!tpu.dma_semaphore, #tpu.memory_space<semaphore_mem>>) {add = true}
          %dma_wait3A = arith.constant 0 : i32
          %dma_wait3A_107 = tpu.memref_slice %arg10[%scan3A_101, %dma_wait3A] : memref<80x64xi32, #tpu.memory_space<vmem>> -> memref<1x64xi32, #tpu.memory_space<vmem>>
          %dma_wait3A_108 = tpu.memref_squeeze %dma_wait3A_107 : memref<1x64xi32, #tpu.memory_space<vmem>> -> memref<64xi32, #tpu.memory_space<vmem>>
          %dma_wait3A_109 = arith.constant 0 : i32
          %dma_wait3A_110 = arith.constant 0 : i32
          %dma_wait3A_111 = tpu.memref_slice %arg13[%dma_wait3A_109, %dma_wait3A_110] : memref<10240x128xf32, #tpu.memory_space<vmem_shared>> -> memref<10240x128xf32, #tpu.memory_space<vmem_shared>>
          tpu.wait_indirect_dma semaphore(%run_scoped3A : memref<!tpu.dma_semaphore, #tpu.memory_space<semaphore_mem>>) src(%arg11 : memref<64x128xf32, #tpu.memory_space<vmem>>) dst(%dma_wait3A_111 : memref<10240x128xf32, #tpu.memory_space<vmem_shared>>)
          tpu.yield
        }) : () -> ()
      }
      %scan3A_100 = arith.constant 80 : i32
    }
    %scan3A_24 = arith.constant 2 : i32
    %barrier3A_25 = arith.constant 0 : index
    tpu.barrier barrier_id(%barrier3A_25)
    %add3A_26 = arith.constant 0 : i32
    %add3A_27 = arith.addi %mul3A_0, %add3A_26 : i32
    "tpu.region"() ({
      %run_scoped3A = tpu.sem_alloc : memref<!tpu.dma_semaphore, #tpu.memory_space<semaphore_mem>>
      %dma_start3A = arith.constant 0 : i32
      %dma_start3A_94 = tpu.memref_slice %arg13[%add3A_27, %dma_start3A] : memref<10240x128xf32, #tpu.memory_space<vmem_shared>> -> memref<64x128xf32, #tpu.memory_space<vmem_shared>>
      %dma_start3A_95 = arith.constant 0 : i32
      %dma_start3A_96 = tpu.memref_slice %arg13[%add3A_27, %dma_start3A_95] : memref<10240x128xf32, #tpu.memory_space<vmem_shared>> -> memref<64x128xf32, #tpu.memory_space<vmem_shared>>
      tpu.enqueue_dma source(%dma_start3A_96 : memref<64x128xf32, #tpu.memory_space<vmem_shared>>) target(%arg11 : memref<64x128xf32, #tpu.memory_space<vmem>>) target_semaphore(%run_scoped3A : memref<!tpu.dma_semaphore, #tpu.memory_space<semaphore_mem>>)
      %dma_wait3A = arith.constant 0 : i32
      %dma_wait3A_97 = tpu.memref_slice %arg13[%add3A_27, %dma_wait3A] : memref<10240x128xf32, #tpu.memory_space<vmem_shared>> -> memref<64x128xf32, #tpu.memory_space<vmem_shared>>
      %dma_wait3A_98 = arith.constant 0 : i32
      %dma_wait3A_99 = tpu.memref_slice %arg13[%add3A_27, %dma_wait3A_98] : memref<10240x128xf32, #tpu.memory_space<vmem_shared>> -> memref<64x128xf32, #tpu.memory_space<vmem_shared>>
      tpu.wait_dma2 semaphore(%run_scoped3A : memref<!tpu.dma_semaphore, #tpu.memory_space<semaphore_mem>>) src(%dma_wait3A_99 : memref<64x128xf32, #tpu.memory_space<vmem_shared>>) dst(%arg11 : memref<64x128xf32, #tpu.memory_space<vmem>>)
      tpu.yield
    }) : () -> ()
    "tpu.region"() ({
      %run_scoped3A = tpu.sem_alloc : memref<!tpu.dma_semaphore, #tpu.memory_space<semaphore_mem>>
      %dma_start3A = arith.constant 0 : i32
      %dma_start3A_94 = tpu.memref_slice %arg7[%arg0, %add3A_27, %dma_start3A] : memref<2x10240x128xf32, #tpu.memory_space<hbm>> -> memref<1x64x128xf32, #tpu.memory_space<hbm>>
      %dma_start3A_95 = tpu.memref_squeeze %dma_start3A_94 : memref<1x64x128xf32, #tpu.memory_space<hbm>> -> memref<64x128xf32, #tpu.memory_space<hbm>>
      %dma_start3A_96 = arith.constant 0 : i32
      %dma_start3A_97 = tpu.memref_slice %arg7[%arg0, %add3A_27, %dma_start3A_96] : memref<2x10240x128xf32, #tpu.memory_space<hbm>> -> memref<1x64x128xf32, #tpu.memory_space<hbm>>
      %dma_start3A_98 = tpu.memref_squeeze %dma_start3A_97 : memref<1x64x128xf32, #tpu.memory_space<hbm>> -> memref<64x128xf32, #tpu.memory_space<hbm>>
      tpu.enqueue_dma source(%arg11 : memref<64x128xf32, #tpu.memory_space<vmem>>) target(%dma_start3A_98 : memref<64x128xf32, #tpu.memory_space<hbm>>) target_semaphore(%run_scoped3A : memref<!tpu.dma_semaphore, #tpu.memory_space<semaphore_mem>>)
      %dma_wait3A = arith.constant 0 : i32
      %dma_wait3A_99 = tpu.memref_slice %arg7[%arg0, %add3A_27, %dma_wait3A] : memref<2x10240x128xf32, #tpu.memory_space<hbm>> -> memref<1x64x128xf32, #tpu.memory_space<hbm>>
      %dma_wait3A_100 = tpu.memref_squeeze %dma_wait3A_99 : memref<1x64x128xf32, #tpu.memory_space<hbm>> -> memref<64x128xf32, #tpu.memory_space<hbm>>
      %dma_wait3A_101 = arith.constant 0 : i32
      %dma_wait3A_102 = tpu.memref_slice %arg7[%arg0, %add3A_27, %dma_wait3A_101] : memref<2x10240x128xf32, #tpu.memory_space<hbm>> -> memref<1x64x128xf32, #tpu.memory_space<hbm>>
      %dma_wait3A_103 = tpu.memref_squeeze %dma_wait3A_102 : memref<1x64x128xf32, #tpu.memory_space<hbm>> -> memref<64x128xf32, #tpu.memory_space<hbm>>
      tpu.wait_dma2 semaphore(%run_scoped3A : memref<!tpu.dma_semaphore, #tpu.memory_space<semaphore_mem>>) src(%arg11 : memref<64x128xf32, #tpu.memory_space<vmem>>) dst(%dma_wait3A_103 : memref<64x128xf32, #tpu.memory_space<hbm>>)
      tpu.yield
    }) : () -> ()
    %add3A_28 = arith.constant 64 : i32
    %add3A_29 = arith.addi %mul3A_0, %add3A_28 : i32
    "tpu.region"() ({
      %run_scoped3A = tpu.sem_alloc : memref<!tpu.dma_semaphore, #tpu.memory_space<semaphore_mem>>
      %dma_start3A = arith.constant 0 : i32
      %dma_start3A_94 = tpu.memref_slice %arg13[%add3A_29, %dma_start3A] : memref<10240x128xf32, #tpu.memory_space<vmem_shared>> -> memref<64x128xf32, #tpu.memory_space<vmem_shared>>
      %dma_start3A_95 = arith.constant 0 : i32
      %dma_start3A_96 = tpu.memref_slice %arg13[%add3A_29, %dma_start3A_95] : memref<10240x128xf32, #tpu.memory_space<vmem_shared>> -> memref<64x128xf32, #tpu.memory_space<vmem_shared>>
      tpu.enqueue_dma source(%dma_start3A_96 : memref<64x128xf32, #tpu.memory_space<vmem_shared>>) target(%arg11 : memref<64x128xf32, #tpu.memory_space<vmem>>) target_semaphore(%run_scoped3A : memref<!tpu.dma_semaphore, #tpu.memory_space<semaphore_mem>>)
      %dma_wait3A = arith.constant 0 : i32
      %dma_wait3A_97 = tpu.memref_slice %arg13[%add3A_29, %dma_wait3A] : memref<10240x128xf32, #tpu.memory_space<vmem_shared>> -> memref<64x128xf32, #tpu.memory_space<vmem_shared>>
      %dma_wait3A_98 = arith.constant 0 : i32
      %dma_wait3A_99 = tpu.memref_slice %arg13[%add3A_29, %dma_wait3A_98] : memref<10240x128xf32, #tpu.memory_space<vmem_shared>> -> memref<64x128xf32, #tpu.memory_space<vmem_shared>>
      tpu.wait_dma2 semaphore(%run_scoped3A : memref<!tpu.dma_semaphore, #tpu.memory_space<semaphore_mem>>) src(%dma_wait3A_99 : memref<64x128xf32, #tpu.memory_space<vmem_shared>>) dst(%arg11 : memref<64x128xf32, #tpu.memory_space<vmem>>)
      tpu.yield
    }) : () -> ()
    "tpu.region"() ({
      %run_scoped3A = tpu.sem_alloc : memref<!tpu.dma_semaphore, #tpu.memory_space<semaphore_mem>>
      %dma_start3A = arith.constant 0 : i32
      %dma_start3A_94 = tpu.memref_slice %arg7[%arg0, %add3A_29, %dma_start3A] : memref<2x10240x128xf32, #tpu.memory_space<hbm>> -> memref<1x64x128xf32, #tpu.memory_space<hbm>>
      %dma_start3A_95 = tpu.memref_squeeze %dma_start3A_94 : memref<1x64x128xf32, #tpu.memory_space<hbm>> -> memref<64x128xf32, #tpu.memory_space<hbm>>
      %dma_start3A_96 = arith.constant 0 : i32
      %dma_start3A_97 = tpu.memref_slice %arg7[%arg0, %add3A_29, %dma_start3A_96] : memref<2x10240x128xf32, #tpu.memory_space<hbm>> -> memref<1x64x128xf32, #tpu.memory_space<hbm>>
      %dma_start3A_98 = tpu.memref_squeeze %dma_start3A_97 : memref<1x64x128xf32, #tpu.memory_space<hbm>> -> memref<64x128xf32, #tpu.memory_space<hbm>>
      tpu.enqueue_dma source(%arg11 : memref<64x128xf32, #tpu.memory_space<vmem>>) target(%dma_start3A_98 : memref<64x128xf32, #tpu.memory_space<hbm>>) target_semaphore(%run_scoped3A : memref<!tpu.dma_semaphore, #tpu.memory_space<semaphore_mem>>)
      %dma_wait3A = arith.constant 0 : i32
      %dma_wait3A_99 = tpu.memref_slice %arg7[%arg0, %add3A_29, %dma_wait3A] : memref<2x10240x128xf32, #tpu.memory_space<hbm>> -> memref<1x64x128xf32, #tpu.memory_space<hbm>>
      %dma_wait3A_100 = tpu.memref_squeeze %dma_wait3A_99 : memref<1x64x128xf32, #tpu.memory_space<hbm>> -> memref<64x128xf32, #tpu.memory_space<hbm>>
      %dma_wait3A_101 = arith.constant 0 : i32
      %dma_wait3A_102 = tpu.memref_slice %arg7[%arg0, %add3A_29, %dma_wait3A_101] : memref<2x10240x128xf32, #tpu.memory_space<hbm>> -> memref<1x64x128xf32, #tpu.memory_space<hbm>>
      %dma_wait3A_103 = tpu.memref_squeeze %dma_wait3A_102 : memref<1x64x128xf32, #tpu.memory_space<hbm>> -> memref<64x128xf32, #tpu.memory_space<hbm>>
      tpu.wait_dma2 semaphore(%run_scoped3A : memref<!tpu.dma_semaphore, #tpu.memory_space<semaphore_mem>>) src(%arg11 : memref<64x128xf32, #tpu.memory_space<vmem>>) dst(%dma_wait3A_103 : memref<64x128xf32, #tpu.memory_space<hbm>>)
      tpu.yield
    }) : () -> ()
    %add3A_30 = arith.constant 128 : i32
    %add3A_31 = arith.addi %mul3A_0, %add3A_30 : i32
    "tpu.region"() ({
      %run_scoped3A = tpu.sem_alloc : memref<!tpu.dma_semaphore, #tpu.memory_space<semaphore_mem>>
      %dma_start3A = arith.constant 0 : i32
      %dma_start3A_94 = tpu.memref_slice %arg13[%add3A_31, %dma_start3A] : memref<10240x128xf32, #tpu.memory_space<vmem_shared>> -> memref<64x128xf32, #tpu.memory_space<vmem_shared>>
      %dma_start3A_95 = arith.constant 0 : i32
      %dma_start3A_96 = tpu.memref_slice %arg13[%add3A_31, %dma_start3A_95] : memref<10240x128xf32, #tpu.memory_space<vmem_shared>> -> memref<64x128xf32, #tpu.memory_space<vmem_shared>>
      tpu.enqueue_dma source(%dma_start3A_96 : memref<64x128xf32, #tpu.memory_space<vmem_shared>>) target(%arg11 : memref<64x128xf32, #tpu.memory_space<vmem>>) target_semaphore(%run_scoped3A : memref<!tpu.dma_semaphore, #tpu.memory_space<semaphore_mem>>)
      %dma_wait3A = arith.constant 0 : i32
      %dma_wait3A_97 = tpu.memref_slice %arg13[%add3A_31, %dma_wait3A] : memref<10240x128xf32, #tpu.memory_space<vmem_shared>> -> memref<64x128xf32, #tpu.memory_space<vmem_shared>>
      %dma_wait3A_98 = arith.constant 0 : i32
      %dma_wait3A_99 = tpu.memref_slice %arg13[%add3A_31, %dma_wait3A_98] : memref<10240x128xf32, #tpu.memory_space<vmem_shared>> -> memref<64x128xf32, #tpu.memory_space<vmem_shared>>
      tpu.wait_dma2 semaphore(%run_scoped3A : memref<!tpu.dma_semaphore, #tpu.memory_space<semaphore_mem>>) src(%dma_wait3A_99 : memref<64x128xf32, #tpu.memory_space<vmem_shared>>) dst(%arg11 : memref<64x128xf32, #tpu.memory_space<vmem>>)
      tpu.yield
    }) : () -> ()
    "tpu.region"() ({
      %run_scoped3A = tpu.sem_alloc : memref<!tpu.dma_semaphore, #tpu.memory_space<semaphore_mem>>
      %dma_start3A = arith.constant 0 : i32
      %dma_start3A_94 = tpu.memref_slice %arg7[%arg0, %add3A_31, %dma_start3A] : memref<2x10240x128xf32, #tpu.memory_space<hbm>> -> memref<1x64x128xf32, #tpu.memory_space<hbm>>
      %dma_start3A_95 = tpu.memref_squeeze %dma_start3A_94 : memref<1x64x128xf32, #tpu.memory_space<hbm>> -> memref<64x128xf32, #tpu.memory_space<hbm>>
      %dma_start3A_96 = arith.constant 0 : i32
      %dma_start3A_97 = tpu.memref_slice %arg7[%arg0, %add3A_31, %dma_start3A_96] : memref<2x10240x128xf32, #tpu.memory_space<hbm>> -> memref<1x64x128xf32, #tpu.memory_space<hbm>>
      %dma_start3A_98 = tpu.memref_squeeze %dma_start3A_97 : memref<1x64x128xf32, #tpu.memory_space<hbm>> -> memref<64x128xf32, #tpu.memory_space<hbm>>
      tpu.enqueue_dma source(%arg11 : memref<64x128xf32, #tpu.memory_space<vmem>>) target(%dma_start3A_98 : memref<64x128xf32, #tpu.memory_space<hbm>>) target_semaphore(%run_scoped3A : memref<!tpu.dma_semaphore, #tpu.memory_space<semaphore_mem>>)
      %dma_wait3A = arith.constant 0 : i32
      %dma_wait3A_99 = tpu.memref_slice %arg7[%arg0, %add3A_31, %dma_wait3A] : memref<2x10240x128xf32, #tpu.memory_space<hbm>> -> memref<1x64x128xf32, #tpu.memory_space<hbm>>
      %dma_wait3A_100 = tpu.memref_squeeze %dma_wait3A_99 : memref<1x64x128xf32, #tpu.memory_space<hbm>> -> memref<64x128xf32, #tpu.memory_space<hbm>>
      %dma_wait3A_101 = arith.constant 0 : i32
      %dma_wait3A_102 = tpu.memref_slice %arg7[%arg0, %add3A_31, %dma_wait3A_101] : memref<2x10240x128xf32, #tpu.memory_space<hbm>> -> memref<1x64x128xf32, #tpu.memory_space<hbm>>
      %dma_wait3A_103 = tpu.memref_squeeze %dma_wait3A_102 : memref<1x64x128xf32, #tpu.memory_space<hbm>> -> memref<64x128xf32, #tpu.memory_space<hbm>>
      tpu.wait_dma2 semaphore(%run_scoped3A : memref<!tpu.dma_semaphore, #tpu.memory_space<semaphore_mem>>) src(%arg11 : memref<64x128xf32, #tpu.memory_space<vmem>>) dst(%dma_wait3A_103 : memref<64x128xf32, #tpu.memory_space<hbm>>)
      tpu.yield
    }) : () -> ()
    %add3A_32 = arith.constant 192 : i32
    %add3A_33 = arith.addi %mul3A_0, %add3A_32 : i32
    "tpu.region"() ({
      %run_scoped3A = tpu.sem_alloc : memref<!tpu.dma_semaphore, #tpu.memory_space<semaphore_mem>>
      %dma_start3A = arith.constant 0 : i32
      %dma_start3A_94 = tpu.memref_slice %arg13[%add3A_33, %dma_start3A] : memref<10240x128xf32, #tpu.memory_space<vmem_shared>> -> memref<64x128xf32, #tpu.memory_space<vmem_shared>>
      %dma_start3A_95 = arith.constant 0 : i32
      %dma_start3A_96 = tpu.memref_slice %arg13[%add3A_33, %dma_start3A_95] : memref<10240x128xf32, #tpu.memory_space<vmem_shared>> -> memref<64x128xf32, #tpu.memory_space<vmem_shared>>
      tpu.enqueue_dma source(%dma_start3A_96 : memref<64x128xf32, #tpu.memory_space<vmem_shared>>) target(%arg11 : memref<64x128xf32, #tpu.memory_space<vmem>>) target_semaphore(%run_scoped3A : memref<!tpu.dma_semaphore, #tpu.memory_space<semaphore_mem>>)
      %dma_wait3A = arith.constant 0 : i32
      %dma_wait3A_97 = tpu.memref_slice %arg13[%add3A_33, %dma_wait3A] : memref<10240x128xf32, #tpu.memory_space<vmem_shared>> -> memref<64x128xf32, #tpu.memory_space<vmem_shared>>
      %dma_wait3A_98 = arith.constant 0 : i32
      %dma_wait3A_99 = tpu.memref_slice %arg13[%add3A_33, %dma_wait3A_98] : memref<10240x128xf32, #tpu.memory_space<vmem_shared>> -> memref<64x128xf32, #tpu.memory_space<vmem_shared>>
      tpu.wait_dma2 semaphore(%run_scoped3A : memref<!tpu.dma_semaphore, #tpu.memory_space<semaphore_mem>>) src(%dma_wait3A_99 : memref<64x128xf32, #tpu.memory_space<vmem_shared>>) dst(%arg11 : memref<64x128xf32, #tpu.memory_space<vmem>>)
      tpu.yield
    }) : () -> ()
    "tpu.region"() ({
      %run_scoped3A = tpu.sem_alloc : memref<!tpu.dma_semaphore, #tpu.memory_space<semaphore_mem>>
      %dma_start3A = arith.constant 0 : i32
      %dma_start3A_94 = tpu.memref_slice %arg7[%arg0, %add3A_33, %dma_start3A] : memref<2x10240x128xf32, #tpu.memory_space<hbm>> -> memref<1x64x128xf32, #tpu.memory_space<hbm>>
      %dma_start3A_95 = tpu.memref_squeeze %dma_start3A_94 : memref<1x64x128xf32, #tpu.memory_space<hbm>> -> memref<64x128xf32, #tpu.memory_space<hbm>>
      %dma_start3A_96 = arith.constant 0 : i32
      %dma_start3A_97 = tpu.memref_slice %arg7[%arg0, %add3A_33, %dma_start3A_96] : memref<2x10240x128xf32, #tpu.memory_space<hbm>> -> memref<1x64x128xf32, #tpu.memory_space<hbm>>
      %dma_start3A_98 = tpu.memref_squeeze %dma_start3A_97 : memref<1x64x128xf32, #tpu.memory_space<hbm>> -> memref<64x128xf32, #tpu.memory_space<hbm>>
      tpu.enqueue_dma source(%arg11 : memref<64x128xf32, #tpu.memory_space<vmem>>) target(%dma_start3A_98 : memref<64x128xf32, #tpu.memory_space<hbm>>) target_semaphore(%run_scoped3A : memref<!tpu.dma_semaphore, #tpu.memory_space<semaphore_mem>>)
      %dma_wait3A = arith.constant 0 : i32
      %dma_wait3A_99 = tpu.memref_slice %arg7[%arg0, %add3A_33, %dma_wait3A] : memref<2x10240x128xf32, #tpu.memory_space<hbm>> -> memref<1x64x128xf32, #tpu.memory_space<hbm>>
      %dma_wait3A_100 = tpu.memref_squeeze %dma_wait3A_99 : memref<1x64x128xf32, #tpu.memory_space<hbm>> -> memref<64x128xf32, #tpu.memory_space<hbm>>
      %dma_wait3A_101 = arith.constant 0 : i32
      %dma_wait3A_102 = tpu.memref_slice %arg7[%arg0, %add3A_33, %dma_wait3A_101] : memref<2x10240x128xf32, #tpu.memory_space<hbm>> -> memref<1x64x128xf32, #tpu.memory_space<hbm>>
      %dma_wait3A_103 = tpu.memref_squeeze %dma_wait3A_102 : memref<1x64x128xf32, #tpu.memory_space<hbm>> -> memref<64x128xf32, #tpu.memory_space<hbm>>
      tpu.wait_dma2 semaphore(%run_scoped3A : memref<!tpu.dma_semaphore, #tpu.memory_space<semaphore_mem>>) src(%arg11 : memref<64x128xf32, #tpu.memory_space<vmem>>) dst(%dma_wait3A_103 : memref<64x128xf32, #tpu.memory_space<hbm>>)
      tpu.yield
    }) : () -> ()
    %add3A_34 = arith.constant 256 : i32
    %add3A_35 = arith.addi %mul3A_0, %add3A_34 : i32
    "tpu.region"() ({
      %run_scoped3A = tpu.sem_alloc : memref<!tpu.dma_semaphore, #tpu.memory_space<semaphore_mem>>
      %dma_start3A = arith.constant 0 : i32
      %dma_start3A_94 = tpu.memref_slice %arg13[%add3A_35, %dma_start3A] : memref<10240x128xf32, #tpu.memory_space<vmem_shared>> -> memref<64x128xf32, #tpu.memory_space<vmem_shared>>
      %dma_start3A_95 = arith.constant 0 : i32
      %dma_start3A_96 = tpu.memref_slice %arg13[%add3A_35, %dma_start3A_95] : memref<10240x128xf32, #tpu.memory_space<vmem_shared>> -> memref<64x128xf32, #tpu.memory_space<vmem_shared>>
      tpu.enqueue_dma source(%dma_start3A_96 : memref<64x128xf32, #tpu.memory_space<vmem_shared>>) target(%arg11 : memref<64x128xf32, #tpu.memory_space<vmem>>) target_semaphore(%run_scoped3A : memref<!tpu.dma_semaphore, #tpu.memory_space<semaphore_mem>>)
      %dma_wait3A = arith.constant 0 : i32
      %dma_wait3A_97 = tpu.memref_slice %arg13[%add3A_35, %dma_wait3A] : memref<10240x128xf32, #tpu.memory_space<vmem_shared>> -> memref<64x128xf32, #tpu.memory_space<vmem_shared>>
      %dma_wait3A_98 = arith.constant 0 : i32
      %dma_wait3A_99 = tpu.memref_slice %arg13[%add3A_35, %dma_wait3A_98] : memref<10240x128xf32, #tpu.memory_space<vmem_shared>> -> memref<64x128xf32, #tpu.memory_space<vmem_shared>>
      tpu.wait_dma2 semaphore(%run_scoped3A : memref<!tpu.dma_semaphore, #tpu.memory_space<semaphore_mem>>) src(%dma_wait3A_99 : memref<64x128xf32, #tpu.memory_space<vmem_shared>>) dst(%arg11 : memref<64x128xf32, #tpu.memory_space<vmem>>)
      tpu.yield
    }) : () -> ()
    "tpu.region"() ({
      %run_scoped3A = tpu.sem_alloc : memref<!tpu.dma_semaphore, #tpu.memory_space<semaphore_mem>>
      %dma_start3A = arith.constant 0 : i32
      %dma_start3A_94 = tpu.memref_slice %arg7[%arg0, %add3A_35, %dma_start3A] : memref<2x10240x128xf32, #tpu.memory_space<hbm>> -> memref<1x64x128xf32, #tpu.memory_space<hbm>>
      %dma_start3A_95 = tpu.memref_squeeze %dma_start3A_94 : memref<1x64x128xf32, #tpu.memory_space<hbm>> -> memref<64x128xf32, #tpu.memory_space<hbm>>
      %dma_start3A_96 = arith.constant 0 : i32
      %dma_start3A_97 = tpu.memref_slice %arg7[%arg0, %add3A_35, %dma_start3A_96] : memref<2x10240x128xf32, #tpu.memory_space<hbm>> -> memref<1x64x128xf32, #tpu.memory_space<hbm>>
      %dma_start3A_98 = tpu.memref_squeeze %dma_start3A_97 : memref<1x64x128xf32, #tpu.memory_space<hbm>> -> memref<64x128xf32, #tpu.memory_space<hbm>>
      tpu.enqueue_dma source(%arg11 : memref<64x128xf32, #tpu.memory_space<vmem>>) target(%dma_start3A_98 : memref<64x128xf32, #tpu.memory_space<hbm>>) target_semaphore(%run_scoped3A : memref<!tpu.dma_semaphore, #tpu.memory_space<semaphore_mem>>)
      %dma_wait3A = arith.constant 0 : i32
      %dma_wait3A_99 = tpu.memref_slice %arg7[%arg0, %add3A_35, %dma_wait3A] : memref<2x10240x128xf32, #tpu.memory_space<hbm>> -> memref<1x64x128xf32, #tpu.memory_space<hbm>>
      %dma_wait3A_100 = tpu.memref_squeeze %dma_wait3A_99 : memref<1x64x128xf32, #tpu.memory_space<hbm>> -> memref<64x128xf32, #tpu.memory_space<hbm>>
      %dma_wait3A_101 = arith.constant 0 : i32
      %dma_wait3A_102 = tpu.memref_slice %arg7[%arg0, %add3A_35, %dma_wait3A_101] : memref<2x10240x128xf32, #tpu.memory_space<hbm>> -> memref<1x64x128xf32, #tpu.memory_space<hbm>>
      %dma_wait3A_103 = tpu.memref_squeeze %dma_wait3A_102 : memref<1x64x128xf32, #tpu.memory_space<hbm>> -> memref<64x128xf32, #tpu.memory_space<hbm>>
      tpu.wait_dma2 semaphore(%run_scoped3A : memref<!tpu.dma_semaphore, #tpu.memory_space<semaphore_mem>>) src(%arg11 : memref<64x128xf32, #tpu.memory_space<vmem>>) dst(%dma_wait3A_103 : memref<64x128xf32, #tpu.memory_space<hbm>>)
      tpu.yield
    }) : () -> ()
    %add3A_36 = arith.constant 320 : i32
    %add3A_37 = arith.addi %mul3A_0, %add3A_36 : i32
    "tpu.region"() ({
      %run_scoped3A = tpu.sem_alloc : memref<!tpu.dma_semaphore, #tpu.memory_space<semaphore_mem>>
      %dma_start3A = arith.constant 0 : i32
      %dma_start3A_94 = tpu.memref_slice %arg13[%add3A_37, %dma_start3A] : memref<10240x128xf32, #tpu.memory_space<vmem_shared>> -> memref<64x128xf32, #tpu.memory_space<vmem_shared>>
      %dma_start3A_95 = arith.constant 0 : i32
      %dma_start3A_96 = tpu.memref_slice %arg13[%add3A_37, %dma_start3A_95] : memref<10240x128xf32, #tpu.memory_space<vmem_shared>> -> memref<64x128xf32, #tpu.memory_space<vmem_shared>>
      tpu.enqueue_dma source(%dma_start3A_96 : memref<64x128xf32, #tpu.memory_space<vmem_shared>>) target(%arg11 : memref<64x128xf32, #tpu.memory_space<vmem>>) target_semaphore(%run_scoped3A : memref<!tpu.dma_semaphore, #tpu.memory_space<semaphore_mem>>)
      %dma_wait3A = arith.constant 0 : i32
      %dma_wait3A_97 = tpu.memref_slice %arg13[%add3A_37, %dma_wait3A] : memref<10240x128xf32, #tpu.memory_space<vmem_shared>> -> memref<64x128xf32, #tpu.memory_space<vmem_shared>>
      %dma_wait3A_98 = arith.constant 0 : i32
      %dma_wait3A_99 = tpu.memref_slice %arg13[%add3A_37, %dma_wait3A_98] : memref<10240x128xf32, #tpu.memory_space<vmem_shared>> -> memref<64x128xf32, #tpu.memory_space<vmem_shared>>
      tpu.wait_dma2 semaphore(%run_scoped3A : memref<!tpu.dma_semaphore, #tpu.memory_space<semaphore_mem>>) src(%dma_wait3A_99 : memref<64x128xf32, #tpu.memory_space<vmem_shared>>) dst(%arg11 : memref<64x128xf32, #tpu.memory_space<vmem>>)
      tpu.yield
    }) : () -> ()
    "tpu.region"() ({
      %run_scoped3A = tpu.sem_alloc : memref<!tpu.dma_semaphore, #tpu.memory_space<semaphore_mem>>
      %dma_start3A = arith.constant 0 : i32
      %dma_start3A_94 = tpu.memref_slice %arg7[%arg0, %add3A_37, %dma_start3A] : memref<2x10240x128xf32, #tpu.memory_space<hbm>> -> memref<1x64x128xf32, #tpu.memory_space<hbm>>
      %dma_start3A_95 = tpu.memref_squeeze %dma_start3A_94 : memref<1x64x128xf32, #tpu.memory_space<hbm>> -> memref<64x128xf32, #tpu.memory_space<hbm>>
      %dma_start3A_96 = arith.constant 0 : i32
      %dma_start3A_97 = tpu.memref_slice %arg7[%arg0, %add3A_37, %dma_start3A_96] : memref<2x10240x128xf32, #tpu.memory_space<hbm>> -> memref<1x64x128xf32, #tpu.memory_space<hbm>>
      %dma_start3A_98 = tpu.memref_squeeze %dma_start3A_97 : memref<1x64x128xf32, #tpu.memory_space<hbm>> -> memref<64x128xf32, #tpu.memory_space<hbm>>
      tpu.enqueue_dma source(%arg11 : memref<64x128xf32, #tpu.memory_space<vmem>>) target(%dma_start3A_98 : memref<64x128xf32, #tpu.memory_space<hbm>>) target_semaphore(%run_scoped3A : memref<!tpu.dma_semaphore, #tpu.memory_space<semaphore_mem>>)
      %dma_wait3A = arith.constant 0 : i32
      %dma_wait3A_99 = tpu.memref_slice %arg7[%arg0, %add3A_37, %dma_wait3A] : memref<2x10240x128xf32, #tpu.memory_space<hbm>> -> memref<1x64x128xf32, #tpu.memory_space<hbm>>
      %dma_wait3A_100 = tpu.memref_squeeze %dma_wait3A_99 : memref<1x64x128xf32, #tpu.memory_space<hbm>> -> memref<64x128xf32, #tpu.memory_space<hbm>>
      %dma_wait3A_101 = arith.constant 0 : i32
      %dma_wait3A_102 = tpu.memref_slice %arg7[%arg0, %add3A_37, %dma_wait3A_101] : memref<2x10240x128xf32, #tpu.memory_space<hbm>> -> memref<1x64x128xf32, #tpu.memory_space<hbm>>
      %dma_wait3A_103 = tpu.memref_squeeze %dma_wait3A_102 : memref<1x64x128xf32, #tpu.memory_space<hbm>> -> memref<64x128xf32, #tpu.memory_space<hbm>>
      tpu.wait_dma2 semaphore(%run_scoped3A : memref<!tpu.dma_semaphore, #tpu.memory_space<semaphore_mem>>) src(%arg11 : memref<64x128xf32, #tpu.memory_space<vmem>>) dst(%dma_wait3A_103 : memref<64x128xf32, #tpu.memory_space<hbm>>)
      tpu.yield
    }) : () -> ()
    %add3A_38 = arith.constant 384 : i32
    %add3A_39 = arith.addi %mul3A_0, %add3A_38 : i32
    "tpu.region"() ({
      %run_scoped3A = tpu.sem_alloc : memref<!tpu.dma_semaphore, #tpu.memory_space<semaphore_mem>>
      %dma_start3A = arith.constant 0 : i32
      %dma_start3A_94 = tpu.memref_slice %arg13[%add3A_39, %dma_start3A] : memref<10240x128xf32, #tpu.memory_space<vmem_shared>> -> memref<64x128xf32, #tpu.memory_space<vmem_shared>>
      %dma_start3A_95 = arith.constant 0 : i32
      %dma_start3A_96 = tpu.memref_slice %arg13[%add3A_39, %dma_start3A_95] : memref<10240x128xf32, #tpu.memory_space<vmem_shared>> -> memref<64x128xf32, #tpu.memory_space<vmem_shared>>
      tpu.enqueue_dma source(%dma_start3A_96 : memref<64x128xf32, #tpu.memory_space<vmem_shared>>) target(%arg11 : memref<64x128xf32, #tpu.memory_space<vmem>>) target_semaphore(%run_scoped3A : memref<!tpu.dma_semaphore, #tpu.memory_space<semaphore_mem>>)
      %dma_wait3A = arith.constant 0 : i32
      %dma_wait3A_97 = tpu.memref_slice %arg13[%add3A_39, %dma_wait3A] : memref<10240x128xf32, #tpu.memory_space<vmem_shared>> -> memref<64x128xf32, #tpu.memory_space<vmem_shared>>
      %dma_wait3A_98 = arith.constant 0 : i32
      %dma_wait3A_99 = tpu.memref_slice %arg13[%add3A_39, %dma_wait3A_98] : memref<10240x128xf32, #tpu.memory_space<vmem_shared>> -> memref<64x128xf32, #tpu.memory_space<vmem_shared>>
      tpu.wait_dma2 semaphore(%run_scoped3A : memref<!tpu.dma_semaphore, #tpu.memory_space<semaphore_mem>>) src(%dma_wait3A_99 : memref<64x128xf32, #tpu.memory_space<vmem_shared>>) dst(%arg11 : memref<64x128xf32, #tpu.memory_space<vmem>>)
      tpu.yield
    }) : () -> ()
    "tpu.region"() ({
      %run_scoped3A = tpu.sem_alloc : memref<!tpu.dma_semaphore, #tpu.memory_space<semaphore_mem>>
      %dma_start3A = arith.constant 0 : i32
      %dma_start3A_94 = tpu.memref_slice %arg7[%arg0, %add3A_39, %dma_start3A] : memref<2x10240x128xf32, #tpu.memory_space<hbm>> -> memref<1x64x128xf32, #tpu.memory_space<hbm>>
      %dma_start3A_95 = tpu.memref_squeeze %dma_start3A_94 : memref<1x64x128xf32, #tpu.memory_space<hbm>> -> memref<64x128xf32, #tpu.memory_space<hbm>>
      %dma_start3A_96 = arith.constant 0 : i32
      %dma_start3A_97 = tpu.memref_slice %arg7[%arg0, %add3A_39, %dma_start3A_96] : memref<2x10240x128xf32, #tpu.memory_space<hbm>> -> memref<1x64x128xf32, #tpu.memory_space<hbm>>
      %dma_start3A_98 = tpu.memref_squeeze %dma_start3A_97 : memref<1x64x128xf32, #tpu.memory_space<hbm>> -> memref<64x128xf32, #tpu.memory_space<hbm>>
      tpu.enqueue_dma source(%arg11 : memref<64x128xf32, #tpu.memory_space<vmem>>) target(%dma_start3A_98 : memref<64x128xf32, #tpu.memory_space<hbm>>) target_semaphore(%run_scoped3A : memref<!tpu.dma_semaphore, #tpu.memory_space<semaphore_mem>>)
      %dma_wait3A = arith.constant 0 : i32
      %dma_wait3A_99 = tpu.memref_slice %arg7[%arg0, %add3A_39, %dma_wait3A] : memref<2x10240x128xf32, #tpu.memory_space<hbm>> -> memref<1x64x128xf32, #tpu.memory_space<hbm>>
      %dma_wait3A_100 = tpu.memref_squeeze %dma_wait3A_99 : memref<1x64x128xf32, #tpu.memory_space<hbm>> -> memref<64x128xf32, #tpu.memory_space<hbm>>
      %dma_wait3A_101 = arith.constant 0 : i32
      %dma_wait3A_102 = tpu.memref_slice %arg7[%arg0, %add3A_39, %dma_wait3A_101] : memref<2x10240x128xf32, #tpu.memory_space<hbm>> -> memref<1x64x128xf32, #tpu.memory_space<hbm>>
      %dma_wait3A_103 = tpu.memref_squeeze %dma_wait3A_102 : memref<1x64x128xf32, #tpu.memory_space<hbm>> -> memref<64x128xf32, #tpu.memory_space<hbm>>
      tpu.wait_dma2 semaphore(%run_scoped3A : memref<!tpu.dma_semaphore, #tpu.memory_space<semaphore_mem>>) src(%arg11 : memref<64x128xf32, #tpu.memory_space<vmem>>) dst(%dma_wait3A_103 : memref<64x128xf32, #tpu.memory_space<hbm>>)
      tpu.yield
    }) : () -> ()
    %add3A_40 = arith.constant 448 : i32
    %add3A_41 = arith.addi %mul3A_0, %add3A_40 : i32
    "tpu.region"() ({
      %run_scoped3A = tpu.sem_alloc : memref<!tpu.dma_semaphore, #tpu.memory_space<semaphore_mem>>
      %dma_start3A = arith.constant 0 : i32
      %dma_start3A_94 = tpu.memref_slice %arg13[%add3A_41, %dma_start3A] : memref<10240x128xf32, #tpu.memory_space<vmem_shared>> -> memref<64x128xf32, #tpu.memory_space<vmem_shared>>
      %dma_start3A_95 = arith.constant 0 : i32
      %dma_start3A_96 = tpu.memref_slice %arg13[%add3A_41, %dma_start3A_95] : memref<10240x128xf32, #tpu.memory_space<vmem_shared>> -> memref<64x128xf32, #tpu.memory_space<vmem_shared>>
      tpu.enqueue_dma source(%dma_start3A_96 : memref<64x128xf32, #tpu.memory_space<vmem_shared>>) target(%arg11 : memref<64x128xf32, #tpu.memory_space<vmem>>) target_semaphore(%run_scoped3A : memref<!tpu.dma_semaphore, #tpu.memory_space<semaphore_mem>>)
      %dma_wait3A = arith.constant 0 : i32
      %dma_wait3A_97 = tpu.memref_slice %arg13[%add3A_41, %dma_wait3A] : memref<10240x128xf32, #tpu.memory_space<vmem_shared>> -> memref<64x128xf32, #tpu.memory_space<vmem_shared>>
      %dma_wait3A_98 = arith.constant 0 : i32
      %dma_wait3A_99 = tpu.memref_slice %arg13[%add3A_41, %dma_wait3A_98] : memref<10240x128xf32, #tpu.memory_space<vmem_shared>> -> memref<64x128xf32, #tpu.memory_space<vmem_shared>>
      tpu.wait_dma2 semaphore(%run_scoped3A : memref<!tpu.dma_semaphore, #tpu.memory_space<semaphore_mem>>) src(%dma_wait3A_99 : memref<64x128xf32, #tpu.memory_space<vmem_shared>>) dst(%arg11 : memref<64x128xf32, #tpu.memory_space<vmem>>)
      tpu.yield
    }) : () -> ()
    "tpu.region"() ({
      %run_scoped3A = tpu.sem_alloc : memref<!tpu.dma_semaphore, #tpu.memory_space<semaphore_mem>>
      %dma_start3A = arith.constant 0 : i32
      %dma_start3A_94 = tpu.memref_slice %arg7[%arg0, %add3A_41, %dma_start3A] : memref<2x10240x128xf32, #tpu.memory_space<hbm>> -> memref<1x64x128xf32, #tpu.memory_space<hbm>>
      %dma_start3A_95 = tpu.memref_squeeze %dma_start3A_94 : memref<1x64x128xf32, #tpu.memory_space<hbm>> -> memref<64x128xf32, #tpu.memory_space<hbm>>
      %dma_start3A_96 = arith.constant 0 : i32
      %dma_start3A_97 = tpu.memref_slice %arg7[%arg0, %add3A_41, %dma_start3A_96] : memref<2x10240x128xf32, #tpu.memory_space<hbm>> -> memref<1x64x128xf32, #tpu.memory_space<hbm>>
      %dma_start3A_98 = tpu.memref_squeeze %dma_start3A_97 : memref<1x64x128xf32, #tpu.memory_space<hbm>> -> memref<64x128xf32, #tpu.memory_space<hbm>>
      tpu.enqueue_dma source(%arg11 : memref<64x128xf32, #tpu.memory_space<vmem>>) target(%dma_start3A_98 : memref<64x128xf32, #tpu.memory_space<hbm>>) target_semaphore(%run_scoped3A : memref<!tpu.dma_semaphore, #tpu.memory_space<semaphore_mem>>)
      %dma_wait3A = arith.constant 0 : i32
      %dma_wait3A_99 = tpu.memref_slice %arg7[%arg0, %add3A_41, %dma_wait3A] : memref<2x10240x128xf32, #tpu.memory_space<hbm>> -> memref<1x64x128xf32, #tpu.memory_space<hbm>>
      %dma_wait3A_100 = tpu.memref_squeeze %dma_wait3A_99 : memref<1x64x128xf32, #tpu.memory_space<hbm>> -> memref<64x128xf32, #tpu.memory_space<hbm>>
      %dma_wait3A_101 = arith.constant 0 : i32
      %dma_wait3A_102 = tpu.memref_slice %arg7[%arg0, %add3A_41, %dma_wait3A_101] : memref<2x10240x128xf32, #tpu.memory_space<hbm>> -> memref<1x64x128xf32, #tpu.memory_space<hbm>>
      %dma_wait3A_103 = tpu.memref_squeeze %dma_wait3A_102 : memref<1x64x128xf32, #tpu.memory_space<hbm>> -> memref<64x128xf32, #tpu.memory_space<hbm>>
      tpu.wait_dma2 semaphore(%run_scoped3A : memref<!tpu.dma_semaphore, #tpu.memory_space<semaphore_mem>>) src(%arg11 : memref<64x128xf32, #tpu.memory_space<vmem>>) dst(%dma_wait3A_103 : memref<64x128xf32, #tpu.memory_space<hbm>>)
      tpu.yield
    }) : () -> ()
    %add3A_42 = arith.constant 512 : i32
    %add3A_43 = arith.addi %mul3A_0, %add3A_42 : i32
    "tpu.region"() ({
      %run_scoped3A = tpu.sem_alloc : memref<!tpu.dma_semaphore, #tpu.memory_space<semaphore_mem>>
      %dma_start3A = arith.constant 0 : i32
      %dma_start3A_94 = tpu.memref_slice %arg13[%add3A_43, %dma_start3A] : memref<10240x128xf32, #tpu.memory_space<vmem_shared>> -> memref<64x128xf32, #tpu.memory_space<vmem_shared>>
      %dma_start3A_95 = arith.constant 0 : i32
      %dma_start3A_96 = tpu.memref_slice %arg13[%add3A_43, %dma_start3A_95] : memref<10240x128xf32, #tpu.memory_space<vmem_shared>> -> memref<64x128xf32, #tpu.memory_space<vmem_shared>>
      tpu.enqueue_dma source(%dma_start3A_96 : memref<64x128xf32, #tpu.memory_space<vmem_shared>>) target(%arg11 : memref<64x128xf32, #tpu.memory_space<vmem>>) target_semaphore(%run_scoped3A : memref<!tpu.dma_semaphore, #tpu.memory_space<semaphore_mem>>)
      %dma_wait3A = arith.constant 0 : i32
      %dma_wait3A_97 = tpu.memref_slice %arg13[%add3A_43, %dma_wait3A] : memref<10240x128xf32, #tpu.memory_space<vmem_shared>> -> memref<64x128xf32, #tpu.memory_space<vmem_shared>>
      %dma_wait3A_98 = arith.constant 0 : i32
      %dma_wait3A_99 = tpu.memref_slice %arg13[%add3A_43, %dma_wait3A_98] : memref<10240x128xf32, #tpu.memory_space<vmem_shared>> -> memref<64x128xf32, #tpu.memory_space<vmem_shared>>
      tpu.wait_dma2 semaphore(%run_scoped3A : memref<!tpu.dma_semaphore, #tpu.memory_space<semaphore_mem>>) src(%dma_wait3A_99 : memref<64x128xf32, #tpu.memory_space<vmem_shared>>) dst(%arg11 : memref<64x128xf32, #tpu.memory_space<vmem>>)
      tpu.yield
    }) : () -> ()
    "tpu.region"() ({
      %run_scoped3A = tpu.sem_alloc : memref<!tpu.dma_semaphore, #tpu.memory_space<semaphore_mem>>
      %dma_start3A = arith.constant 0 : i32
      %dma_start3A_94 = tpu.memref_slice %arg7[%arg0, %add3A_43, %dma_start3A] : memref<2x10240x128xf32, #tpu.memory_space<hbm>> -> memref<1x64x128xf32, #tpu.memory_space<hbm>>
      %dma_start3A_95 = tpu.memref_squeeze %dma_start3A_94 : memref<1x64x128xf32, #tpu.memory_space<hbm>> -> memref<64x128xf32, #tpu.memory_space<hbm>>
      %dma_start3A_96 = arith.constant 0 : i32
      %dma_start3A_97 = tpu.memref_slice %arg7[%arg0, %add3A_43, %dma_start3A_96] : memref<2x10240x128xf32, #tpu.memory_space<hbm>> -> memref<1x64x128xf32, #tpu.memory_space<hbm>>
      %dma_start3A_98 = tpu.memref_squeeze %dma_start3A_97 : memref<1x64x128xf32, #tpu.memory_space<hbm>> -> memref<64x128xf32, #tpu.memory_space<hbm>>
      tpu.enqueue_dma source(%arg11 : memref<64x128xf32, #tpu.memory_space<vmem>>) target(%dma_start3A_98 : memref<64x128xf32, #tpu.memory_space<hbm>>) target_semaphore(%run_scoped3A : memref<!tpu.dma_semaphore, #tpu.memory_space<semaphore_mem>>)
      %dma_wait3A = arith.constant 0 : i32
      %dma_wait3A_99 = tpu.memref_slice %arg7[%arg0, %add3A_43, %dma_wait3A] : memref<2x10240x128xf32, #tpu.memory_space<hbm>> -> memref<1x64x128xf32, #tpu.memory_space<hbm>>
      %dma_wait3A_100 = tpu.memref_squeeze %dma_wait3A_99 : memref<1x64x128xf32, #tpu.memory_space<hbm>> -> memref<64x128xf32, #tpu.memory_space<hbm>>
      %dma_wait3A_101 = arith.constant 0 : i32
      %dma_wait3A_102 = tpu.memref_slice %arg7[%arg0, %add3A_43, %dma_wait3A_101] : memref<2x10240x128xf32, #tpu.memory_space<hbm>> -> memref<1x64x128xf32, #tpu.memory_space<hbm>>
      %dma_wait3A_103 = tpu.memref_squeeze %dma_wait3A_102 : memref<1x64x128xf32, #tpu.memory_space<hbm>> -> memref<64x128xf32, #tpu.memory_space<hbm>>
      tpu.wait_dma2 semaphore(%run_scoped3A : memref<!tpu.dma_semaphore, #tpu.memory_space<semaphore_mem>>) src(%arg11 : memref<64x128xf32, #tpu.memory_space<vmem>>) dst(%dma_wait3A_103 : memref<64x128xf32, #tpu.memory_space<hbm>>)
      tpu.yield
    }) : () -> ()
    %add3A_44 = arith.constant 576 : i32
    %add3A_45 = arith.addi %mul3A_0, %add3A_44 : i32
    "tpu.region"() ({
      %run_scoped3A = tpu.sem_alloc : memref<!tpu.dma_semaphore, #tpu.memory_space<semaphore_mem>>
      %dma_start3A = arith.constant 0 : i32
      %dma_start3A_94 = tpu.memref_slice %arg13[%add3A_45, %dma_start3A] : memref<10240x128xf32, #tpu.memory_space<vmem_shared>> -> memref<64x128xf32, #tpu.memory_space<vmem_shared>>
      %dma_start3A_95 = arith.constant 0 : i32
      %dma_start3A_96 = tpu.memref_slice %arg13[%add3A_45, %dma_start3A_95] : memref<10240x128xf32, #tpu.memory_space<vmem_shared>> -> memref<64x128xf32, #tpu.memory_space<vmem_shared>>
      tpu.enqueue_dma source(%dma_start3A_96 : memref<64x128xf32, #tpu.memory_space<vmem_shared>>) target(%arg11 : memref<64x128xf32, #tpu.memory_space<vmem>>) target_semaphore(%run_scoped3A : memref<!tpu.dma_semaphore, #tpu.memory_space<semaphore_mem>>)
      %dma_wait3A = arith.constant 0 : i32
      %dma_wait3A_97 = tpu.memref_slice %arg13[%add3A_45, %dma_wait3A] : memref<10240x128xf32, #tpu.memory_space<vmem_shared>> -> memref<64x128xf32, #tpu.memory_space<vmem_shared>>
      %dma_wait3A_98 = arith.constant 0 : i32
      %dma_wait3A_99 = tpu.memref_slice %arg13[%add3A_45, %dma_wait3A_98] : memref<10240x128xf32, #tpu.memory_space<vmem_shared>> -> memref<64x128xf32, #tpu.memory_space<vmem_shared>>
      tpu.wait_dma2 semaphore(%run_scoped3A : memref<!tpu.dma_semaphore, #tpu.memory_space<semaphore_mem>>) src(%dma_wait3A_99 : memref<64x128xf32, #tpu.memory_space<vmem_shared>>) dst(%arg11 : memref<64x128xf32, #tpu.memory_space<vmem>>)
      tpu.yield
    }) : () -> ()
    "tpu.region"() ({
      %run_scoped3A = tpu.sem_alloc : memref<!tpu.dma_semaphore, #tpu.memory_space<semaphore_mem>>
      %dma_start3A = arith.constant 0 : i32
      %dma_start3A_94 = tpu.memref_slice %arg7[%arg0, %add3A_45, %dma_start3A] : memref<2x10240x128xf32, #tpu.memory_space<hbm>> -> memref<1x64x128xf32, #tpu.memory_space<hbm>>
      %dma_start3A_95 = tpu.memref_squeeze %dma_start3A_94 : memref<1x64x128xf32, #tpu.memory_space<hbm>> -> memref<64x128xf32, #tpu.memory_space<hbm>>
      %dma_start3A_96 = arith.constant 0 : i32
      %dma_start3A_97 = tpu.memref_slice %arg7[%arg0, %add3A_45, %dma_start3A_96] : memref<2x10240x128xf32, #tpu.memory_space<hbm>> -> memref<1x64x128xf32, #tpu.memory_space<hbm>>
      %dma_start3A_98 = tpu.memref_squeeze %dma_start3A_97 : memref<1x64x128xf32, #tpu.memory_space<hbm>> -> memref<64x128xf32, #tpu.memory_space<hbm>>
      tpu.enqueue_dma source(%arg11 : memref<64x128xf32, #tpu.memory_space<vmem>>) target(%dma_start3A_98 : memref<64x128xf32, #tpu.memory_space<hbm>>) target_semaphore(%run_scoped3A : memref<!tpu.dma_semaphore, #tpu.memory_space<semaphore_mem>>)
      %dma_wait3A = arith.constant 0 : i32
      %dma_wait3A_99 = tpu.memref_slice %arg7[%arg0, %add3A_45, %dma_wait3A] : memref<2x10240x128xf32, #tpu.memory_space<hbm>> -> memref<1x64x128xf32, #tpu.memory_space<hbm>>
      %dma_wait3A_100 = tpu.memref_squeeze %dma_wait3A_99 : memref<1x64x128xf32, #tpu.memory_space<hbm>> -> memref<64x128xf32, #tpu.memory_space<hbm>>
      %dma_wait3A_101 = arith.constant 0 : i32
      %dma_wait3A_102 = tpu.memref_slice %arg7[%arg0, %add3A_45, %dma_wait3A_101] : memref<2x10240x128xf32, #tpu.memory_space<hbm>> -> memref<1x64x128xf32, #tpu.memory_space<hbm>>
      %dma_wait3A_103 = tpu.memref_squeeze %dma_wait3A_102 : memref<1x64x128xf32, #tpu.memory_space<hbm>> -> memref<64x128xf32, #tpu.memory_space<hbm>>
      tpu.wait_dma2 semaphore(%run_scoped3A : memref<!tpu.dma_semaphore, #tpu.memory_space<semaphore_mem>>) src(%arg11 : memref<64x128xf32, #tpu.memory_space<vmem>>) dst(%dma_wait3A_103 : memref<64x128xf32, #tpu.memory_space<hbm>>)
      tpu.yield
    }) : () -> ()
    "tpu.region"() ({
      %run_scoped3A = tpu.sem_alloc : memref<!tpu.dma_semaphore, #tpu.memory_space<semaphore_mem>>
      tpu.enqueue_dma source(%arg5 : memref<64x128xf32, #tpu.memory_space<hbm>>) target(%arg11 : memref<64x128xf32, #tpu.memory_space<vmem>>) target_semaphore(%run_scoped3A : memref<!tpu.dma_semaphore, #tpu.memory_space<semaphore_mem>>)
      tpu.wait_dma2 semaphore(%run_scoped3A : memref<!tpu.dma_semaphore, #tpu.memory_space<semaphore_mem>>) src(%arg5 : memref<64x128xf32, #tpu.memory_space<hbm>>) dst(%arg11 : memref<64x128xf32, #tpu.memory_space<vmem>>)
      tpu.yield
    }) : () -> ()
    %add3A_46 = arith.constant 0 : i32
    %add3A_47 = arith.addi %mul3A_0, %add3A_46 : i32
    "tpu.region"() ({
      %run_scoped3A = tpu.sem_alloc : memref<!tpu.dma_semaphore, #tpu.memory_space<semaphore_mem>>
      %dma_start3A = arith.constant 0 : i32
      %dma_start3A_94 = tpu.memref_slice %arg13[%add3A_47, %dma_start3A] : memref<10240x128xf32, #tpu.memory_space<vmem_shared>> -> memref<64x128xf32, #tpu.memory_space<vmem_shared>>
      %dma_start3A_95 = arith.constant 0 : i32
      %dma_start3A_96 = tpu.memref_slice %arg13[%add3A_47, %dma_start3A_95] : memref<10240x128xf32, #tpu.memory_space<vmem_shared>> -> memref<64x128xf32, #tpu.memory_space<vmem_shared>>
      tpu.enqueue_dma source(%arg11 : memref<64x128xf32, #tpu.memory_space<vmem>>) target(%dma_start3A_96 : memref<64x128xf32, #tpu.memory_space<vmem_shared>>) target_semaphore(%run_scoped3A : memref<!tpu.dma_semaphore, #tpu.memory_space<semaphore_mem>>)
      %dma_wait3A = arith.constant 0 : i32
      %dma_wait3A_97 = tpu.memref_slice %arg13[%add3A_47, %dma_wait3A] : memref<10240x128xf32, #tpu.memory_space<vmem_shared>> -> memref<64x128xf32, #tpu.memory_space<vmem_shared>>
      %dma_wait3A_98 = arith.constant 0 : i32
      %dma_wait3A_99 = tpu.memref_slice %arg13[%add3A_47, %dma_wait3A_98] : memref<10240x128xf32, #tpu.memory_space<vmem_shared>> -> memref<64x128xf32, #tpu.memory_space<vmem_shared>>
      tpu.wait_dma2 semaphore(%run_scoped3A : memref<!tpu.dma_semaphore, #tpu.memory_space<semaphore_mem>>) src(%arg11 : memref<64x128xf32, #tpu.memory_space<vmem>>) dst(%dma_wait3A_99 : memref<64x128xf32, #tpu.memory_space<vmem_shared>>)
      tpu.yield
    }) : () -> ()
    %add3A_48 = arith.constant 64 : i32
    %add3A_49 = arith.addi %mul3A_0, %add3A_48 : i32
    "tpu.region"() ({
      %run_scoped3A = tpu.sem_alloc : memref<!tpu.dma_semaphore, #tpu.memory_space<semaphore_mem>>
      %dma_start3A = arith.constant 0 : i32
      %dma_start3A_94 = tpu.memref_slice %arg13[%add3A_49, %dma_start3A] : memref<10240x128xf32, #tpu.memory_space<vmem_shared>> -> memref<64x128xf32, #tpu.memory_space<vmem_shared>>
      %dma_start3A_95 = arith.constant 0 : i32
      %dma_start3A_96 = tpu.memref_slice %arg13[%add3A_49, %dma_start3A_95] : memref<10240x128xf32, #tpu.memory_space<vmem_shared>> -> memref<64x128xf32, #tpu.memory_space<vmem_shared>>
      tpu.enqueue_dma source(%arg11 : memref<64x128xf32, #tpu.memory_space<vmem>>) target(%dma_start3A_96 : memref<64x128xf32, #tpu.memory_space<vmem_shared>>) target_semaphore(%run_scoped3A : memref<!tpu.dma_semaphore, #tpu.memory_space<semaphore_mem>>)
      %dma_wait3A = arith.constant 0 : i32
      %dma_wait3A_97 = tpu.memref_slice %arg13[%add3A_49, %dma_wait3A] : memref<10240x128xf32, #tpu.memory_space<vmem_shared>> -> memref<64x128xf32, #tpu.memory_space<vmem_shared>>
      %dma_wait3A_98 = arith.constant 0 : i32
      %dma_wait3A_99 = tpu.memref_slice %arg13[%add3A_49, %dma_wait3A_98] : memref<10240x128xf32, #tpu.memory_space<vmem_shared>> -> memref<64x128xf32, #tpu.memory_space<vmem_shared>>
      tpu.wait_dma2 semaphore(%run_scoped3A : memref<!tpu.dma_semaphore, #tpu.memory_space<semaphore_mem>>) src(%arg11 : memref<64x128xf32, #tpu.memory_space<vmem>>) dst(%dma_wait3A_99 : memref<64x128xf32, #tpu.memory_space<vmem_shared>>)
      tpu.yield
    }) : () -> ()
    %add3A_50 = arith.constant 128 : i32
    %add3A_51 = arith.addi %mul3A_0, %add3A_50 : i32
    "tpu.region"() ({
      %run_scoped3A = tpu.sem_alloc : memref<!tpu.dma_semaphore, #tpu.memory_space<semaphore_mem>>
      %dma_start3A = arith.constant 0 : i32
      %dma_start3A_94 = tpu.memref_slice %arg13[%add3A_51, %dma_start3A] : memref<10240x128xf32, #tpu.memory_space<vmem_shared>> -> memref<64x128xf32, #tpu.memory_space<vmem_shared>>
      %dma_start3A_95 = arith.constant 0 : i32
      %dma_start3A_96 = tpu.memref_slice %arg13[%add3A_51, %dma_start3A_95] : memref<10240x128xf32, #tpu.memory_space<vmem_shared>> -> memref<64x128xf32, #tpu.memory_space<vmem_shared>>
      tpu.enqueue_dma source(%arg11 : memref<64x128xf32, #tpu.memory_space<vmem>>) target(%dma_start3A_96 : memref<64x128xf32, #tpu.memory_space<vmem_shared>>) target_semaphore(%run_scoped3A : memref<!tpu.dma_semaphore, #tpu.memory_space<semaphore_mem>>)
      %dma_wait3A = arith.constant 0 : i32
      %dma_wait3A_97 = tpu.memref_slice %arg13[%add3A_51, %dma_wait3A] : memref<10240x128xf32, #tpu.memory_space<vmem_shared>> -> memref<64x128xf32, #tpu.memory_space<vmem_shared>>
      %dma_wait3A_98 = arith.constant 0 : i32
      %dma_wait3A_99 = tpu.memref_slice %arg13[%add3A_51, %dma_wait3A_98] : memref<10240x128xf32, #tpu.memory_space<vmem_shared>> -> memref<64x128xf32, #tpu.memory_space<vmem_shared>>
      tpu.wait_dma2 semaphore(%run_scoped3A : memref<!tpu.dma_semaphore, #tpu.memory_space<semaphore_mem>>) src(%arg11 : memref<64x128xf32, #tpu.memory_space<vmem>>) dst(%dma_wait3A_99 : memref<64x128xf32, #tpu.memory_space<vmem_shared>>)
      tpu.yield
    }) : () -> ()
    %add3A_52 = arith.constant 192 : i32
    %add3A_53 = arith.addi %mul3A_0, %add3A_52 : i32
    "tpu.region"() ({
      %run_scoped3A = tpu.sem_alloc : memref<!tpu.dma_semaphore, #tpu.memory_space<semaphore_mem>>
      %dma_start3A = arith.constant 0 : i32
      %dma_start3A_94 = tpu.memref_slice %arg13[%add3A_53, %dma_start3A] : memref<10240x128xf32, #tpu.memory_space<vmem_shared>> -> memref<64x128xf32, #tpu.memory_space<vmem_shared>>
      %dma_start3A_95 = arith.constant 0 : i32
      %dma_start3A_96 = tpu.memref_slice %arg13[%add3A_53, %dma_start3A_95] : memref<10240x128xf32, #tpu.memory_space<vmem_shared>> -> memref<64x128xf32, #tpu.memory_space<vmem_shared>>
      tpu.enqueue_dma source(%arg11 : memref<64x128xf32, #tpu.memory_space<vmem>>) target(%dma_start3A_96 : memref<64x128xf32, #tpu.memory_space<vmem_shared>>) target_semaphore(%run_scoped3A : memref<!tpu.dma_semaphore, #tpu.memory_space<semaphore_mem>>)
      %dma_wait3A = arith.constant 0 : i32
      %dma_wait3A_97 = tpu.memref_slice %arg13[%add3A_53, %dma_wait3A] : memref<10240x128xf32, #tpu.memory_space<vmem_shared>> -> memref<64x128xf32, #tpu.memory_space<vmem_shared>>
      %dma_wait3A_98 = arith.constant 0 : i32
      %dma_wait3A_99 = tpu.memref_slice %arg13[%add3A_53, %dma_wait3A_98] : memref<10240x128xf32, #tpu.memory_space<vmem_shared>> -> memref<64x128xf32, #tpu.memory_space<vmem_shared>>
      tpu.wait_dma2 semaphore(%run_scoped3A : memref<!tpu.dma_semaphore, #tpu.memory_space<semaphore_mem>>) src(%arg11 : memref<64x128xf32, #tpu.memory_space<vmem>>) dst(%dma_wait3A_99 : memref<64x128xf32, #tpu.memory_space<vmem_shared>>)
      tpu.yield
    }) : () -> ()
    %add3A_54 = arith.constant 256 : i32
    %add3A_55 = arith.addi %mul3A_0, %add3A_54 : i32
    "tpu.region"() ({
      %run_scoped3A = tpu.sem_alloc : memref<!tpu.dma_semaphore, #tpu.memory_space<semaphore_mem>>
      %dma_start3A = arith.constant 0 : i32
      %dma_start3A_94 = tpu.memref_slice %arg13[%add3A_55, %dma_start3A] : memref<10240x128xf32, #tpu.memory_space<vmem_shared>> -> memref<64x128xf32, #tpu.memory_space<vmem_shared>>
      %dma_start3A_95 = arith.constant 0 : i32
      %dma_start3A_96 = tpu.memref_slice %arg13[%add3A_55, %dma_start3A_95] : memref<10240x128xf32, #tpu.memory_space<vmem_shared>> -> memref<64x128xf32, #tpu.memory_space<vmem_shared>>
      tpu.enqueue_dma source(%arg11 : memref<64x128xf32, #tpu.memory_space<vmem>>) target(%dma_start3A_96 : memref<64x128xf32, #tpu.memory_space<vmem_shared>>) target_semaphore(%run_scoped3A : memref<!tpu.dma_semaphore, #tpu.memory_space<semaphore_mem>>)
      %dma_wait3A = arith.constant 0 : i32
      %dma_wait3A_97 = tpu.memref_slice %arg13[%add3A_55, %dma_wait3A] : memref<10240x128xf32, #tpu.memory_space<vmem_shared>> -> memref<64x128xf32, #tpu.memory_space<vmem_shared>>
      %dma_wait3A_98 = arith.constant 0 : i32
      %dma_wait3A_99 = tpu.memref_slice %arg13[%add3A_55, %dma_wait3A_98] : memref<10240x128xf32, #tpu.memory_space<vmem_shared>> -> memref<64x128xf32, #tpu.memory_space<vmem_shared>>
      tpu.wait_dma2 semaphore(%run_scoped3A : memref<!tpu.dma_semaphore, #tpu.memory_space<semaphore_mem>>) src(%arg11 : memref<64x128xf32, #tpu.memory_space<vmem>>) dst(%dma_wait3A_99 : memref<64x128xf32, #tpu.memory_space<vmem_shared>>)
      tpu.yield
    }) : () -> ()
    %add3A_56 = arith.constant 320 : i32
    %add3A_57 = arith.addi %mul3A_0, %add3A_56 : i32
    "tpu.region"() ({
      %run_scoped3A = tpu.sem_alloc : memref<!tpu.dma_semaphore, #tpu.memory_space<semaphore_mem>>
      %dma_start3A = arith.constant 0 : i32
      %dma_start3A_94 = tpu.memref_slice %arg13[%add3A_57, %dma_start3A] : memref<10240x128xf32, #tpu.memory_space<vmem_shared>> -> memref<64x128xf32, #tpu.memory_space<vmem_shared>>
      %dma_start3A_95 = arith.constant 0 : i32
      %dma_start3A_96 = tpu.memref_slice %arg13[%add3A_57, %dma_start3A_95] : memref<10240x128xf32, #tpu.memory_space<vmem_shared>> -> memref<64x128xf32, #tpu.memory_space<vmem_shared>>
      tpu.enqueue_dma source(%arg11 : memref<64x128xf32, #tpu.memory_space<vmem>>) target(%dma_start3A_96 : memref<64x128xf32, #tpu.memory_space<vmem_shared>>) target_semaphore(%run_scoped3A : memref<!tpu.dma_semaphore, #tpu.memory_space<semaphore_mem>>)
      %dma_wait3A = arith.constant 0 : i32
      %dma_wait3A_97 = tpu.memref_slice %arg13[%add3A_57, %dma_wait3A] : memref<10240x128xf32, #tpu.memory_space<vmem_shared>> -> memref<64x128xf32, #tpu.memory_space<vmem_shared>>
      %dma_wait3A_98 = arith.constant 0 : i32
      %dma_wait3A_99 = tpu.memref_slice %arg13[%add3A_57, %dma_wait3A_98] : memref<10240x128xf32, #tpu.memory_space<vmem_shared>> -> memref<64x128xf32, #tpu.memory_space<vmem_shared>>
      tpu.wait_dma2 semaphore(%run_scoped3A : memref<!tpu.dma_semaphore, #tpu.memory_space<semaphore_mem>>) src(%arg11 : memref<64x128xf32, #tpu.memory_space<vmem>>) dst(%dma_wait3A_99 : memref<64x128xf32, #tpu.memory_space<vmem_shared>>)
      tpu.yield
    }) : () -> ()
    %add3A_58 = arith.constant 384 : i32
    %add3A_59 = arith.addi %mul3A_0, %add3A_58 : i32
    "tpu.region"() ({
      %run_scoped3A = tpu.sem_alloc : memref<!tpu.dma_semaphore, #tpu.memory_space<semaphore_mem>>
      %dma_start3A = arith.constant 0 : i32
      %dma_start3A_94 = tpu.memref_slice %arg13[%add3A_59, %dma_start3A] : memref<10240x128xf32, #tpu.memory_space<vmem_shared>> -> memref<64x128xf32, #tpu.memory_space<vmem_shared>>
      %dma_start3A_95 = arith.constant 0 : i32
      %dma_start3A_96 = tpu.memref_slice %arg13[%add3A_59, %dma_start3A_95] : memref<10240x128xf32, #tpu.memory_space<vmem_shared>> -> memref<64x128xf32, #tpu.memory_space<vmem_shared>>
      tpu.enqueue_dma source(%arg11 : memref<64x128xf32, #tpu.memory_space<vmem>>) target(%dma_start3A_96 : memref<64x128xf32, #tpu.memory_space<vmem_shared>>) target_semaphore(%run_scoped3A : memref<!tpu.dma_semaphore, #tpu.memory_space<semaphore_mem>>)
      %dma_wait3A = arith.constant 0 : i32
      %dma_wait3A_97 = tpu.memref_slice %arg13[%add3A_59, %dma_wait3A] : memref<10240x128xf32, #tpu.memory_space<vmem_shared>> -> memref<64x128xf32, #tpu.memory_space<vmem_shared>>
      %dma_wait3A_98 = arith.constant 0 : i32
      %dma_wait3A_99 = tpu.memref_slice %arg13[%add3A_59, %dma_wait3A_98] : memref<10240x128xf32, #tpu.memory_space<vmem_shared>> -> memref<64x128xf32, #tpu.memory_space<vmem_shared>>
      tpu.wait_dma2 semaphore(%run_scoped3A : memref<!tpu.dma_semaphore, #tpu.memory_space<semaphore_mem>>) src(%arg11 : memref<64x128xf32, #tpu.memory_space<vmem>>) dst(%dma_wait3A_99 : memref<64x128xf32, #tpu.memory_space<vmem_shared>>)
      tpu.yield
    }) : () -> ()
    %add3A_60 = arith.constant 448 : i32
    %add3A_61 = arith.addi %mul3A_0, %add3A_60 : i32
    "tpu.region"() ({
      %run_scoped3A = tpu.sem_alloc : memref<!tpu.dma_semaphore, #tpu.memory_space<semaphore_mem>>
      %dma_start3A = arith.constant 0 : i32
      %dma_start3A_94 = tpu.memref_slice %arg13[%add3A_61, %dma_start3A] : memref<10240x128xf32, #tpu.memory_space<vmem_shared>> -> memref<64x128xf32, #tpu.memory_space<vmem_shared>>
      %dma_start3A_95 = arith.constant 0 : i32
      %dma_start3A_96 = tpu.memref_slice %arg13[%add3A_61, %dma_start3A_95] : memref<10240x128xf32, #tpu.memory_space<vmem_shared>> -> memref<64x128xf32, #tpu.memory_space<vmem_shared>>
      tpu.enqueue_dma source(%arg11 : memref<64x128xf32, #tpu.memory_space<vmem>>) target(%dma_start3A_96 : memref<64x128xf32, #tpu.memory_space<vmem_shared>>) target_semaphore(%run_scoped3A : memref<!tpu.dma_semaphore, #tpu.memory_space<semaphore_mem>>)
      %dma_wait3A = arith.constant 0 : i32
      %dma_wait3A_97 = tpu.memref_slice %arg13[%add3A_61, %dma_wait3A] : memref<10240x128xf32, #tpu.memory_space<vmem_shared>> -> memref<64x128xf32, #tpu.memory_space<vmem_shared>>
      %dma_wait3A_98 = arith.constant 0 : i32
      %dma_wait3A_99 = tpu.memref_slice %arg13[%add3A_61, %dma_wait3A_98] : memref<10240x128xf32, #tpu.memory_space<vmem_shared>> -> memref<64x128xf32, #tpu.memory_space<vmem_shared>>
      tpu.wait_dma2 semaphore(%run_scoped3A : memref<!tpu.dma_semaphore, #tpu.memory_space<semaphore_mem>>) src(%arg11 : memref<64x128xf32, #tpu.memory_space<vmem>>) dst(%dma_wait3A_99 : memref<64x128xf32, #tpu.memory_space<vmem_shared>>)
      tpu.yield
    }) : () -> ()
    %add3A_62 = arith.constant 512 : i32
    %add3A_63 = arith.addi %mul3A_0, %add3A_62 : i32
    "tpu.region"() ({
      %run_scoped3A = tpu.sem_alloc : memref<!tpu.dma_semaphore, #tpu.memory_space<semaphore_mem>>
      %dma_start3A = arith.constant 0 : i32
      %dma_start3A_94 = tpu.memref_slice %arg13[%add3A_63, %dma_start3A] : memref<10240x128xf32, #tpu.memory_space<vmem_shared>> -> memref<64x128xf32, #tpu.memory_space<vmem_shared>>
      %dma_start3A_95 = arith.constant 0 : i32
      %dma_start3A_96 = tpu.memref_slice %arg13[%add3A_63, %dma_start3A_95] : memref<10240x128xf32, #tpu.memory_space<vmem_shared>> -> memref<64x128xf32, #tpu.memory_space<vmem_shared>>
      tpu.enqueue_dma source(%arg11 : memref<64x128xf32, #tpu.memory_space<vmem>>) target(%dma_start3A_96 : memref<64x128xf32, #tpu.memory_space<vmem_shared>>) target_semaphore(%run_scoped3A : memref<!tpu.dma_semaphore, #tpu.memory_space<semaphore_mem>>)
      %dma_wait3A = arith.constant 0 : i32
      %dma_wait3A_97 = tpu.memref_slice %arg13[%add3A_63, %dma_wait3A] : memref<10240x128xf32, #tpu.memory_space<vmem_shared>> -> memref<64x128xf32, #tpu.memory_space<vmem_shared>>
      %dma_wait3A_98 = arith.constant 0 : i32
      %dma_wait3A_99 = tpu.memref_slice %arg13[%add3A_63, %dma_wait3A_98] : memref<10240x128xf32, #tpu.memory_space<vmem_shared>> -> memref<64x128xf32, #tpu.memory_space<vmem_shared>>
      tpu.wait_dma2 semaphore(%run_scoped3A : memref<!tpu.dma_semaphore, #tpu.memory_space<semaphore_mem>>) src(%arg11 : memref<64x128xf32, #tpu.memory_space<vmem>>) dst(%dma_wait3A_99 : memref<64x128xf32, #tpu.memory_space<vmem_shared>>)
      tpu.yield
    }) : () -> ()
    %add3A_64 = arith.constant 576 : i32
    %add3A_65 = arith.addi %mul3A_0, %add3A_64 : i32
    "tpu.region"() ({
      %run_scoped3A = tpu.sem_alloc : memref<!tpu.dma_semaphore, #tpu.memory_space<semaphore_mem>>
      %dma_start3A = arith.constant 0 : i32
      %dma_start3A_94 = tpu.memref_slice %arg13[%add3A_65, %dma_start3A] : memref<10240x128xf32, #tpu.memory_space<vmem_shared>> -> memref<64x128xf32, #tpu.memory_space<vmem_shared>>
      %dma_start3A_95 = arith.constant 0 : i32
      %dma_start3A_96 = tpu.memref_slice %arg13[%add3A_65, %dma_start3A_95] : memref<10240x128xf32, #tpu.memory_space<vmem_shared>> -> memref<64x128xf32, #tpu.memory_space<vmem_shared>>
      tpu.enqueue_dma source(%arg11 : memref<64x128xf32, #tpu.memory_space<vmem>>) target(%dma_start3A_96 : memref<64x128xf32, #tpu.memory_space<vmem_shared>>) target_semaphore(%run_scoped3A : memref<!tpu.dma_semaphore, #tpu.memory_space<semaphore_mem>>)
      %dma_wait3A = arith.constant 0 : i32
      %dma_wait3A_97 = tpu.memref_slice %arg13[%add3A_65, %dma_wait3A] : memref<10240x128xf32, #tpu.memory_space<vmem_shared>> -> memref<64x128xf32, #tpu.memory_space<vmem_shared>>
      %dma_wait3A_98 = arith.constant 0 : i32
      %dma_wait3A_99 = tpu.memref_slice %arg13[%add3A_65, %dma_wait3A_98] : memref<10240x128xf32, #tpu.memory_space<vmem_shared>> -> memref<64x128xf32, #tpu.memory_space<vmem_shared>>
      tpu.wait_dma2 semaphore(%run_scoped3A : memref<!tpu.dma_semaphore, #tpu.memory_space<semaphore_mem>>) src(%arg11 : memref<64x128xf32, #tpu.memory_space<vmem>>) dst(%dma_wait3A_99 : memref<64x128xf32, #tpu.memory_space<vmem_shared>>)
      tpu.yield
    }) : () -> ()
    %barrier3A_66 = arith.constant 0 : index
    tpu.barrier barrier_id(%barrier3A_66)
    %scan3A_67 = arith.constant 0 : i32
    %scan3A_68 = arith.constant 0 : i32
    %scan3A_69 = arith.constant 2 : i32
    %scan3A_70 = arith.addi %scan3A_68, %scan3A_69 : i32
    %scan3A_71 = arith.constant 1 : i32
    scf.for %scan3A_94 = %scan3A_68 to %scan3A_70 step %scan3A_71  : i32 {
      "tpu.region"() ({
        %run_scoped3A = tpu.sem_alloc : memref<!tpu.dma_semaphore, #tpu.memory_space<semaphore_mem>>
        %dma_start3A_113 = arith.constant 0 : i32
        %dma_start3A_114 = arith.constant 0 : i32
        %dma_start3A_115 = tpu.memref_slice %arg3[%arg0, %arg1, %scan3A_94, %dma_start3A_113, %dma_start3A_114] : memref<2x16x2x82x64xi32, #tpu.memory_space<hbm>> -> memref<1x1x1x82x64xi32, #tpu.memory_space<hbm>>
        %dma_start3A_116 = tpu.memref_squeeze %dma_start3A_115 : memref<1x1x1x82x64xi32, #tpu.memory_space<hbm>> -> memref<82x64xi32, #tpu.memory_space<hbm>>
        %dma_start3A_117 = arith.constant 0 : i32
        %dma_start3A_118 = arith.constant 0 : i32
        %dma_start3A_119 = tpu.memref_slice %arg3[%arg0, %arg1, %scan3A_94, %dma_start3A_117, %dma_start3A_118] : memref<2x16x2x82x64xi32, #tpu.memory_space<hbm>> -> memref<1x1x1x82x64xi32, #tpu.memory_space<hbm>>
        %dma_start3A_120 = tpu.memref_squeeze %dma_start3A_119 : memref<1x1x1x82x64xi32, #tpu.memory_space<hbm>> -> memref<82x64xi32, #tpu.memory_space<hbm>>
        tpu.enqueue_dma source(%dma_start3A_120 : memref<82x64xi32, #tpu.memory_space<hbm>>) target(%arg9 : memref<82x64xi32, #tpu.memory_space<vmem>>) target_semaphore(%run_scoped3A : memref<!tpu.dma_semaphore, #tpu.memory_space<semaphore_mem>>)
        %dma_wait3A_121 = arith.constant 0 : i32
        %dma_wait3A_122 = arith.constant 0 : i32
        %dma_wait3A_123 = tpu.memref_slice %arg3[%arg0, %arg1, %scan3A_94, %dma_wait3A_121, %dma_wait3A_122] : memref<2x16x2x82x64xi32, #tpu.memory_space<hbm>> -> memref<1x1x1x82x64xi32, #tpu.memory_space<hbm>>
        %dma_wait3A_124 = tpu.memref_squeeze %dma_wait3A_123 : memref<1x1x1x82x64xi32, #tpu.memory_space<hbm>> -> memref<82x64xi32, #tpu.memory_space<hbm>>
        %dma_wait3A_125 = arith.constant 0 : i32
        %dma_wait3A_126 = arith.constant 0 : i32
        %dma_wait3A_127 = tpu.memref_slice %arg3[%arg0, %arg1, %scan3A_94, %dma_wait3A_125, %dma_wait3A_126] : memref<2x16x2x82x64xi32, #tpu.memory_space<hbm>> -> memref<1x1x1x82x64xi32, #tpu.memory_space<hbm>>
        %dma_wait3A_128 = tpu.memref_squeeze %dma_wait3A_127 : memref<1x1x1x82x64xi32, #tpu.memory_space<hbm>> -> memref<82x64xi32, #tpu.memory_space<hbm>>
        tpu.wait_dma2 semaphore(%run_scoped3A : memref<!tpu.dma_semaphore, #tpu.memory_space<semaphore_mem>>) src(%dma_wait3A_128 : memref<82x64xi32, #tpu.memory_space<hbm>>) dst(%arg9 : memref<82x64xi32, #tpu.memory_space<vmem>>)
        tpu.yield
      }) : () -> ()
      "tpu.region"() ({
        %run_scoped3A = tpu.sem_alloc : memref<!tpu.dma_semaphore, #tpu.memory_space<semaphore_mem>>
        %dma_start3A_113 = arith.constant 0 : i32
        %dma_start3A_114 = arith.constant 0 : i32
        %dma_start3A_115 = tpu.memref_slice %arg4[%arg0, %arg1, %scan3A_94, %dma_start3A_113, %dma_start3A_114] : memref<2x16x2x80x64xi32, #tpu.memory_space<hbm>> -> memref<1x1x1x80x64xi32, #tpu.memory_space<hbm>>
        %dma_start3A_116 = tpu.memref_squeeze %dma_start3A_115 : memref<1x1x1x80x64xi32, #tpu.memory_space<hbm>> -> memref<80x64xi32, #tpu.memory_space<hbm>>
        %dma_start3A_117 = arith.constant 0 : i32
        %dma_start3A_118 = arith.constant 0 : i32
        %dma_start3A_119 = tpu.memref_slice %arg4[%arg0, %arg1, %scan3A_94, %dma_start3A_117, %dma_start3A_118] : memref<2x16x2x80x64xi32, #tpu.memory_space<hbm>> -> memref<1x1x1x80x64xi32, #tpu.memory_space<hbm>>
        %dma_start3A_120 = tpu.memref_squeeze %dma_start3A_119 : memref<1x1x1x80x64xi32, #tpu.memory_space<hbm>> -> memref<80x64xi32, #tpu.memory_space<hbm>>
        tpu.enqueue_dma source(%dma_start3A_120 : memref<80x64xi32, #tpu.memory_space<hbm>>) target(%arg10 : memref<80x64xi32, #tpu.memory_space<vmem>>) target_semaphore(%run_scoped3A : memref<!tpu.dma_semaphore, #tpu.memory_space<semaphore_mem>>)
        %dma_wait3A_121 = arith.constant 0 : i32
        %dma_wait3A_122 = arith.constant 0 : i32
        %dma_wait3A_123 = tpu.memref_slice %arg4[%arg0, %arg1, %scan3A_94, %dma_wait3A_121, %dma_wait3A_122] : memref<2x16x2x80x64xi32, #tpu.memory_space<hbm>> -> memref<1x1x1x80x64xi32, #tpu.memory_space<hbm>>
        %dma_wait3A_124 = tpu.memref_squeeze %dma_wait3A_123 : memref<1x1x1x80x64xi32, #tpu.memory_space<hbm>> -> memref<80x64xi32, #tpu.memory_space<hbm>>
        %dma_wait3A_125 = arith.constant 0 : i32
        %dma_wait3A_126 = arith.constant 0 : i32
        %dma_wait3A_127 = tpu.memref_slice %arg4[%arg0, %arg1, %scan3A_94, %dma_wait3A_125, %dma_wait3A_126] : memref<2x16x2x80x64xi32, #tpu.memory_space<hbm>> -> memref<1x1x1x80x64xi32, #tpu.memory_space<hbm>>
        %dma_wait3A_128 = tpu.memref_squeeze %dma_wait3A_127 : memref<1x1x1x80x64xi32, #tpu.memory_space<hbm>> -> memref<80x64xi32, #tpu.memory_space<hbm>>
        tpu.wait_dma2 semaphore(%run_scoped3A : memref<!tpu.dma_semaphore, #tpu.memory_space<semaphore_mem>>) src(%dma_wait3A_128 : memref<80x64xi32, #tpu.memory_space<hbm>>) dst(%arg10 : memref<80x64xi32, #tpu.memory_space<vmem>>)
        tpu.yield
      }) : () -> ()
      %dma_start3A = arith.constant 0 : i32
      %dma_start3A_95 = arith.constant 0 : i32
      %dma_start3A_96 = tpu.memref_slice %arg9[%dma_start3A, %dma_start3A_95] : memref<82x64xi32, #tpu.memory_space<vmem>> -> memref<1x64xi32, #tpu.memory_space<vmem>>
      %dma_start3A_97 = tpu.memref_squeeze %dma_start3A_96 : memref<1x64xi32, #tpu.memory_space<vmem>> -> memref<64xi32, #tpu.memory_space<vmem>>
      %dma_start3A_98 = arith.constant 0 : i32
      %dma_start3A_99 = arith.constant 0 : i32
      %dma_start3A_100 = tpu.memref_slice %arg2[%dma_start3A_98, %dma_start3A_99] : memref<10000x128xf32, #tpu.memory_space<hbm>> -> memref<10000x128xf32, #tpu.memory_space<hbm>>
      tpu.enqueue_indirect_dma source(%dma_start3A_100 : memref<10000x128xf32, #tpu.memory_space<hbm>>) target(%arg11 : memref<64x128xf32, #tpu.memory_space<vmem>>) offsets(%dma_start3A_97 : memref<64xi32, #tpu.memory_space<vmem>>) semaphore(%arg14 : memref<!tpu.dma_semaphore, #tpu.memory_space<semaphore_mem>>)
      %scan3A_101 = arith.constant 0 : i32
      %scan3A_102 = arith.constant 0 : i32
      %scan3A_103 = arith.constant 40 : i32
      %scan3A_104 = arith.addi %scan3A_102, %scan3A_103 : i32
      %scan3A_105 = arith.constant 1 : i32
      scf.for %scan3A_113 = %scan3A_102 to %scan3A_104 step %scan3A_105  : i32 {
        %mul3A_114 = arith.constant 2 : i32
        %mul3A_115 = arith.muli %mul3A_114, %scan3A_113 : i32
        %add3A_116 = arith.constant 1 : i32
        %add3A_117 = arith.addi %mul3A_115, %add3A_116 : i32
        %dma_start3A_118 = arith.constant 0 : i32
        %dma_start3A_119 = tpu.memref_slice %arg9[%add3A_117, %dma_start3A_118] : memref<82x64xi32, #tpu.memory_space<vmem>> -> memref<1x64xi32, #tpu.memory_space<vmem>>
        %dma_start3A_120 = tpu.memref_squeeze %dma_start3A_119 : memref<1x64xi32, #tpu.memory_space<vmem>> -> memref<64xi32, #tpu.memory_space<vmem>>
        %dma_start3A_121 = arith.constant 0 : i32
        %dma_start3A_122 = arith.constant 0 : i32
        %dma_start3A_123 = tpu.memref_slice %arg2[%dma_start3A_121, %dma_start3A_122] : memref<10000x128xf32, #tpu.memory_space<hbm>> -> memref<10000x128xf32, #tpu.memory_space<hbm>>
        tpu.enqueue_indirect_dma source(%dma_start3A_123 : memref<10000x128xf32, #tpu.memory_space<hbm>>) target(%arg12 : memref<64x128xf32, #tpu.memory_space<vmem>>) offsets(%dma_start3A_120 : memref<64xi32, #tpu.memory_space<vmem>>) semaphore(%arg15 : memref<!tpu.dma_semaphore, #tpu.memory_space<semaphore_mem>>)
        %dma_wait3A_124 = arith.constant 0 : i32
        %dma_wait3A_125 = tpu.memref_slice %arg9[%mul3A_115, %dma_wait3A_124] : memref<82x64xi32, #tpu.memory_space<vmem>> -> memref<1x64xi32, #tpu.memory_space<vmem>>
        %dma_wait3A_126 = tpu.memref_squeeze %dma_wait3A_125 : memref<1x64xi32, #tpu.memory_space<vmem>> -> memref<64xi32, #tpu.memory_space<vmem>>
        %dma_wait3A_127 = arith.constant 0 : i32
        %dma_wait3A_128 = arith.constant 0 : i32
        %dma_wait3A_129 = tpu.memref_slice %arg2[%dma_wait3A_127, %dma_wait3A_128] : memref<10000x128xf32, #tpu.memory_space<hbm>> -> memref<10000x128xf32, #tpu.memory_space<hbm>>
        tpu.wait_indirect_dma semaphore(%arg14 : memref<!tpu.dma_semaphore, #tpu.memory_space<semaphore_mem>>) src(%dma_wait3A_129 : memref<10000x128xf32, #tpu.memory_space<hbm>>) dst(%arg11 : memref<64x128xf32, #tpu.memory_space<vmem>>)
        "tpu.region"() ({
          %run_scoped3A = tpu.sem_alloc : memref<!tpu.dma_semaphore, #tpu.memory_space<semaphore_mem>>
          %dma_start3A_148 = arith.constant 0 : i32
          %dma_start3A_149 = tpu.memref_slice %arg10[%mul3A_115, %dma_start3A_148] : memref<80x64xi32, #tpu.memory_space<vmem>> -> memref<1x64xi32, #tpu.memory_space<vmem>>
          %dma_start3A_150 = tpu.memref_squeeze %dma_start3A_149 : memref<1x64xi32, #tpu.memory_space<vmem>> -> memref<64xi32, #tpu.memory_space<vmem>>
          %dma_start3A_151 = arith.constant 0 : i32
          %dma_start3A_152 = arith.constant 0 : i32
          %dma_start3A_153 = tpu.memref_slice %arg13[%dma_start3A_151, %dma_start3A_152] : memref<10240x128xf32, #tpu.memory_space<vmem_shared>> -> memref<10240x128xf32, #tpu.memory_space<vmem_shared>>
          tpu.enqueue_indirect_dma source(%arg11 : memref<64x128xf32, #tpu.memory_space<vmem>>) target(%dma_start3A_153 : memref<10240x128xf32, #tpu.memory_space<vmem_shared>>) offsets(%dma_start3A_150 : memref<64xi32, #tpu.memory_space<vmem>>) semaphore(%run_scoped3A : memref<!tpu.dma_semaphore, #tpu.memory_space<semaphore_mem>>) {add = true}
          %dma_wait3A_154 = arith.constant 0 : i32
          %dma_wait3A_155 = tpu.memref_slice %arg10[%mul3A_115, %dma_wait3A_154] : memref<80x64xi32, #tpu.memory_space<vmem>> -> memref<1x64xi32, #tpu.memory_space<vmem>>
          %dma_wait3A_156 = tpu.memref_squeeze %dma_wait3A_155 : memref<1x64xi32, #tpu.memory_space<vmem>> -> memref<64xi32, #tpu.memory_space<vmem>>
          %dma_wait3A_157 = arith.constant 0 : i32
          %dma_wait3A_158 = arith.constant 0 : i32
          %dma_wait3A_159 = tpu.memref_slice %arg13[%dma_wait3A_157, %dma_wait3A_158] : memref<10240x128xf32, #tpu.memory_space<vmem_shared>> -> memref<10240x128xf32, #tpu.memory_space<vmem_shared>>
          tpu.wait_indirect_dma semaphore(%run_scoped3A : memref<!tpu.dma_semaphore, #tpu.memory_space<semaphore_mem>>) src(%arg11 : memref<64x128xf32, #tpu.memory_space<vmem>>) dst(%dma_wait3A_159 : memref<10240x128xf32, #tpu.memory_space<vmem_shared>>)
          tpu.yield
        }) : () -> ()
        %add3A_130 = arith.constant 2 : i32
        %add3A_131 = arith.addi %mul3A_115, %add3A_130 : i32
        %dma_start3A_132 = arith.constant 0 : i32
        %dma_start3A_133 = tpu.memref_slice %arg9[%add3A_131, %dma_start3A_132] : memref<82x64xi32, #tpu.memory_space<vmem>> -> memref<1x64xi32, #tpu.memory_space<vmem>>
        %dma_start3A_134 = tpu.memref_squeeze %dma_start3A_133 : memref<1x64xi32, #tpu.memory_space<vmem>> -> memref<64xi32, #tpu.memory_space<vmem>>
        %dma_start3A_135 = arith.constant 0 : i32
        %dma_start3A_136 = arith.constant 0 : i32
        %dma_start3A_137 = tpu.memref_slice %arg2[%dma_start3A_135, %dma_start3A_136] : memref<10000x128xf32, #tpu.memory_space<hbm>> -> memref<10000x128xf32, #tpu.memory_space<hbm>>
        tpu.enqueue_indirect_dma source(%dma_start3A_137 : memref<10000x128xf32, #tpu.memory_space<hbm>>) target(%arg11 : memref<64x128xf32, #tpu.memory_space<vmem>>) offsets(%dma_start3A_134 : memref<64xi32, #tpu.memory_space<vmem>>) semaphore(%arg14 : memref<!tpu.dma_semaphore, #tpu.memory_space<semaphore_mem>>)
        %add3A_138 = arith.constant 1 : i32
        %add3A_139 = arith.addi %mul3A_115, %add3A_138 : i32
        %dma_wait3A_140 = arith.constant 0 : i32
        %dma_wait3A_141 = tpu.memref_slice %arg9[%add3A_139, %dma_wait3A_140] : memref<82x64xi32, #tpu.memory_space<vmem>> -> memref<1x64xi32, #tpu.memory_space<vmem>>
        %dma_wait3A_142 = tpu.memref_squeeze %dma_wait3A_141 : memref<1x64xi32, #tpu.memory_space<vmem>> -> memref<64xi32, #tpu.memory_space<vmem>>
        %dma_wait3A_143 = arith.constant 0 : i32
        %dma_wait3A_144 = arith.constant 0 : i32
        %dma_wait3A_145 = tpu.memref_slice %arg2[%dma_wait3A_143, %dma_wait3A_144] : memref<10000x128xf32, #tpu.memory_space<hbm>> -> memref<10000x128xf32, #tpu.memory_space<hbm>>
        tpu.wait_indirect_dma semaphore(%arg15 : memref<!tpu.dma_semaphore, #tpu.memory_space<semaphore_mem>>) src(%dma_wait3A_145 : memref<10000x128xf32, #tpu.memory_space<hbm>>) dst(%arg12 : memref<64x128xf32, #tpu.memory_space<vmem>>)
        %add3A_146 = arith.constant 1 : i32
        %add3A_147 = arith.addi %mul3A_115, %add3A_146 : i32
        "tpu.region"() ({
          %run_scoped3A = tpu.sem_alloc : memref<!tpu.dma_semaphore, #tpu.memory_space<semaphore_mem>>
          %dma_start3A_148 = arith.constant 0 : i32
          %dma_start3A_149 = tpu.memref_slice %arg10[%add3A_147, %dma_start3A_148] : memref<80x64xi32, #tpu.memory_space<vmem>> -> memref<1x64xi32, #tpu.memory_space<vmem>>
          %dma_start3A_150 = tpu.memref_squeeze %dma_start3A_149 : memref<1x64xi32, #tpu.memory_space<vmem>> -> memref<64xi32, #tpu.memory_space<vmem>>
          %dma_start3A_151 = arith.constant 0 : i32
          %dma_start3A_152 = arith.constant 0 : i32
          %dma_start3A_153 = tpu.memref_slice %arg13[%dma_start3A_151, %dma_start3A_152] : memref<10240x128xf32, #tpu.memory_space<vmem_shared>> -> memref<10240x128xf32, #tpu.memory_space<vmem_shared>>
          tpu.enqueue_indirect_dma source(%arg12 : memref<64x128xf32, #tpu.memory_space<vmem>>) target(%dma_start3A_153 : memref<10240x128xf32, #tpu.memory_space<vmem_shared>>) offsets(%dma_start3A_150 : memref<64xi32, #tpu.memory_space<vmem>>) semaphore(%run_scoped3A : memref<!tpu.dma_semaphore, #tpu.memory_space<semaphore_mem>>) {add = true}
          %dma_wait3A_154 = arith.constant 0 : i32
          %dma_wait3A_155 = tpu.memref_slice %arg10[%add3A_147, %dma_wait3A_154] : memref<80x64xi32, #tpu.memory_space<vmem>> -> memref<1x64xi32, #tpu.memory_space<vmem>>
          %dma_wait3A_156 = tpu.memref_squeeze %dma_wait3A_155 : memref<1x64xi32, #tpu.memory_space<vmem>> -> memref<64xi32, #tpu.memory_space<vmem>>
          %dma_wait3A_157 = arith.constant 0 : i32
          %dma_wait3A_158 = arith.constant 0 : i32
          %dma_wait3A_159 = tpu.memref_slice %arg13[%dma_wait3A_157, %dma_wait3A_158] : memref<10240x128xf32, #tpu.memory_space<vmem_shared>> -> memref<10240x128xf32, #tpu.memory_space<vmem_shared>>
          tpu.wait_indirect_dma semaphore(%run_scoped3A : memref<!tpu.dma_semaphore, #tpu.memory_space<semaphore_mem>>) src(%arg12 : memref<64x128xf32, #tpu.memory_space<vmem>>) dst(%dma_wait3A_159 : memref<10240x128xf32, #tpu.memory_space<vmem_shared>>)
          tpu.yield
        }) : () -> ()
      }
      %scan3A_106 = arith.constant 40 : i32
      %dma_wait3A = arith.constant 80 : i32
      %dma_wait3A_107 = arith.constant 0 : i32
      %dma_wait3A_108 = tpu.memref_slice %arg9[%dma_wait3A, %dma_wait3A_107] : memref<82x64xi32, #tpu.memory_space<vmem>> -> memref<1x64xi32, #tpu.memory_space<vmem>>
      %dma_wait3A_109 = tpu.memref_squeeze %dma_wait3A_108 : memref<1x64xi32, #tpu.memory_space<vmem>> -> memref<64xi32, #tpu.memory_space<vmem>>
      %dma_wait3A_110 = arith.constant 0 : i32
      %dma_wait3A_111 = arith.constant 0 : i32
      %dma_wait3A_112 = tpu.memref_slice %arg2[%dma_wait3A_110, %dma_wait3A_111] : memref<10000x128xf32, #tpu.memory_space<hbm>> -> memref<10000x128xf32, #tpu.memory_space<hbm>>
      tpu.wait_indirect_dma semaphore(%arg14 : memref<!tpu.dma_semaphore, #tpu.memory_space<semaphore_mem>>) src(%dma_wait3A_112 : memref<10000x128xf32, #tpu.memory_space<hbm>>) dst(%arg11 : memref<64x128xf32, #tpu.memory_space<vmem>>)
    }
    %scan3A_72 = arith.constant 2 : i32
    %barrier3A_73 = arith.constant 0 : index
    tpu.barrier barrier_id(%barrier3A_73)
    %add3A_74 = arith.constant 0 : i32
    %add3A_75 = arith.addi %mul3A_0, %add3A_74 : i32
    "tpu.region"() ({
      %run_scoped3A = tpu.sem_alloc : memref<!tpu.dma_semaphore, #tpu.memory_space<semaphore_mem>>
      %dma_start3A = arith.constant 0 : i32
      %dma_start3A_94 = tpu.memref_slice %arg13[%add3A_75, %dma_start3A] : memref<10240x128xf32, #tpu.memory_space<vmem_shared>> -> memref<64x128xf32, #tpu.memory_space<vmem_shared>>
      %dma_start3A_95 = arith.constant 0 : i32
      %dma_start3A_96 = tpu.memref_slice %arg13[%add3A_75, %dma_start3A_95] : memref<10240x128xf32, #tpu.memory_space<vmem_shared>> -> memref<64x128xf32, #tpu.memory_space<vmem_shared>>
      tpu.enqueue_dma source(%dma_start3A_96 : memref<64x128xf32, #tpu.memory_space<vmem_shared>>) target(%arg11 : memref<64x128xf32, #tpu.memory_space<vmem>>) target_semaphore(%run_scoped3A : memref<!tpu.dma_semaphore, #tpu.memory_space<semaphore_mem>>)
      %dma_wait3A = arith.constant 0 : i32
      %dma_wait3A_97 = tpu.memref_slice %arg13[%add3A_75, %dma_wait3A] : memref<10240x128xf32, #tpu.memory_space<vmem_shared>> -> memref<64x128xf32, #tpu.memory_space<vmem_shared>>
      %dma_wait3A_98 = arith.constant 0 : i32
      %dma_wait3A_99 = tpu.memref_slice %arg13[%add3A_75, %dma_wait3A_98] : memref<10240x128xf32, #tpu.memory_space<vmem_shared>> -> memref<64x128xf32, #tpu.memory_space<vmem_shared>>
      tpu.wait_dma2 semaphore(%run_scoped3A : memref<!tpu.dma_semaphore, #tpu.memory_space<semaphore_mem>>) src(%dma_wait3A_99 : memref<64x128xf32, #tpu.memory_space<vmem_shared>>) dst(%arg11 : memref<64x128xf32, #tpu.memory_space<vmem>>)
      tpu.yield
    }) : () -> ()
    "tpu.region"() ({
      %run_scoped3A = tpu.sem_alloc : memref<!tpu.dma_semaphore, #tpu.memory_space<semaphore_mem>>
      %dma_start3A = arith.constant 0 : i32
      %dma_start3A_94 = tpu.memref_slice %arg8[%arg0, %add3A_75, %dma_start3A] : memref<2x10240x128xf32, #tpu.memory_space<hbm>> -> memref<1x64x128xf32, #tpu.memory_space<hbm>>
      %dma_start3A_95 = tpu.memref_squeeze %dma_start3A_94 : memref<1x64x128xf32, #tpu.memory_space<hbm>> -> memref<64x128xf32, #tpu.memory_space<hbm>>
      %dma_start3A_96 = arith.constant 0 : i32
      %dma_start3A_97 = tpu.memref_slice %arg8[%arg0, %add3A_75, %dma_start3A_96] : memref<2x10240x128xf32, #tpu.memory_space<hbm>> -> memref<1x64x128xf32, #tpu.memory_space<hbm>>
      %dma_start3A_98 = tpu.memref_squeeze %dma_start3A_97 : memref<1x64x128xf32, #tpu.memory_space<hbm>> -> memref<64x128xf32, #tpu.memory_space<hbm>>
      tpu.enqueue_dma source(%arg11 : memref<64x128xf32, #tpu.memory_space<vmem>>) target(%dma_start3A_98 : memref<64x128xf32, #tpu.memory_space<hbm>>) target_semaphore(%run_scoped3A : memref<!tpu.dma_semaphore, #tpu.memory_space<semaphore_mem>>)
      %dma_wait3A = arith.constant 0 : i32
      %dma_wait3A_99 = tpu.memref_slice %arg8[%arg0, %add3A_75, %dma_wait3A] : memref<2x10240x128xf32, #tpu.memory_space<hbm>> -> memref<1x64x128xf32, #tpu.memory_space<hbm>>
      %dma_wait3A_100 = tpu.memref_squeeze %dma_wait3A_99 : memref<1x64x128xf32, #tpu.memory_space<hbm>> -> memref<64x128xf32, #tpu.memory_space<hbm>>
      %dma_wait3A_101 = arith.constant 0 : i32
      %dma_wait3A_102 = tpu.memref_slice %arg8[%arg0, %add3A_75, %dma_wait3A_101] : memref<2x10240x128xf32, #tpu.memory_space<hbm>> -> memref<1x64x128xf32, #tpu.memory_space<hbm>>
      %dma_wait3A_103 = tpu.memref_squeeze %dma_wait3A_102 : memref<1x64x128xf32, #tpu.memory_space<hbm>> -> memref<64x128xf32, #tpu.memory_space<hbm>>
      tpu.wait_dma2 semaphore(%run_scoped3A : memref<!tpu.dma_semaphore, #tpu.memory_space<semaphore_mem>>) src(%arg11 : memref<64x128xf32, #tpu.memory_space<vmem>>) dst(%dma_wait3A_103 : memref<64x128xf32, #tpu.memory_space<hbm>>)
      tpu.yield
    }) : () -> ()
    %add3A_76 = arith.constant 64 : i32
    %add3A_77 = arith.addi %mul3A_0, %add3A_76 : i32
    "tpu.region"() ({
      %run_scoped3A = tpu.sem_alloc : memref<!tpu.dma_semaphore, #tpu.memory_space<semaphore_mem>>
      %dma_start3A = arith.constant 0 : i32
      %dma_start3A_94 = tpu.memref_slice %arg13[%add3A_77, %dma_start3A] : memref<10240x128xf32, #tpu.memory_space<vmem_shared>> -> memref<64x128xf32, #tpu.memory_space<vmem_shared>>
      %dma_start3A_95 = arith.constant 0 : i32
      %dma_start3A_96 = tpu.memref_slice %arg13[%add3A_77, %dma_start3A_95] : memref<10240x128xf32, #tpu.memory_space<vmem_shared>> -> memref<64x128xf32, #tpu.memory_space<vmem_shared>>
      tpu.enqueue_dma source(%dma_start3A_96 : memref<64x128xf32, #tpu.memory_space<vmem_shared>>) target(%arg11 : memref<64x128xf32, #tpu.memory_space<vmem>>) target_semaphore(%run_scoped3A : memref<!tpu.dma_semaphore, #tpu.memory_space<semaphore_mem>>)
      %dma_wait3A = arith.constant 0 : i32
      %dma_wait3A_97 = tpu.memref_slice %arg13[%add3A_77, %dma_wait3A] : memref<10240x128xf32, #tpu.memory_space<vmem_shared>> -> memref<64x128xf32, #tpu.memory_space<vmem_shared>>
      %dma_wait3A_98 = arith.constant 0 : i32
      %dma_wait3A_99 = tpu.memref_slice %arg13[%add3A_77, %dma_wait3A_98] : memref<10240x128xf32, #tpu.memory_space<vmem_shared>> -> memref<64x128xf32, #tpu.memory_space<vmem_shared>>
      tpu.wait_dma2 semaphore(%run_scoped3A : memref<!tpu.dma_semaphore, #tpu.memory_space<semaphore_mem>>) src(%dma_wait3A_99 : memref<64x128xf32, #tpu.memory_space<vmem_shared>>) dst(%arg11 : memref<64x128xf32, #tpu.memory_space<vmem>>)
      tpu.yield
    }) : () -> ()
    "tpu.region"() ({
      %run_scoped3A = tpu.sem_alloc : memref<!tpu.dma_semaphore, #tpu.memory_space<semaphore_mem>>
      %dma_start3A = arith.constant 0 : i32
      %dma_start3A_94 = tpu.memref_slice %arg8[%arg0, %add3A_77, %dma_start3A] : memref<2x10240x128xf32, #tpu.memory_space<hbm>> -> memref<1x64x128xf32, #tpu.memory_space<hbm>>
      %dma_start3A_95 = tpu.memref_squeeze %dma_start3A_94 : memref<1x64x128xf32, #tpu.memory_space<hbm>> -> memref<64x128xf32, #tpu.memory_space<hbm>>
      %dma_start3A_96 = arith.constant 0 : i32
      %dma_start3A_97 = tpu.memref_slice %arg8[%arg0, %add3A_77, %dma_start3A_96] : memref<2x10240x128xf32, #tpu.memory_space<hbm>> -> memref<1x64x128xf32, #tpu.memory_space<hbm>>
      %dma_start3A_98 = tpu.memref_squeeze %dma_start3A_97 : memref<1x64x128xf32, #tpu.memory_space<hbm>> -> memref<64x128xf32, #tpu.memory_space<hbm>>
      tpu.enqueue_dma source(%arg11 : memref<64x128xf32, #tpu.memory_space<vmem>>) target(%dma_start3A_98 : memref<64x128xf32, #tpu.memory_space<hbm>>) target_semaphore(%run_scoped3A : memref<!tpu.dma_semaphore, #tpu.memory_space<semaphore_mem>>)
      %dma_wait3A = arith.constant 0 : i32
      %dma_wait3A_99 = tpu.memref_slice %arg8[%arg0, %add3A_77, %dma_wait3A] : memref<2x10240x128xf32, #tpu.memory_space<hbm>> -> memref<1x64x128xf32, #tpu.memory_space<hbm>>
      %dma_wait3A_100 = tpu.memref_squeeze %dma_wait3A_99 : memref<1x64x128xf32, #tpu.memory_space<hbm>> -> memref<64x128xf32, #tpu.memory_space<hbm>>
      %dma_wait3A_101 = arith.constant 0 : i32
      %dma_wait3A_102 = tpu.memref_slice %arg8[%arg0, %add3A_77, %dma_wait3A_101] : memref<2x10240x128xf32, #tpu.memory_space<hbm>> -> memref<1x64x128xf32, #tpu.memory_space<hbm>>
      %dma_wait3A_103 = tpu.memref_squeeze %dma_wait3A_102 : memref<1x64x128xf32, #tpu.memory_space<hbm>> -> memref<64x128xf32, #tpu.memory_space<hbm>>
      tpu.wait_dma2 semaphore(%run_scoped3A : memref<!tpu.dma_semaphore, #tpu.memory_space<semaphore_mem>>) src(%arg11 : memref<64x128xf32, #tpu.memory_space<vmem>>) dst(%dma_wait3A_103 : memref<64x128xf32, #tpu.memory_space<hbm>>)
      tpu.yield
    }) : () -> ()
    %add3A_78 = arith.constant 128 : i32
    %add3A_79 = arith.addi %mul3A_0, %add3A_78 : i32
    "tpu.region"() ({
      %run_scoped3A = tpu.sem_alloc : memref<!tpu.dma_semaphore, #tpu.memory_space<semaphore_mem>>
      %dma_start3A = arith.constant 0 : i32
      %dma_start3A_94 = tpu.memref_slice %arg13[%add3A_79, %dma_start3A] : memref<10240x128xf32, #tpu.memory_space<vmem_shared>> -> memref<64x128xf32, #tpu.memory_space<vmem_shared>>
      %dma_start3A_95 = arith.constant 0 : i32
      %dma_start3A_96 = tpu.memref_slice %arg13[%add3A_79, %dma_start3A_95] : memref<10240x128xf32, #tpu.memory_space<vmem_shared>> -> memref<64x128xf32, #tpu.memory_space<vmem_shared>>
      tpu.enqueue_dma source(%dma_start3A_96 : memref<64x128xf32, #tpu.memory_space<vmem_shared>>) target(%arg11 : memref<64x128xf32, #tpu.memory_space<vmem>>) target_semaphore(%run_scoped3A : memref<!tpu.dma_semaphore, #tpu.memory_space<semaphore_mem>>)
      %dma_wait3A = arith.constant 0 : i32
      %dma_wait3A_97 = tpu.memref_slice %arg13[%add3A_79, %dma_wait3A] : memref<10240x128xf32, #tpu.memory_space<vmem_shared>> -> memref<64x128xf32, #tpu.memory_space<vmem_shared>>
      %dma_wait3A_98 = arith.constant 0 : i32
      %dma_wait3A_99 = tpu.memref_slice %arg13[%add3A_79, %dma_wait3A_98] : memref<10240x128xf32, #tpu.memory_space<vmem_shared>> -> memref<64x128xf32, #tpu.memory_space<vmem_shared>>
      tpu.wait_dma2 semaphore(%run_scoped3A : memref<!tpu.dma_semaphore, #tpu.memory_space<semaphore_mem>>) src(%dma_wait3A_99 : memref<64x128xf32, #tpu.memory_space<vmem_shared>>) dst(%arg11 : memref<64x128xf32, #tpu.memory_space<vmem>>)
      tpu.yield
    }) : () -> ()
    "tpu.region"() ({
      %run_scoped3A = tpu.sem_alloc : memref<!tpu.dma_semaphore, #tpu.memory_space<semaphore_mem>>
      %dma_start3A = arith.constant 0 : i32
      %dma_start3A_94 = tpu.memref_slice %arg8[%arg0, %add3A_79, %dma_start3A] : memref<2x10240x128xf32, #tpu.memory_space<hbm>> -> memref<1x64x128xf32, #tpu.memory_space<hbm>>
      %dma_start3A_95 = tpu.memref_squeeze %dma_start3A_94 : memref<1x64x128xf32, #tpu.memory_space<hbm>> -> memref<64x128xf32, #tpu.memory_space<hbm>>
      %dma_start3A_96 = arith.constant 0 : i32
      %dma_start3A_97 = tpu.memref_slice %arg8[%arg0, %add3A_79, %dma_start3A_96] : memref<2x10240x128xf32, #tpu.memory_space<hbm>> -> memref<1x64x128xf32, #tpu.memory_space<hbm>>
      %dma_start3A_98 = tpu.memref_squeeze %dma_start3A_97 : memref<1x64x128xf32, #tpu.memory_space<hbm>> -> memref<64x128xf32, #tpu.memory_space<hbm>>
      tpu.enqueue_dma source(%arg11 : memref<64x128xf32, #tpu.memory_space<vmem>>) target(%dma_start3A_98 : memref<64x128xf32, #tpu.memory_space<hbm>>) target_semaphore(%run_scoped3A : memref<!tpu.dma_semaphore, #tpu.memory_space<semaphore_mem>>)
      %dma_wait3A = arith.constant 0 : i32
      %dma_wait3A_99 = tpu.memref_slice %arg8[%arg0, %add3A_79, %dma_wait3A] : memref<2x10240x128xf32, #tpu.memory_space<hbm>> -> memref<1x64x128xf32, #tpu.memory_space<hbm>>
      %dma_wait3A_100 = tpu.memref_squeeze %dma_wait3A_99 : memref<1x64x128xf32, #tpu.memory_space<hbm>> -> memref<64x128xf32, #tpu.memory_space<hbm>>
      %dma_wait3A_101 = arith.constant 0 : i32
      %dma_wait3A_102 = tpu.memref_slice %arg8[%arg0, %add3A_79, %dma_wait3A_101] : memref<2x10240x128xf32, #tpu.memory_space<hbm>> -> memref<1x64x128xf32, #tpu.memory_space<hbm>>
      %dma_wait3A_103 = tpu.memref_squeeze %dma_wait3A_102 : memref<1x64x128xf32, #tpu.memory_space<hbm>> -> memref<64x128xf32, #tpu.memory_space<hbm>>
      tpu.wait_dma2 semaphore(%run_scoped3A : memref<!tpu.dma_semaphore, #tpu.memory_space<semaphore_mem>>) src(%arg11 : memref<64x128xf32, #tpu.memory_space<vmem>>) dst(%dma_wait3A_103 : memref<64x128xf32, #tpu.memory_space<hbm>>)
      tpu.yield
    }) : () -> ()
    %add3A_80 = arith.constant 192 : i32
    %add3A_81 = arith.addi %mul3A_0, %add3A_80 : i32
    "tpu.region"() ({
      %run_scoped3A = tpu.sem_alloc : memref<!tpu.dma_semaphore, #tpu.memory_space<semaphore_mem>>
      %dma_start3A = arith.constant 0 : i32
      %dma_start3A_94 = tpu.memref_slice %arg13[%add3A_81, %dma_start3A] : memref<10240x128xf32, #tpu.memory_space<vmem_shared>> -> memref<64x128xf32, #tpu.memory_space<vmem_shared>>
      %dma_start3A_95 = arith.constant 0 : i32
      %dma_start3A_96 = tpu.memref_slice %arg13[%add3A_81, %dma_start3A_95] : memref<10240x128xf32, #tpu.memory_space<vmem_shared>> -> memref<64x128xf32, #tpu.memory_space<vmem_shared>>
      tpu.enqueue_dma source(%dma_start3A_96 : memref<64x128xf32, #tpu.memory_space<vmem_shared>>) target(%arg11 : memref<64x128xf32, #tpu.memory_space<vmem>>) target_semaphore(%run_scoped3A : memref<!tpu.dma_semaphore, #tpu.memory_space<semaphore_mem>>)
      %dma_wait3A = arith.constant 0 : i32
      %dma_wait3A_97 = tpu.memref_slice %arg13[%add3A_81, %dma_wait3A] : memref<10240x128xf32, #tpu.memory_space<vmem_shared>> -> memref<64x128xf32, #tpu.memory_space<vmem_shared>>
      %dma_wait3A_98 = arith.constant 0 : i32
      %dma_wait3A_99 = tpu.memref_slice %arg13[%add3A_81, %dma_wait3A_98] : memref<10240x128xf32, #tpu.memory_space<vmem_shared>> -> memref<64x128xf32, #tpu.memory_space<vmem_shared>>
      tpu.wait_dma2 semaphore(%run_scoped3A : memref<!tpu.dma_semaphore, #tpu.memory_space<semaphore_mem>>) src(%dma_wait3A_99 : memref<64x128xf32, #tpu.memory_space<vmem_shared>>) dst(%arg11 : memref<64x128xf32, #tpu.memory_space<vmem>>)
      tpu.yield
    }) : () -> ()
    "tpu.region"() ({
      %run_scoped3A = tpu.sem_alloc : memref<!tpu.dma_semaphore, #tpu.memory_space<semaphore_mem>>
      %dma_start3A = arith.constant 0 : i32
      %dma_start3A_94 = tpu.memref_slice %arg8[%arg0, %add3A_81, %dma_start3A] : memref<2x10240x128xf32, #tpu.memory_space<hbm>> -> memref<1x64x128xf32, #tpu.memory_space<hbm>>
      %dma_start3A_95 = tpu.memref_squeeze %dma_start3A_94 : memref<1x64x128xf32, #tpu.memory_space<hbm>> -> memref<64x128xf32, #tpu.memory_space<hbm>>
      %dma_start3A_96 = arith.constant 0 : i32
      %dma_start3A_97 = tpu.memref_slice %arg8[%arg0, %add3A_81, %dma_start3A_96] : memref<2x10240x128xf32, #tpu.memory_space<hbm>> -> memref<1x64x128xf32, #tpu.memory_space<hbm>>
      %dma_start3A_98 = tpu.memref_squeeze %dma_start3A_97 : memref<1x64x128xf32, #tpu.memory_space<hbm>> -> memref<64x128xf32, #tpu.memory_space<hbm>>
      tpu.enqueue_dma source(%arg11 : memref<64x128xf32, #tpu.memory_space<vmem>>) target(%dma_start3A_98 : memref<64x128xf32, #tpu.memory_space<hbm>>) target_semaphore(%run_scoped3A : memref<!tpu.dma_semaphore, #tpu.memory_space<semaphore_mem>>)
      %dma_wait3A = arith.constant 0 : i32
      %dma_wait3A_99 = tpu.memref_slice %arg8[%arg0, %add3A_81, %dma_wait3A] : memref<2x10240x128xf32, #tpu.memory_space<hbm>> -> memref<1x64x128xf32, #tpu.memory_space<hbm>>
      %dma_wait3A_100 = tpu.memref_squeeze %dma_wait3A_99 : memref<1x64x128xf32, #tpu.memory_space<hbm>> -> memref<64x128xf32, #tpu.memory_space<hbm>>
      %dma_wait3A_101 = arith.constant 0 : i32
      %dma_wait3A_102 = tpu.memref_slice %arg8[%arg0, %add3A_81, %dma_wait3A_101] : memref<2x10240x128xf32, #tpu.memory_space<hbm>> -> memref<1x64x128xf32, #tpu.memory_space<hbm>>
      %dma_wait3A_103 = tpu.memref_squeeze %dma_wait3A_102 : memref<1x64x128xf32, #tpu.memory_space<hbm>> -> memref<64x128xf32, #tpu.memory_space<hbm>>
      tpu.wait_dma2 semaphore(%run_scoped3A : memref<!tpu.dma_semaphore, #tpu.memory_space<semaphore_mem>>) src(%arg11 : memref<64x128xf32, #tpu.memory_space<vmem>>) dst(%dma_wait3A_103 : memref<64x128xf32, #tpu.memory_space<hbm>>)
      tpu.yield
    }) : () -> ()
    %add3A_82 = arith.constant 256 : i32
    %add3A_83 = arith.addi %mul3A_0, %add3A_82 : i32
    "tpu.region"() ({
      %run_scoped3A = tpu.sem_alloc : memref<!tpu.dma_semaphore, #tpu.memory_space<semaphore_mem>>
      %dma_start3A = arith.constant 0 : i32
      %dma_start3A_94 = tpu.memref_slice %arg13[%add3A_83, %dma_start3A] : memref<10240x128xf32, #tpu.memory_space<vmem_shared>> -> memref<64x128xf32, #tpu.memory_space<vmem_shared>>
      %dma_start3A_95 = arith.constant 0 : i32
      %dma_start3A_96 = tpu.memref_slice %arg13[%add3A_83, %dma_start3A_95] : memref<10240x128xf32, #tpu.memory_space<vmem_shared>> -> memref<64x128xf32, #tpu.memory_space<vmem_shared>>
      tpu.enqueue_dma source(%dma_start3A_96 : memref<64x128xf32, #tpu.memory_space<vmem_shared>>) target(%arg11 : memref<64x128xf32, #tpu.memory_space<vmem>>) target_semaphore(%run_scoped3A : memref<!tpu.dma_semaphore, #tpu.memory_space<semaphore_mem>>)
      %dma_wait3A = arith.constant 0 : i32
      %dma_wait3A_97 = tpu.memref_slice %arg13[%add3A_83, %dma_wait3A] : memref<10240x128xf32, #tpu.memory_space<vmem_shared>> -> memref<64x128xf32, #tpu.memory_space<vmem_shared>>
      %dma_wait3A_98 = arith.constant 0 : i32
      %dma_wait3A_99 = tpu.memref_slice %arg13[%add3A_83, %dma_wait3A_98] : memref<10240x128xf32, #tpu.memory_space<vmem_shared>> -> memref<64x128xf32, #tpu.memory_space<vmem_shared>>
      tpu.wait_dma2 semaphore(%run_scoped3A : memref<!tpu.dma_semaphore, #tpu.memory_space<semaphore_mem>>) src(%dma_wait3A_99 : memref<64x128xf32, #tpu.memory_space<vmem_shared>>) dst(%arg11 : memref<64x128xf32, #tpu.memory_space<vmem>>)
      tpu.yield
    }) : () -> ()
    "tpu.region"() ({
      %run_scoped3A = tpu.sem_alloc : memref<!tpu.dma_semaphore, #tpu.memory_space<semaphore_mem>>
      %dma_start3A = arith.constant 0 : i32
      %dma_start3A_94 = tpu.memref_slice %arg8[%arg0, %add3A_83, %dma_start3A] : memref<2x10240x128xf32, #tpu.memory_space<hbm>> -> memref<1x64x128xf32, #tpu.memory_space<hbm>>
      %dma_start3A_95 = tpu.memref_squeeze %dma_start3A_94 : memref<1x64x128xf32, #tpu.memory_space<hbm>> -> memref<64x128xf32, #tpu.memory_space<hbm>>
      %dma_start3A_96 = arith.constant 0 : i32
      %dma_start3A_97 = tpu.memref_slice %arg8[%arg0, %add3A_83, %dma_start3A_96] : memref<2x10240x128xf32, #tpu.memory_space<hbm>> -> memref<1x64x128xf32, #tpu.memory_space<hbm>>
      %dma_start3A_98 = tpu.memref_squeeze %dma_start3A_97 : memref<1x64x128xf32, #tpu.memory_space<hbm>> -> memref<64x128xf32, #tpu.memory_space<hbm>>
      tpu.enqueue_dma source(%arg11 : memref<64x128xf32, #tpu.memory_space<vmem>>) target(%dma_start3A_98 : memref<64x128xf32, #tpu.memory_space<hbm>>) target_semaphore(%run_scoped3A : memref<!tpu.dma_semaphore, #tpu.memory_space<semaphore_mem>>)
      %dma_wait3A = arith.constant 0 : i32
      %dma_wait3A_99 = tpu.memref_slice %arg8[%arg0, %add3A_83, %dma_wait3A] : memref<2x10240x128xf32, #tpu.memory_space<hbm>> -> memref<1x64x128xf32, #tpu.memory_space<hbm>>
      %dma_wait3A_100 = tpu.memref_squeeze %dma_wait3A_99 : memref<1x64x128xf32, #tpu.memory_space<hbm>> -> memref<64x128xf32, #tpu.memory_space<hbm>>
      %dma_wait3A_101 = arith.constant 0 : i32
      %dma_wait3A_102 = tpu.memref_slice %arg8[%arg0, %add3A_83, %dma_wait3A_101] : memref<2x10240x128xf32, #tpu.memory_space<hbm>> -> memref<1x64x128xf32, #tpu.memory_space<hbm>>
      %dma_wait3A_103 = tpu.memref_squeeze %dma_wait3A_102 : memref<1x64x128xf32, #tpu.memory_space<hbm>> -> memref<64x128xf32, #tpu.memory_space<hbm>>
      tpu.wait_dma2 semaphore(%run_scoped3A : memref<!tpu.dma_semaphore, #tpu.memory_space<semaphore_mem>>) src(%arg11 : memref<64x128xf32, #tpu.memory_space<vmem>>) dst(%dma_wait3A_103 : memref<64x128xf32, #tpu.memory_space<hbm>>)
      tpu.yield
    }) : () -> ()
    %add3A_84 = arith.constant 320 : i32
    %add3A_85 = arith.addi %mul3A_0, %add3A_84 : i32
    "tpu.region"() ({
      %run_scoped3A = tpu.sem_alloc : memref<!tpu.dma_semaphore, #tpu.memory_space<semaphore_mem>>
      %dma_start3A = arith.constant 0 : i32
      %dma_start3A_94 = tpu.memref_slice %arg13[%add3A_85, %dma_start3A] : memref<10240x128xf32, #tpu.memory_space<vmem_shared>> -> memref<64x128xf32, #tpu.memory_space<vmem_shared>>
      %dma_start3A_95 = arith.constant 0 : i32
      %dma_start3A_96 = tpu.memref_slice %arg13[%add3A_85, %dma_start3A_95] : memref<10240x128xf32, #tpu.memory_space<vmem_shared>> -> memref<64x128xf32, #tpu.memory_space<vmem_shared>>
      tpu.enqueue_dma source(%dma_start3A_96 : memref<64x128xf32, #tpu.memory_space<vmem_shared>>) target(%arg11 : memref<64x128xf32, #tpu.memory_space<vmem>>) target_semaphore(%run_scoped3A : memref<!tpu.dma_semaphore, #tpu.memory_space<semaphore_mem>>)
      %dma_wait3A = arith.constant 0 : i32
      %dma_wait3A_97 = tpu.memref_slice %arg13[%add3A_85, %dma_wait3A] : memref<10240x128xf32, #tpu.memory_space<vmem_shared>> -> memref<64x128xf32, #tpu.memory_space<vmem_shared>>
      %dma_wait3A_98 = arith.constant 0 : i32
      %dma_wait3A_99 = tpu.memref_slice %arg13[%add3A_85, %dma_wait3A_98] : memref<10240x128xf32, #tpu.memory_space<vmem_shared>> -> memref<64x128xf32, #tpu.memory_space<vmem_shared>>
      tpu.wait_dma2 semaphore(%run_scoped3A : memref<!tpu.dma_semaphore, #tpu.memory_space<semaphore_mem>>) src(%dma_wait3A_99 : memref<64x128xf32, #tpu.memory_space<vmem_shared>>) dst(%arg11 : memref<64x128xf32, #tpu.memory_space<vmem>>)
      tpu.yield
    }) : () -> ()
    "tpu.region"() ({
      %run_scoped3A = tpu.sem_alloc : memref<!tpu.dma_semaphore, #tpu.memory_space<semaphore_mem>>
      %dma_start3A = arith.constant 0 : i32
      %dma_start3A_94 = tpu.memref_slice %arg8[%arg0, %add3A_85, %dma_start3A] : memref<2x10240x128xf32, #tpu.memory_space<hbm>> -> memref<1x64x128xf32, #tpu.memory_space<hbm>>
      %dma_start3A_95 = tpu.memref_squeeze %dma_start3A_94 : memref<1x64x128xf32, #tpu.memory_space<hbm>> -> memref<64x128xf32, #tpu.memory_space<hbm>>
      %dma_start3A_96 = arith.constant 0 : i32
      %dma_start3A_97 = tpu.memref_slice %arg8[%arg0, %add3A_85, %dma_start3A_96] : memref<2x10240x128xf32, #tpu.memory_space<hbm>> -> memref<1x64x128xf32, #tpu.memory_space<hbm>>
      %dma_start3A_98 = tpu.memref_squeeze %dma_start3A_97 : memref<1x64x128xf32, #tpu.memory_space<hbm>> -> memref<64x128xf32, #tpu.memory_space<hbm>>
      tpu.enqueue_dma source(%arg11 : memref<64x128xf32, #tpu.memory_space<vmem>>) target(%dma_start3A_98 : memref<64x128xf32, #tpu.memory_space<hbm>>) target_semaphore(%run_scoped3A : memref<!tpu.dma_semaphore, #tpu.memory_space<semaphore_mem>>)
      %dma_wait3A = arith.constant 0 : i32
      %dma_wait3A_99 = tpu.memref_slice %arg8[%arg0, %add3A_85, %dma_wait3A] : memref<2x10240x128xf32, #tpu.memory_space<hbm>> -> memref<1x64x128xf32, #tpu.memory_space<hbm>>
      %dma_wait3A_100 = tpu.memref_squeeze %dma_wait3A_99 : memref<1x64x128xf32, #tpu.memory_space<hbm>> -> memref<64x128xf32, #tpu.memory_space<hbm>>
      %dma_wait3A_101 = arith.constant 0 : i32
      %dma_wait3A_102 = tpu.memref_slice %arg8[%arg0, %add3A_85, %dma_wait3A_101] : memref<2x10240x128xf32, #tpu.memory_space<hbm>> -> memref<1x64x128xf32, #tpu.memory_space<hbm>>
      %dma_wait3A_103 = tpu.memref_squeeze %dma_wait3A_102 : memref<1x64x128xf32, #tpu.memory_space<hbm>> -> memref<64x128xf32, #tpu.memory_space<hbm>>
      tpu.wait_dma2 semaphore(%run_scoped3A : memref<!tpu.dma_semaphore, #tpu.memory_space<semaphore_mem>>) src(%arg11 : memref<64x128xf32, #tpu.memory_space<vmem>>) dst(%dma_wait3A_103 : memref<64x128xf32, #tpu.memory_space<hbm>>)
      tpu.yield
    }) : () -> ()
    %add3A_86 = arith.constant 384 : i32
    %add3A_87 = arith.addi %mul3A_0, %add3A_86 : i32
    "tpu.region"() ({
      %run_scoped3A = tpu.sem_alloc : memref<!tpu.dma_semaphore, #tpu.memory_space<semaphore_mem>>
      %dma_start3A = arith.constant 0 : i32
      %dma_start3A_94 = tpu.memref_slice %arg13[%add3A_87, %dma_start3A] : memref<10240x128xf32, #tpu.memory_space<vmem_shared>> -> memref<64x128xf32, #tpu.memory_space<vmem_shared>>
      %dma_start3A_95 = arith.constant 0 : i32
      %dma_start3A_96 = tpu.memref_slice %arg13[%add3A_87, %dma_start3A_95] : memref<10240x128xf32, #tpu.memory_space<vmem_shared>> -> memref<64x128xf32, #tpu.memory_space<vmem_shared>>
      tpu.enqueue_dma source(%dma_start3A_96 : memref<64x128xf32, #tpu.memory_space<vmem_shared>>) target(%arg11 : memref<64x128xf32, #tpu.memory_space<vmem>>) target_semaphore(%run_scoped3A : memref<!tpu.dma_semaphore, #tpu.memory_space<semaphore_mem>>)
      %dma_wait3A = arith.constant 0 : i32
      %dma_wait3A_97 = tpu.memref_slice %arg13[%add3A_87, %dma_wait3A] : memref<10240x128xf32, #tpu.memory_space<vmem_shared>> -> memref<64x128xf32, #tpu.memory_space<vmem_shared>>
      %dma_wait3A_98 = arith.constant 0 : i32
      %dma_wait3A_99 = tpu.memref_slice %arg13[%add3A_87, %dma_wait3A_98] : memref<10240x128xf32, #tpu.memory_space<vmem_shared>> -> memref<64x128xf32, #tpu.memory_space<vmem_shared>>
      tpu.wait_dma2 semaphore(%run_scoped3A : memref<!tpu.dma_semaphore, #tpu.memory_space<semaphore_mem>>) src(%dma_wait3A_99 : memref<64x128xf32, #tpu.memory_space<vmem_shared>>) dst(%arg11 : memref<64x128xf32, #tpu.memory_space<vmem>>)
      tpu.yield
    }) : () -> ()
    "tpu.region"() ({
      %run_scoped3A = tpu.sem_alloc : memref<!tpu.dma_semaphore, #tpu.memory_space<semaphore_mem>>
      %dma_start3A = arith.constant 0 : i32
      %dma_start3A_94 = tpu.memref_slice %arg8[%arg0, %add3A_87, %dma_start3A] : memref<2x10240x128xf32, #tpu.memory_space<hbm>> -> memref<1x64x128xf32, #tpu.memory_space<hbm>>
      %dma_start3A_95 = tpu.memref_squeeze %dma_start3A_94 : memref<1x64x128xf32, #tpu.memory_space<hbm>> -> memref<64x128xf32, #tpu.memory_space<hbm>>
      %dma_start3A_96 = arith.constant 0 : i32
      %dma_start3A_97 = tpu.memref_slice %arg8[%arg0, %add3A_87, %dma_start3A_96] : memref<2x10240x128xf32, #tpu.memory_space<hbm>> -> memref<1x64x128xf32, #tpu.memory_space<hbm>>
      %dma_start3A_98 = tpu.memref_squeeze %dma_start3A_97 : memref<1x64x128xf32, #tpu.memory_space<hbm>> -> memref<64x128xf32, #tpu.memory_space<hbm>>
      tpu.enqueue_dma source(%arg11 : memref<64x128xf32, #tpu.memory_space<vmem>>) target(%dma_start3A_98 : memref<64x128xf32, #tpu.memory_space<hbm>>) target_semaphore(%run_scoped3A : memref<!tpu.dma_semaphore, #tpu.memory_space<semaphore_mem>>)
      %dma_wait3A = arith.constant 0 : i32
      %dma_wait3A_99 = tpu.memref_slice %arg8[%arg0, %add3A_87, %dma_wait3A] : memref<2x10240x128xf32, #tpu.memory_space<hbm>> -> memref<1x64x128xf32, #tpu.memory_space<hbm>>
      %dma_wait3A_100 = tpu.memref_squeeze %dma_wait3A_99 : memref<1x64x128xf32, #tpu.memory_space<hbm>> -> memref<64x128xf32, #tpu.memory_space<hbm>>
      %dma_wait3A_101 = arith.constant 0 : i32
      %dma_wait3A_102 = tpu.memref_slice %arg8[%arg0, %add3A_87, %dma_wait3A_101] : memref<2x10240x128xf32, #tpu.memory_space<hbm>> -> memref<1x64x128xf32, #tpu.memory_space<hbm>>
      %dma_wait3A_103 = tpu.memref_squeeze %dma_wait3A_102 : memref<1x64x128xf32, #tpu.memory_space<hbm>> -> memref<64x128xf32, #tpu.memory_space<hbm>>
      tpu.wait_dma2 semaphore(%run_scoped3A : memref<!tpu.dma_semaphore, #tpu.memory_space<semaphore_mem>>) src(%arg11 : memref<64x128xf32, #tpu.memory_space<vmem>>) dst(%dma_wait3A_103 : memref<64x128xf32, #tpu.memory_space<hbm>>)
      tpu.yield
    }) : () -> ()
    %add3A_88 = arith.constant 448 : i32
    %add3A_89 = arith.addi %mul3A_0, %add3A_88 : i32
    "tpu.region"() ({
      %run_scoped3A = tpu.sem_alloc : memref<!tpu.dma_semaphore, #tpu.memory_space<semaphore_mem>>
      %dma_start3A = arith.constant 0 : i32
      %dma_start3A_94 = tpu.memref_slice %arg13[%add3A_89, %dma_start3A] : memref<10240x128xf32, #tpu.memory_space<vmem_shared>> -> memref<64x128xf32, #tpu.memory_space<vmem_shared>>
      %dma_start3A_95 = arith.constant 0 : i32
      %dma_start3A_96 = tpu.memref_slice %arg13[%add3A_89, %dma_start3A_95] : memref<10240x128xf32, #tpu.memory_space<vmem_shared>> -> memref<64x128xf32, #tpu.memory_space<vmem_shared>>
      tpu.enqueue_dma source(%dma_start3A_96 : memref<64x128xf32, #tpu.memory_space<vmem_shared>>) target(%arg11 : memref<64x128xf32, #tpu.memory_space<vmem>>) target_semaphore(%run_scoped3A : memref<!tpu.dma_semaphore, #tpu.memory_space<semaphore_mem>>)
      %dma_wait3A = arith.constant 0 : i32
      %dma_wait3A_97 = tpu.memref_slice %arg13[%add3A_89, %dma_wait3A] : memref<10240x128xf32, #tpu.memory_space<vmem_shared>> -> memref<64x128xf32, #tpu.memory_space<vmem_shared>>
      %dma_wait3A_98 = arith.constant 0 : i32
      %dma_wait3A_99 = tpu.memref_slice %arg13[%add3A_89, %dma_wait3A_98] : memref<10240x128xf32, #tpu.memory_space<vmem_shared>> -> memref<64x128xf32, #tpu.memory_space<vmem_shared>>
      tpu.wait_dma2 semaphore(%run_scoped3A : memref<!tpu.dma_semaphore, #tpu.memory_space<semaphore_mem>>) src(%dma_wait3A_99 : memref<64x128xf32, #tpu.memory_space<vmem_shared>>) dst(%arg11 : memref<64x128xf32, #tpu.memory_space<vmem>>)
      tpu.yield
    }) : () -> ()
    "tpu.region"() ({
      %run_scoped3A = tpu.sem_alloc : memref<!tpu.dma_semaphore, #tpu.memory_space<semaphore_mem>>
      %dma_start3A = arith.constant 0 : i32
      %dma_start3A_94 = tpu.memref_slice %arg8[%arg0, %add3A_89, %dma_start3A] : memref<2x10240x128xf32, #tpu.memory_space<hbm>> -> memref<1x64x128xf32, #tpu.memory_space<hbm>>
      %dma_start3A_95 = tpu.memref_squeeze %dma_start3A_94 : memref<1x64x128xf32, #tpu.memory_space<hbm>> -> memref<64x128xf32, #tpu.memory_space<hbm>>
      %dma_start3A_96 = arith.constant 0 : i32
      %dma_start3A_97 = tpu.memref_slice %arg8[%arg0, %add3A_89, %dma_start3A_96] : memref<2x10240x128xf32, #tpu.memory_space<hbm>> -> memref<1x64x128xf32, #tpu.memory_space<hbm>>
      %dma_start3A_98 = tpu.memref_squeeze %dma_start3A_97 : memref<1x64x128xf32, #tpu.memory_space<hbm>> -> memref<64x128xf32, #tpu.memory_space<hbm>>
      tpu.enqueue_dma source(%arg11 : memref<64x128xf32, #tpu.memory_space<vmem>>) target(%dma_start3A_98 : memref<64x128xf32, #tpu.memory_space<hbm>>) target_semaphore(%run_scoped3A : memref<!tpu.dma_semaphore, #tpu.memory_space<semaphore_mem>>)
      %dma_wait3A = arith.constant 0 : i32
      %dma_wait3A_99 = tpu.memref_slice %arg8[%arg0, %add3A_89, %dma_wait3A] : memref<2x10240x128xf32, #tpu.memory_space<hbm>> -> memref<1x64x128xf32, #tpu.memory_space<hbm>>
      %dma_wait3A_100 = tpu.memref_squeeze %dma_wait3A_99 : memref<1x64x128xf32, #tpu.memory_space<hbm>> -> memref<64x128xf32, #tpu.memory_space<hbm>>
      %dma_wait3A_101 = arith.constant 0 : i32
      %dma_wait3A_102 = tpu.memref_slice %arg8[%arg0, %add3A_89, %dma_wait3A_101] : memref<2x10240x128xf32, #tpu.memory_space<hbm>> -> memref<1x64x128xf32, #tpu.memory_space<hbm>>
      %dma_wait3A_103 = tpu.memref_squeeze %dma_wait3A_102 : memref<1x64x128xf32, #tpu.memory_space<hbm>> -> memref<64x128xf32, #tpu.memory_space<hbm>>
      tpu.wait_dma2 semaphore(%run_scoped3A : memref<!tpu.dma_semaphore, #tpu.memory_space<semaphore_mem>>) src(%arg11 : memref<64x128xf32, #tpu.memory_space<vmem>>) dst(%dma_wait3A_103 : memref<64x128xf32, #tpu.memory_space<hbm>>)
      tpu.yield
    }) : () -> ()
    %add3A_90 = arith.constant 512 : i32
    %add3A_91 = arith.addi %mul3A_0, %add3A_90 : i32
    "tpu.region"() ({
      %run_scoped3A = tpu.sem_alloc : memref<!tpu.dma_semaphore, #tpu.memory_space<semaphore_mem>>
      %dma_start3A = arith.constant 0 : i32
      %dma_start3A_94 = tpu.memref_slice %arg13[%add3A_91, %dma_start3A] : memref<10240x128xf32, #tpu.memory_space<vmem_shared>> -> memref<64x128xf32, #tpu.memory_space<vmem_shared>>
      %dma_start3A_95 = arith.constant 0 : i32
      %dma_start3A_96 = tpu.memref_slice %arg13[%add3A_91, %dma_start3A_95] : memref<10240x128xf32, #tpu.memory_space<vmem_shared>> -> memref<64x128xf32, #tpu.memory_space<vmem_shared>>
      tpu.enqueue_dma source(%dma_start3A_96 : memref<64x128xf32, #tpu.memory_space<vmem_shared>>) target(%arg11 : memref<64x128xf32, #tpu.memory_space<vmem>>) target_semaphore(%run_scoped3A : memref<!tpu.dma_semaphore, #tpu.memory_space<semaphore_mem>>)
      %dma_wait3A = arith.constant 0 : i32
      %dma_wait3A_97 = tpu.memref_slice %arg13[%add3A_91, %dma_wait3A] : memref<10240x128xf32, #tpu.memory_space<vmem_shared>> -> memref<64x128xf32, #tpu.memory_space<vmem_shared>>
      %dma_wait3A_98 = arith.constant 0 : i32
      %dma_wait3A_99 = tpu.memref_slice %arg13[%add3A_91, %dma_wait3A_98] : memref<10240x128xf32, #tpu.memory_space<vmem_shared>> -> memref<64x128xf32, #tpu.memory_space<vmem_shared>>
      tpu.wait_dma2 semaphore(%run_scoped3A : memref<!tpu.dma_semaphore, #tpu.memory_space<semaphore_mem>>) src(%dma_wait3A_99 : memref<64x128xf32, #tpu.memory_space<vmem_shared>>) dst(%arg11 : memref<64x128xf32, #tpu.memory_space<vmem>>)
      tpu.yield
    }) : () -> ()
    "tpu.region"() ({
      %run_scoped3A = tpu.sem_alloc : memref<!tpu.dma_semaphore, #tpu.memory_space<semaphore_mem>>
      %dma_start3A = arith.constant 0 : i32
      %dma_start3A_94 = tpu.memref_slice %arg8[%arg0, %add3A_91, %dma_start3A] : memref<2x10240x128xf32, #tpu.memory_space<hbm>> -> memref<1x64x128xf32, #tpu.memory_space<hbm>>
      %dma_start3A_95 = tpu.memref_squeeze %dma_start3A_94 : memref<1x64x128xf32, #tpu.memory_space<hbm>> -> memref<64x128xf32, #tpu.memory_space<hbm>>
      %dma_start3A_96 = arith.constant 0 : i32
      %dma_start3A_97 = tpu.memref_slice %arg8[%arg0, %add3A_91, %dma_start3A_96] : memref<2x10240x128xf32, #tpu.memory_space<hbm>> -> memref<1x64x128xf32, #tpu.memory_space<hbm>>
      %dma_start3A_98 = tpu.memref_squeeze %dma_start3A_97 : memref<1x64x128xf32, #tpu.memory_space<hbm>> -> memref<64x128xf32, #tpu.memory_space<hbm>>
      tpu.enqueue_dma source(%arg11 : memref<64x128xf32, #tpu.memory_space<vmem>>) target(%dma_start3A_98 : memref<64x128xf32, #tpu.memory_space<hbm>>) target_semaphore(%run_scoped3A : memref<!tpu.dma_semaphore, #tpu.memory_space<semaphore_mem>>)
      %dma_wait3A = arith.constant 0 : i32
      %dma_wait3A_99 = tpu.memref_slice %arg8[%arg0, %add3A_91, %dma_wait3A] : memref<2x10240x128xf32, #tpu.memory_space<hbm>> -> memref<1x64x128xf32, #tpu.memory_space<hbm>>
      %dma_wait3A_100 = tpu.memref_squeeze %dma_wait3A_99 : memref<1x64x128xf32, #tpu.memory_space<hbm>> -> memref<64x128xf32, #tpu.memory_space<hbm>>
      %dma_wait3A_101 = arith.constant 0 : i32
      %dma_wait3A_102 = tpu.memref_slice %arg8[%arg0, %add3A_91, %dma_wait3A_101] : memref<2x10240x128xf32, #tpu.memory_space<hbm>> -> memref<1x64x128xf32, #tpu.memory_space<hbm>>
      %dma_wait3A_103 = tpu.memref_squeeze %dma_wait3A_102 : memref<1x64x128xf32, #tpu.memory_space<hbm>> -> memref<64x128xf32, #tpu.memory_space<hbm>>
      tpu.wait_dma2 semaphore(%run_scoped3A : memref<!tpu.dma_semaphore, #tpu.memory_space<semaphore_mem>>) src(%arg11 : memref<64x128xf32, #tpu.memory_space<vmem>>) dst(%dma_wait3A_103 : memref<64x128xf32, #tpu.memory_space<hbm>>)
      tpu.yield
    }) : () -> ()
    %add3A_92 = arith.constant 576 : i32
    %add3A_93 = arith.addi %mul3A_0, %add3A_92 : i32
    "tpu.region"() ({
      %run_scoped3A = tpu.sem_alloc : memref<!tpu.dma_semaphore, #tpu.memory_space<semaphore_mem>>
      %dma_start3A = arith.constant 0 : i32
      %dma_start3A_94 = tpu.memref_slice %arg13[%add3A_93, %dma_start3A] : memref<10240x128xf32, #tpu.memory_space<vmem_shared>> -> memref<64x128xf32, #tpu.memory_space<vmem_shared>>
      %dma_start3A_95 = arith.constant 0 : i32
      %dma_start3A_96 = tpu.memref_slice %arg13[%add3A_93, %dma_start3A_95] : memref<10240x128xf32, #tpu.memory_space<vmem_shared>> -> memref<64x128xf32, #tpu.memory_space<vmem_shared>>
      tpu.enqueue_dma source(%dma_start3A_96 : memref<64x128xf32, #tpu.memory_space<vmem_shared>>) target(%arg11 : memref<64x128xf32, #tpu.memory_space<vmem>>) target_semaphore(%run_scoped3A : memref<!tpu.dma_semaphore, #tpu.memory_space<semaphore_mem>>)
      %dma_wait3A = arith.constant 0 : i32
      %dma_wait3A_97 = tpu.memref_slice %arg13[%add3A_93, %dma_wait3A] : memref<10240x128xf32, #tpu.memory_space<vmem_shared>> -> memref<64x128xf32, #tpu.memory_space<vmem_shared>>
      %dma_wait3A_98 = arith.constant 0 : i32
      %dma_wait3A_99 = tpu.memref_slice %arg13[%add3A_93, %dma_wait3A_98] : memref<10240x128xf32, #tpu.memory_space<vmem_shared>> -> memref<64x128xf32, #tpu.memory_space<vmem_shared>>
      tpu.wait_dma2 semaphore(%run_scoped3A : memref<!tpu.dma_semaphore, #tpu.memory_space<semaphore_mem>>) src(%dma_wait3A_99 : memref<64x128xf32, #tpu.memory_space<vmem_shared>>) dst(%arg11 : memref<64x128xf32, #tpu.memory_space<vmem>>)
      tpu.yield
    }) : () -> ()
    "tpu.region"() ({
      %run_scoped3A = tpu.sem_alloc : memref<!tpu.dma_semaphore, #tpu.memory_space<semaphore_mem>>
      %dma_start3A = arith.constant 0 : i32
      %dma_start3A_94 = tpu.memref_slice %arg8[%arg0, %add3A_93, %dma_start3A] : memref<2x10240x128xf32, #tpu.memory_space<hbm>> -> memref<1x64x128xf32, #tpu.memory_space<hbm>>
      %dma_start3A_95 = tpu.memref_squeeze %dma_start3A_94 : memref<1x64x128xf32, #tpu.memory_space<hbm>> -> memref<64x128xf32, #tpu.memory_space<hbm>>
      %dma_start3A_96 = arith.constant 0 : i32
      %dma_start3A_97 = tpu.memref_slice %arg8[%arg0, %add3A_93, %dma_start3A_96] : memref<2x10240x128xf32, #tpu.memory_space<hbm>> -> memref<1x64x128xf32, #tpu.memory_space<hbm>>
      %dma_start3A_98 = tpu.memref_squeeze %dma_start3A_97 : memref<1x64x128xf32, #tpu.memory_space<hbm>> -> memref<64x128xf32, #tpu.memory_space<hbm>>
      tpu.enqueue_dma source(%arg11 : memref<64x128xf32, #tpu.memory_space<vmem>>) target(%dma_start3A_98 : memref<64x128xf32, #tpu.memory_space<hbm>>) target_semaphore(%run_scoped3A : memref<!tpu.dma_semaphore, #tpu.memory_space<semaphore_mem>>)
      %dma_wait3A = arith.constant 0 : i32
      %dma_wait3A_99 = tpu.memref_slice %arg8[%arg0, %add3A_93, %dma_wait3A] : memref<2x10240x128xf32, #tpu.memory_space<hbm>> -> memref<1x64x128xf32, #tpu.memory_space<hbm>>
      %dma_wait3A_100 = tpu.memref_squeeze %dma_wait3A_99 : memref<1x64x128xf32, #tpu.memory_space<hbm>> -> memref<64x128xf32, #tpu.memory_space<hbm>>
      %dma_wait3A_101 = arith.constant 0 : i32
      %dma_wait3A_102 = tpu.memref_slice %arg8[%arg0, %add3A_93, %dma_wait3A_101] : memref<2x10240x128xf32, #tpu.memory_space<hbm>> -> memref<1x64x128xf32, #tpu.memory_space<hbm>>
      %dma_wait3A_103 = tpu.memref_squeeze %dma_wait3A_102 : memref<1x64x128xf32, #tpu.memory_space<hbm>> -> memref<64x128xf32, #tpu.memory_space<hbm>>
      tpu.wait_dma2 semaphore(%run_scoped3A : memref<!tpu.dma_semaphore, #tpu.memory_space<semaphore_mem>>) src(%arg11 : memref<64x128xf32, #tpu.memory_space<vmem>>) dst(%dma_wait3A_103 : memref<64x128xf32, #tpu.memory_space<hbm>>)
      tpu.yield
    }) : () -> ()
    return
  }
}

module attributes {stable_mosaic.version = 14 : i64} {
  func.func @_tc_layer_body(%arg0: i32, %arg1: memref<2x5000x128xf32, #tpu.memory_space<vmem>>, %arg2: memref<2x5000x128xf32, #tpu.memory_space<vmem>>, %arg3: memref<5000x128xf32, #tpu.memory_space<vmem>>, %arg4: memref<128x128xf32, #tpu.memory_space<vmem>>, %arg5: memref<128x128xf32, #tpu.memory_space<vmem>>, %arg6: memref<1x128xf32, #tpu.memory_space<vmem>>, %arg7: memref<5000x128xf32, #tpu.memory_space<vmem>>) attributes {dimension_semantics = [#tpu.dimension_semantics<arbitrary>], iteration_bounds = array<i64: 2>, scalar_prefetch = 0 : i64, scratch_operands = 0 : i64, tpu.core_type = #tpu.core_type<tc>, window_params = [{transform_indices = @transform_0, window_bounds = array<i64: 2, 5000, 128>}, {transform_indices = @transform_1, window_bounds = array<i64: 2, 5000, 128>}, {transform_indices = @transform_2, window_bounds = array<i64: 5000, 128>}, {pipeline_mode = #tpu.pipeline_mode<synchronous>, transform_indices = @transform_3, window_bounds = array<i64: 128, 128>}, {pipeline_mode = #tpu.pipeline_mode<synchronous>, transform_indices = @transform_4, window_bounds = array<i64: 128, 128>}, {pipeline_mode = #tpu.pipeline_mode<synchronous>, transform_indices = @transform_5, window_bounds = array<i64: 1, 128>}, {transform_indices = @transform_6, window_bounds = array<i64: 5000, 128>}]} {
    %get3A = arith.constant 0 : index
    %get3A_0 = arith.constant 0 : index
    %get3A_1 = arith.constant 0 : index
    %get3A_2 = vector.load %arg1[%get3A, %get3A_0, %get3A_1] : memref<2x5000x128xf32, #tpu.memory_space<vmem>>, vector<1x5000x128xf32>
    %get3A_3 = vector.shape_cast %get3A_2 : vector<1x5000x128xf32> to vector<5000x128xf32>
    %get3A_4 = arith.constant 1 : index
    %get3A_5 = arith.constant 0 : index
    %get3A_6 = arith.constant 0 : index
    %get3A_7 = vector.load %arg1[%get3A_4, %get3A_5, %get3A_6] : memref<2x5000x128xf32, #tpu.memory_space<vmem>>, vector<1x5000x128xf32>
    %get3A_8 = vector.shape_cast %get3A_7 : vector<1x5000x128xf32> to vector<5000x128xf32>
    %add3A = arith.addf %get3A_3, %get3A_8 : vector<5000x128xf32>
    %get3A_9 = arith.constant 0 : index
    %get3A_10 = arith.constant 0 : index
    %get3A_11 = arith.constant 0 : index
    %get3A_12 = vector.load %arg2[%get3A_9, %get3A_10, %get3A_11] : memref<2x5000x128xf32, #tpu.memory_space<vmem>>, vector<1x5000x1xf32>
    %get3A_13 = vector.shape_cast %get3A_12 : vector<1x5000x1xf32> to vector<5000x1xf32>
    %get3A_14 = arith.constant 1 : index
    %get3A_15 = arith.constant 0 : index
    %get3A_16 = arith.constant 0 : index
    %get3A_17 = vector.load %arg2[%get3A_14, %get3A_15, %get3A_16] : memref<2x5000x128xf32, #tpu.memory_space<vmem>>, vector<1x5000x1xf32>
    %get3A_18 = vector.shape_cast %get3A_17 : vector<1x5000x1xf32> to vector<5000x1xf32>
    %add3A_19 = arith.addf %get3A_13, %get3A_18 : vector<5000x1xf32>
    %max3A = arith.constant 1.000000e+00 : f32
    %max3A_20 = vector.broadcast %max3A : f32 to vector<5000x1xf32>
    %max3A_21 = arith.maximumf %add3A_19, %max3A_20 : vector<5000x1xf32>
    %div3A = vector.broadcast %max3A_21 : vector<5000x1xf32> to vector<5000x128xf32>
    %div3A_22 = arith.divf %add3A, %div3A : vector<5000x128xf32>
    %get3A_23 = arith.constant 0 : index
    %get3A_24 = arith.constant 0 : index
    %get3A_25 = vector.load %arg4[%get3A_23, %get3A_24] : memref<128x128xf32, #tpu.memory_space<vmem>>, vector<128x128xf32>
    %dot_general3A = arith.constant dense<0.000000e+00> : vector<5000x128xf32>
    %dot_general3A_26 = tpu.matmul %div3A_22, %get3A_25, %dot_general3A {dimension_numbers = #tpu.dot_dimension_numbers<[1], [1], [0], [0], [0, 0, 1, 0], [], []>, transpose_lhs_hint = false} : vector<5000x128xf32>, vector<128x128xf32>, vector<5000x128xf32> -> vector<5000x128xf32>
    %get3A_27 = arith.constant 0 : index
    %get3A_28 = arith.constant 0 : index
    %get3A_29 = vector.load %arg3[%get3A_27, %get3A_28] : memref<5000x128xf32, #tpu.memory_space<vmem>>, vector<5000x128xf32>
    %get3A_30 = arith.constant 0 : index
    %get3A_31 = arith.constant 0 : index
    %get3A_32 = vector.load %arg5[%get3A_30, %get3A_31] : memref<128x128xf32, #tpu.memory_space<vmem>>, vector<128x128xf32>
    %dot_general3A_33 = arith.constant dense<0.000000e+00> : vector<5000x128xf32>
    %dot_general3A_34 = tpu.matmul %get3A_29, %get3A_32, %dot_general3A_33 {dimension_numbers = #tpu.dot_dimension_numbers<[1], [1], [0], [0], [0, 0, 1, 0], [], []>, transpose_lhs_hint = false} : vector<5000x128xf32>, vector<128x128xf32>, vector<5000x128xf32> -> vector<5000x128xf32>
    %add3A_35 = arith.addf %dot_general3A_26, %dot_general3A_34 : vector<5000x128xf32>
    %get3A_36 = arith.constant 0 : index
    %get3A_37 = arith.constant 0 : index
    %get3A_38 = vector.load %arg6[%get3A_36, %get3A_37] : memref<1x128xf32, #tpu.memory_space<vmem>>, vector<1x128xf32>
    %add3A_39 = vector.broadcast %get3A_38 : vector<1x128xf32> to vector<5000x128xf32>
    %add3A_40 = arith.addf %add3A_35, %add3A_39 : vector<5000x128xf32>
    %logistic3A = arith.negf %add3A_40 : vector<5000x128xf32>
    %logistic3A_41 = math.exp %logistic3A : vector<5000x128xf32>
    %logistic3A_42 = arith.constant 1.000000e+00 : f32
    %logistic3A_43 = vector.broadcast %logistic3A_42 : f32 to vector<5000x128xf32>
    %logistic3A_44 = arith.addf %logistic3A_43, %logistic3A_41 : vector<5000x128xf32>
    %logistic3A_45 = arith.divf %logistic3A_43, %logistic3A_44 : vector<5000x128xf32>
    %swap3A = arith.constant 0 : index
    %swap3A_46 = arith.constant 0 : index
    %swap3A_47 = vector.load %arg7[%swap3A, %swap3A_46] : memref<5000x128xf32, #tpu.memory_space<vmem>>, vector<5000x128xf32>
    tpu.vector_store %arg7[%swap3A, %swap3A_46], %logistic3A_45 {strides = array<i32>} : memref<5000x128xf32, #tpu.memory_space<vmem>>, vector<5000x128xf32>,
    return
  }
  func.func @transform_0(%arg0: i32) -> (i32, i32, i32) {
    %c0_i32 = arith.constant 0 : i32
    %c0_i32_0 = arith.constant 0 : i32
    %c0_i32_1 = arith.constant 0 : i32
    return %c0_i32, %arg0, %c0_i32_0 : i32, i32, i32
  }
  func.func @transform_1(%arg0: i32) -> (i32, i32, i32) {
    %c0_i32 = arith.constant 0 : i32
    %c0_i32_0 = arith.constant 0 : i32
    %c0_i32_1 = arith.constant 0 : i32
    return %c0_i32, %arg0, %c0_i32_0 : i32, i32, i32
  }
  func.func @transform_2(%arg0: i32) -> (i32, i32) {
    %c0_i32 = arith.constant 0 : i32
    %c0_i32_0 = arith.constant 0 : i32
    return %arg0, %c0_i32 : i32, i32
  }
  func.func @transform_3(%arg0: i32) -> (i32, i32) {
    %c0_i32 = arith.constant 0 : i32
    %c0_i32_0 = arith.constant 0 : i32
    %c0_i32_1 = arith.constant 0 : i32
    return %c0_i32, %c0_i32_0 : i32, i32
  }
  func.func @transform_4(%arg0: i32) -> (i32, i32) {
    %c0_i32 = arith.constant 0 : i32
    %c0_i32_0 = arith.constant 0 : i32
    %c0_i32_1 = arith.constant 0 : i32
    return %c0_i32, %c0_i32_0 : i32, i32
  }
  func.func @transform_5(%arg0: i32) -> (i32, i32) {
    %c0_i32 = arith.constant 0 : i32
    %c0_i32_0 = arith.constant 0 : i32
    %c0_i32_1 = arith.constant 0 : i32
    return %c0_i32, %c0_i32_0 : i32, i32
  }
  func.func @transform_6(%arg0: i32) -> (i32, i32) {
    %c0_i32 = arith.constant 0 : i32
    %c0_i32_0 = arith.constant 0 : i32
    return %arg0, %c0_i32 : i32, i32
  }
}

module attributes {stable_mosaic.version = 14 : i64} {
  func.func @_tc_layer_body(%arg0: i32, %arg1: memref<2x5000x128xf32, #tpu.memory_space<vmem>>, %arg2: memref<2x5000x128xf32, #tpu.memory_space<vmem>>, %arg3: memref<5000x128xf32, #tpu.memory_space<vmem>>, %arg4: memref<128x128xf32, #tpu.memory_space<vmem>>, %arg5: memref<128x128xf32, #tpu.memory_space<vmem>>, %arg6: memref<1x128xf32, #tpu.memory_space<vmem>>, %arg7: memref<5000x128xf32, #tpu.memory_space<vmem>>) attributes {dimension_semantics = [#tpu.dimension_semantics<arbitrary>], iteration_bounds = array<i64: 2>, scalar_prefetch = 0 : i64, scratch_operands = 0 : i64, tpu.core_type = #tpu.core_type<tc>, window_params = [{transform_indices = @transform_0, window_bounds = array<i64: 2, 5000, 128>}, {transform_indices = @transform_1, window_bounds = array<i64: 2, 5000, 128>}, {transform_indices = @transform_2, window_bounds = array<i64: 5000, 128>}, {pipeline_mode = #tpu.pipeline_mode<synchronous>, transform_indices = @transform_3, window_bounds = array<i64: 128, 128>}, {pipeline_mode = #tpu.pipeline_mode<synchronous>, transform_indices = @transform_4, window_bounds = array<i64: 128, 128>}, {pipeline_mode = #tpu.pipeline_mode<synchronous>, transform_indices = @transform_5, window_bounds = array<i64: 1, 128>}, {transform_indices = @transform_6, window_bounds = array<i64: 5000, 128>}]} {
    %get3A = arith.constant 0 : index
    %get3A_0 = arith.constant 0 : index
    %get3A_1 = arith.constant 0 : index
    %get3A_2 = vector.load %arg1[%get3A, %get3A_0, %get3A_1] : memref<2x5000x128xf32, #tpu.memory_space<vmem>>, vector<1x5000x128xf32>
    %get3A_3 = vector.shape_cast %get3A_2 : vector<1x5000x128xf32> to vector<5000x128xf32>
    %get3A_4 = arith.constant 1 : index
    %get3A_5 = arith.constant 0 : index
    %get3A_6 = arith.constant 0 : index
    %get3A_7 = vector.load %arg1[%get3A_4, %get3A_5, %get3A_6] : memref<2x5000x128xf32, #tpu.memory_space<vmem>>, vector<1x5000x128xf32>
    %get3A_8 = vector.shape_cast %get3A_7 : vector<1x5000x128xf32> to vector<5000x128xf32>
    %add3A = arith.addf %get3A_3, %get3A_8 : vector<5000x128xf32>
    %get3A_9 = arith.constant 0 : index
    %get3A_10 = arith.constant 0 : index
    %get3A_11 = arith.constant 0 : index
    %get3A_12 = vector.load %arg2[%get3A_9, %get3A_10, %get3A_11] : memref<2x5000x128xf32, #tpu.memory_space<vmem>>, vector<1x5000x1xf32>
    %get3A_13 = vector.shape_cast %get3A_12 : vector<1x5000x1xf32> to vector<5000x1xf32>
    %get3A_14 = arith.constant 1 : index
    %get3A_15 = arith.constant 0 : index
    %get3A_16 = arith.constant 0 : index
    %get3A_17 = vector.load %arg2[%get3A_14, %get3A_15, %get3A_16] : memref<2x5000x128xf32, #tpu.memory_space<vmem>>, vector<1x5000x1xf32>
    %get3A_18 = vector.shape_cast %get3A_17 : vector<1x5000x1xf32> to vector<5000x1xf32>
    %add3A_19 = arith.addf %get3A_13, %get3A_18 : vector<5000x1xf32>
    %max3A = arith.constant 1.000000e+00 : f32
    %max3A_20 = vector.broadcast %max3A : f32 to vector<5000x1xf32>
    %max3A_21 = arith.maximumf %add3A_19, %max3A_20 : vector<5000x1xf32>
    %div3A = vector.broadcast %max3A_21 : vector<5000x1xf32> to vector<5000x128xf32>
    %div3A_22 = arith.divf %add3A, %div3A : vector<5000x128xf32>
    %get3A_23 = arith.constant 0 : index
    %get3A_24 = arith.constant 0 : index
    %get3A_25 = vector.load %arg4[%get3A_23, %get3A_24] : memref<128x128xf32, #tpu.memory_space<vmem>>, vector<128x128xf32>
    %dot_general3A = arith.constant dense<0.000000e+00> : vector<5000x128xf32>
    %dot_general3A_26 = tpu.matmul %div3A_22, %get3A_25, %dot_general3A {dimension_numbers = #tpu.dot_dimension_numbers<[1], [1], [0], [0], [0, 0, 1, 0], [], []>, transpose_lhs_hint = false} : vector<5000x128xf32>, vector<128x128xf32>, vector<5000x128xf32> -> vector<5000x128xf32>
    %get3A_27 = arith.constant 0 : index
    %get3A_28 = arith.constant 0 : index
    %get3A_29 = vector.load %arg3[%get3A_27, %get3A_28] : memref<5000x128xf32, #tpu.memory_space<vmem>>, vector<5000x128xf32>
    %get3A_30 = arith.constant 0 : index
    %get3A_31 = arith.constant 0 : index
    %get3A_32 = vector.load %arg5[%get3A_30, %get3A_31] : memref<128x128xf32, #tpu.memory_space<vmem>>, vector<128x128xf32>
    %dot_general3A_33 = arith.constant dense<0.000000e+00> : vector<5000x128xf32>
    %dot_general3A_34 = tpu.matmul %get3A_29, %get3A_32, %dot_general3A_33 {dimension_numbers = #tpu.dot_dimension_numbers<[1], [1], [0], [0], [0, 0, 1, 0], [], []>, transpose_lhs_hint = false} : vector<5000x128xf32>, vector<128x128xf32>, vector<5000x128xf32> -> vector<5000x128xf32>
    %add3A_35 = arith.addf %dot_general3A_26, %dot_general3A_34 : vector<5000x128xf32>
    %get3A_36 = arith.constant 0 : index
    %get3A_37 = arith.constant 0 : index
    %get3A_38 = vector.load %arg6[%get3A_36, %get3A_37] : memref<1x128xf32, #tpu.memory_space<vmem>>, vector<1x128xf32>
    %add3A_39 = vector.broadcast %get3A_38 : vector<1x128xf32> to vector<5000x128xf32>
    %add3A_40 = arith.addf %add3A_35, %add3A_39 : vector<5000x128xf32>
    %mul3A = arith.mulf %add3A_40, %add3A_40 : vector<5000x128xf32>
    %reduce_sum3A = arith.constant dense<0.000000e+00> : vector<5000xf32>
    %reduce_sum3A_41 = vector.multi_reduction <add>, %mul3A, %reduce_sum3A [1] : vector<5000x128xf32> to vector<5000xf32>
    %broadcast_in_dim3A = vector.shape_cast %reduce_sum3A_41 : vector<5000xf32> to vector<5000x1xf32>
    %sqrt3A = math.sqrt %broadcast_in_dim3A : vector<5000x1xf32>
    %max3A_42 = arith.constant 9.99999996E-13 : f32
    %max3A_43 = vector.broadcast %max3A_42 : f32 to vector<5000x1xf32>
    %max3A_44 = arith.maximumf %sqrt3A, %max3A_43 : vector<5000x1xf32>
    %div3A_45 = vector.broadcast %max3A_44 : vector<5000x1xf32> to vector<5000x128xf32>
    %div3A_46 = arith.divf %add3A_40, %div3A_45 : vector<5000x128xf32>
    %logistic3A = arith.negf %div3A_46 : vector<5000x128xf32>
    %logistic3A_47 = math.exp %logistic3A : vector<5000x128xf32>
    %logistic3A_48 = arith.constant 1.000000e+00 : f32
    %logistic3A_49 = vector.broadcast %logistic3A_48 : f32 to vector<5000x128xf32>
    %logistic3A_50 = arith.addf %logistic3A_49, %logistic3A_47 : vector<5000x128xf32>
    %logistic3A_51 = arith.divf %logistic3A_49, %logistic3A_50 : vector<5000x128xf32>
    %swap3A = arith.constant 0 : index
    %swap3A_52 = arith.constant 0 : index
    %swap3A_53 = vector.load %arg7[%swap3A, %swap3A_52] : memref<5000x128xf32, #tpu.memory_space<vmem>>, vector<5000x128xf32>
    tpu.vector_store %arg7[%swap3A, %swap3A_52], %logistic3A_51 {strides = array<i32>} : memref<5000x128xf32, #tpu.memory_space<vmem>>, vector<5000x128xf32>,
    return
  }
  func.func @transform_0(%arg0: i32) -> (i32, i32, i32) {
    %c0_i32 = arith.constant 0 : i32
    %c0_i32_0 = arith.constant 0 : i32
    %c0_i32_1 = arith.constant 0 : i32
    return %c0_i32, %arg0, %c0_i32_0 : i32, i32, i32
  }
  func.func @transform_1(%arg0: i32) -> (i32, i32, i32) {
    %c0_i32 = arith.constant 0 : i32
    %c0_i32_0 = arith.constant 0 : i32
    %c0_i32_1 = arith.constant 0 : i32
    return %c0_i32, %arg0, %c0_i32_0 : i32, i32, i32
  }
  func.func @transform_2(%arg0: i32) -> (i32, i32) {
    %c0_i32 = arith.constant 0 : i32
    %c0_i32_0 = arith.constant 0 : i32
    return %arg0, %c0_i32 : i32, i32
  }
  func.func @transform_3(%arg0: i32) -> (i32, i32) {
    %c0_i32 = arith.constant 0 : i32
    %c0_i32_0 = arith.constant 0 : i32
    %c0_i32_1 = arith.constant 0 : i32
    return %c0_i32, %c0_i32_0 : i32, i32
  }
  func.func @transform_4(%arg0: i32) -> (i32, i32) {
    %c0_i32 = arith.constant 0 : i32
    %c0_i32_0 = arith.constant 0 : i32
    %c0_i32_1 = arith.constant 0 : i32
    return %c0_i32, %c0_i32_0 : i32, i32
  }
  func.func @transform_5(%arg0: i32) -> (i32, i32) {
    %c0_i32 = arith.constant 0 : i32
    %c0_i32_0 = arith.constant 0 : i32
    %c0_i32_1 = arith.constant 0 : i32
    return %c0_i32, %c0_i32_0 : i32, i32
  }
  func.func @transform_6(%arg0: i32) -> (i32, i32) {
    %c0_i32 = arith.constant 0 : i32
    %c0_i32_0 = arith.constant 0 : i32
    return %arg0, %c0_i32 : i32, i32
  }
}

</mosaic_0001>

<sc_bundles>
// kernel: kernel.6.cloned.1.call-start
scs
__scs_entry_jumppad:
0x0: {  	(pc) =	sbr.rel $0x88, $3  }
0x1: {  	(tag) =	ssettag $0x0;
	lr =	simm.s32 $0x1  }
0x2: {  	[smem:$0x3F99] =	sst lr;
	_ =	strace $0xD0000000  }
0x3: {  	_ = 	snop  }
0x4: {  	_ = 	snop  }
0x5: {  	_ = 	snop  }
0x6: {  	_ = 	snop  }
0x7: {  	_ = 	snop  }
__scs_overlays_trampoline_lowered:
0x8: {  	[smem:$0x3FA8] =	sst s0  }
0x9: {  	[smem:$0x3FA9] =	sst s1  }
0xa: {  	[smem:$0x3FAA] =	sst s2  }
0xb: {  	[smem:$0x3FAB] =	sst s3  }
0xc: {  	[smem:$0x3FAC] =	sst s4  }
0xd: {  	[smem:$0x3FAD] =	sst s5  }
0xe: {  	[smem:$0x3FAE] =	sst s6  }
0xf: {  	[smem:$0x3FAF] =	sst s7  }
0x10: {  	[smem:$0x3FB0] =	sst s8  }
0x11: {  	[smem:$0x3FB1] =	sst s9;
	s0 =	simm.s32 @!p0 $0x0  }
0x12: {  	s1 =	sld [smem:$0x3F97];
	s0 =	simm.s32 @p0 $0x1  }
0x13: {  	[smem:$0x3FB2] =	sst s0;
	s0 =	simm.s32 @!p1 $0x0  }
0x14: {  	s2 =	sld [smem:$0x3F96];
	s0 =	simm.s32 @p1 $0x1  }
0x15: {  	[smem:$0x3FB3] =	sst s0;
	s0 =	simm.s32 @!p2 $0x0  }
0x16: {  	s3 =	sld [smem:$0x3FDB];
	s0 =	simm.s32 @p2 $0x1  }
0x17: {  	s4 =	simm.s32 $0x1BF5;
	[smem:$0x3FB5] =	sst s0  }
0x18: {  	s0 =	sld [smem:$0x3F98];
	_ =	swait.ge [sflag:s4], $0x0  }
0x19: {  	s7 =	sld [smem:$0x3F99]  }
0x1a: {  	s8 =	sadd.s32 $0xFFFFE003, lr  }
0x1b: {  	s9 =	sadd.s32 $0xFFFFFEF7, lr;
	s5 =	simm.s32 $0xFFFFFFFF;
	p2 =	slt.u32 s8, $0xFFFFF086  }
0x1c: {  	p1 =	slt.u32 s9, $0xF7A;
	s5 =	simm.s32 @!p2 $0x0  }
0x1d: {  	s5 =	simm.s32 @p1 $0x1;
	p0 =	seq.s32 s7, s2  }
0x1e: {  	s7 =	smul.u32 @!p0 $0xF7A, s2;
	p2 =	seq.s32 @!p0 s5, $0x0  }
0x1f: {  	s9 =	smul.u32 $0xF7A, s1;
	s8 =	simm.s32 @!p0 $0x1BF5;
	p2 =	por !p2, p0  }
0x20: {  	[sflag:s8] =	ssyncset.s32 @!p0 $0xFFFFF086;
	s6 =	sadd.s32 @!p0 s3, s7;
	s7 =	simm.s32 @!p0 $0x108  }
0x21: {  	s3 =	sadd.s32 s3, s9;
	s6 =	sadd.s32 @!p0 $0x88, s6;
	s7 =	simm.s32 @p2 $0x1082  }
0x22: {  	[simem:s7], [sflag:s8] =	dma.local @!p0 [hbm:s6], $0xF7A  }
0x23: {  	s9 =	sor.u32 $0xD0000000, s2;
	s6 =	simm.s32 $0x108;
	_ =	swait.ge @!p0 [sflag:s8], $0x0  }
0x24: {  	s3 =	sadd.s32 $0x88, s3;
	s6 =	simm.s32 @!p1 $0x1082;
	[sflag:s4] =	ssyncset.s32 $0xFFFFF086  }
0x25: {  	[simem:s6], [sflag:s4] =	dma.local [hbm:s3], $0xF7A  }
0x26: {  	[smem:$0x3F99] =	sst s1;
	(tag) =	ssettag s2;
	_ =	strace s9  }
0x27: {  	s1 =	sld [smem:$0x3FA9]  }
0x28: {  	s2 =	sld [smem:$0x3FAA]  }
0x29: {  	s4 =	sld [smem:$0x3FAC]  }
0x2a: {  	p0 =	seq.s32 s5, $0x0;
	s5 =	sld [smem:$0x3FAD]  }
0x2b: {  	s6 =	sld [smem:$0x3FAE]  }
0x2c: {  	s7 =	sld [smem:$0x3FAF]  }
0x2d: {  	s3 =	simm.s32 $0x108;
	s8 =	sld [smem:$0x3FB0]  }
0x2e: {  	s3 =	simm.s32 @!p0 $0x1082;
	s9 =	sld [smem:$0x3FB1]  }
0x2f: {  	lr =	sadd.s32 s0, s3;
	s0 =	sld [smem:$0x3FA8]  }
0x30: {  	s3 =	sld [smem:$0x3FAB]  }
0x31: {  	[smem:$0x3FB4] =	sst s10  }
0x32: {  	s10 =	sld [smem:$0x3FB2];
	_ =	sdelay $0x3  }
0x33: {  	p0 =	seq.s32 s10, $0x1;
	s10 =	sld [smem:$0x3FB4];
	_ =	sdelay $0x3  }
0x34: {  	[smem:$0x3FB4] =	sst s10  }
0x35: {  	s10 =	sld [smem:$0x3FB3];
	_ =	sdelay $0x3  }
0x36: {  	p1 =	seq.s32 s10, $0x1;
	s10 =	sld [smem:$0x3FB4];
	_ =	sdelay $0x3  }
0x37: {  	[smem:$0x3FB4] =	sst s10  }
0x38: {  	s10 =	sld [smem:$0x3FB5]  }
0x39: {  	_ = 	snop;
	(pc) =	sbr.ind lr, $3  }
0x3a: {  	_ = 	snop  }
0x3b: {  	_ = 	snop  }
0x3c: {  	p2 =	seq.s32 s10, $0x1;
	s10 =	sld [smem:$0x3FB4]  }
0x3d: {  	_ =	shalt  }
0x3e: {  	_ =	shalt  }
0x3f: {  	_ =	shalt  }
0x40: {  	_ =	shalt  }
0x41: {  	_ =	shalt  }
0x42: {  	_ =	shalt  }
0x43: {  	_ =	shalt  }
0x44: {  	_ =	shalt  }
0x45: {  	_ =	shalt  }
0x46: {  	_ =	shalt  }
0x47: {  	_ =	shalt  }
0x48: {  	_ =	shalt  }
0x49: {  	_ =	shalt  }
0x4a: {  	_ =	shalt  }
0x4b: {  	_ =	shalt  }
0x4c: {  	_ =	shalt  }
0x4d: {  	_ =	shalt  }
0x4e: {  	_ =	shalt  }
0x4f: {  	_ =	shalt  }
0x50: {  	_ =	shalt  }
0x51: {  	_ =	shalt  }
0x52: {  	_ =	shalt  }
0x53: {  	_ =	shalt  }
0x54: {  	_ =	shalt  }
0x55: {  	_ =	shalt  }
0x56: {  	_ =	shalt  }
0x57: {  	_ =	shalt  }
0x58: {  	_ =	shalt  }
0x59: {  	_ =	shalt  }
0x5a: {  	_ =	shalt  }
0x5b: {  	_ =	shalt  }
0x5c: {  	_ =	shalt  }
0x5d: {  	_ =	shalt  }
0x5e: {  	_ =	shalt  }
0x5f: {  	_ =	shalt  }
0x60: {  	_ =	shalt  }
0x61: {  	_ =	shalt  }
0x62: {  	_ =	shalt  }
0x63: {  	_ =	shalt  }
0x64: {  	_ =	shalt  }
0x65: {  	_ =	shalt  }
0x66: {  	_ =	shalt  }
0x67: {  	_ =	shalt  }
0x68: {  	_ =	shalt  }
0x69: {  	_ =	shalt  }
0x6a: {  	_ =	shalt  }
0x6b: {  	_ =	shalt  }
0x6c: {  	_ =	shalt  }
0x6d: {  	_ =	shalt  }
0x6e: {  	_ =	shalt  }
0x6f: {  	_ =	shalt  }
0x70: {  	_ =	shalt  }
0x71: {  	_ =	shalt  }
0x72: {  	_ =	shalt  }
0x73: {  	_ =	shalt  }
0x74: {  	_ =	shalt  }
0x75: {  	_ =	shalt  }
0x76: {  	_ =	shalt  }
0x77: {  	_ =	shalt  }
0x78: {  	_ =	shalt  }
0x79: {  	_ =	shalt  }
0x7a: {  	_ =	shalt  }
0x7b: {  	_ =	shalt  }
0x7c: {  	_ =	shalt  }
0x7d: {  	_ =	shalt  }
0x7e: {  	_ =	shalt  }
0x7f: {  	_ =	shalt  }
0x80: {  	_ =	shalt  }
0x81: {  	_ =	shalt  }
0x82: {  	_ =	shalt  }
0x83: {  	_ =	shalt  }
0x84: {  	_ =	shalt  }
0x85: {  	_ =	shalt  }
0x86: {  	_ =	shalt  }
0x87: {  	_ =	shalt  }
.Lfunc_end0:
.L_simem_size_0:
called_computation_lowered:
.L_overlay_start_0:
0x88: {  	s2 =	sld [smem:$0x3FD9]  }
0x89: {  	s3 =	sld [smem:$0x3FFE];
	_ =	sdelay $0x1  }
0x8a: {  	s1 =	srdreg.scid  }
0x8b: {  	s0 =	sand.u32 $0x1, s1  }
0x8c: {  	s17 =	sshll.u32 s0, $0xA;
	s2 =	sadd.s32 s3, s2  }
0x8d: {  	s2 =	sadd.s32 s2, s17  }
0x8e: {  	[smem:$0x3FC0] =	sst s2  }
0x8f: {  	_ = 	snop  }
0x90: {  	s2 =	sld [smem:$0x3FC9]  }
0x91: {  	s18 =	sld [smem:$0x3FD0];
	(tm) =	ssettm $0x1  }
0x92: {  	s4 =	sld [smem:$0x3FFB];
	_ =	sdelay $0x3  }
0x93: {  	_ =	strace s4  }
0x94: {  	s4 =	sld [smem:$0x3FFC];
	_ =	sdelay $0x3  }
0x95: {  	_ =	strace s4  }
0x96: {  	s4 =	sld [smem:$0x3FFD];
	_ =	sdelay $0x3  }
0x97: {  	_ =	strace s4  }
0x98: {  	_ =	strace $0x8FFFFFFF  }
0x99: {  	s19 =	sld [smem:$0x3FDB];
	_ =	sdelay $0x1  }
0x9a: {  	s5 =	simm.s32 $_scs_section_size  }
0x9b: {  	s6 =	simm.s32 $_size__tile_overlayer_lowered;
	s7 =	simm.s32 $_tile_overlayer_lowered  }
0x9c: {  	s22 =	simm.s32 $0x1BFF;
	s21 =	sshll.u32 s7, $0x1;
	s4 =	sadd.s32 s5, s19  }
0x9d: {  	s8 =	simm.s32 $0x0;
	s20 =	sshll.u32 s6, $0x1;
	s6 =	sadd.s32 s21, s4  }
0x9e: {  	[timem:s8], [sflag:s22] =	dma.local [hbm:s6], s20  }
0x9f: {  	_ =	swait.ge [sflag:s22], s20  }
0xa0: {  	s5 =	ssub.s32 $0x0, s20;
	[sflag:s22] =	ssyncset.done $0x0  }
0xa1: {  	[sflag:s22] =	ssyncadd.s32 s5;
	_ =	sdelay $0x1  }
0xa2: {  	s23 =	simm.s32 $0x1B8B  }
0xa3: {  	_ =	swait.ge [sflag:s23], $0x1  }
0xa4: {  	[sflag:s23] =	ssyncset.done $0x0  }
0xa5: {  	s25 =	simm.s32 $0x1B8E;
	s24 =	sld [smem:$0x3FFE];
	[sflag:s23] =	ssyncadd.s32 $0xFFFFFFFF  }
0xa6: {  	s26 =	simm.s32 $execute0_lowered;
	[smem:$0x3FD2] =	sst s25  }
0xa7: {  	s6 =	sshll.u32 s26, $0x1;
	_ =	strace $0x80000046;
	[dreg:$0x1] =	wrdreg $0xFFFFFFFF  }
0xa8: {  	s28 =	simm.s32 $_size_execute0_lowered;
	s4 =	sadd.s32 s4, s6;
	[dreg:$0x0] =	wrdreg $0x0  }
0xa9: {  	s6 =	sshll.u32 s28, $0x1;
	[dreg:$0x2] =	wrdreg s4  }
0xaa: {  	[dreg:$0x3] =	wrdreg s6  }
0xab: {  	[dreg:$0x4] =	wrdreg $0xC0  }
0xac: {  	_ =	task [dreg:s8], $0x5FFFF  }
0xad: {  	[dreg:$0x1] =	wrdreg $0xFFFFFFFF  }
0xae: {  	[dreg:$0x0] =	wrdreg $0x60  }
0xaf: {  	[dreg:$0x2] =	wrdreg s2  }
0xb0: {  	[dreg:$0x3] =	wrdreg s24  }
0xb1: {  	[dreg:$0x4] =	wrdreg s18  }
0xb2: {  	[dreg:$0x5] =	wrdreg $0x94000  }
0xb3: {  	[dreg:$0x6] =	wrdreg $0x9  }
0xb4: {  	_ =	task.clear_ibuf [dreg:s8], $0x7FFFF;
	_ =	strace $0x90000046  }
0xb5: {  	s29 =	simm.s32 $0x9;
	_ =	strace $0x80000048  }
0xb6: {  	_ =	swait.ge [sflag:s29], $0x1  }
0xb7: {  	[sflag:s29] =	ssyncadd.s32 $0xFFFFFFFF  }
0xb8: {  	_ =	strace $0x90000048  }
0xb9: {  	_ =	sfence  }
0xba: {  	s30 =	sld [smem:$0x0];
	_ =	sdelay $0x2  }
0xbb: {  	s31 =	sshll.u32 s1, $0xD;
	s1 =	sshrl.u32 s1, $0x2  }
0xbc: {  	s3 =	sand.u32 $0x4000, s31;
	s1 =	sadd.s32 s1, s30  }
0xbd: {  	s0 =	sor.u32 s3, s0;
	s1 =	sshll.u32 s1, $0x11  }
0xbe: {  	s0 =	sor.u32 s1, s0  }
0xbf: {  	s0 =	sadd.s32 $0x8F2B, s0  }
0xc0: {  	[sflag:s0] =	ssyncadd.remote.s32 $0x1  }
0xc1: {  	_ =	sfence.sel $0xFFFF  }
0xc2: {  	[dreg:$0x0] =	wrdreg $0xFFFFFFFF;
	(pc) =	sbr.abs _section_cstart, $3  }
0xc3: {  	[dreg:$0x1] =	wrdreg $0xFFFFFFFF  }
0xc4: {  	_ =	task.clear_ibuf [dreg:s8], $0x2FFFF;
	_ =	strace $0x9FFFFFFF  }
0xc5: {  	(tm) =	ssettm $0x7FFFFFFF  }
tec
execute0_lowered:
.L_overlay_start_1:
0x0: {  	(tag) =	ssettag $0x1  }
0x1: {  	s25 =	stileid.u32  }
0x2: {  	s3 =	smul.u32 $0x5800, s25  }
0x3: {  	s0 =	srdreg.scid;
	s1 =	simm.s32 $0x0;
	s5 =	smul.u32 $0x5000, s25  }
0x4: {  	s8 =	sand.u32 $0x1, s0;
	s0 =	rddreg [dreg:$0x1];
	s13 =	smul.u32 $0x14000, s25  }
0x5: {  	[smem:$0x7FF] =	sst s1;
	s2 =	smul.u32 $0x58000, s8;
	s12 =	ssub.s32 $0x2, s8  }
0x6: {  	s4 =	smul.u32 $0x50000, s8;
	s15 =	sadd.s32 $0x7C600, s0;
	s16 =	sshrl.u32 s12, $0x1  }
0x7: {  	s6 =	sadd.s32 $0x6000, s13;
	s7 =	sadd.s32 $0x8000, s13;
	s9 =	sadd.s32 $0xC000, s13  }
0x8: {  	s10 =	sadd.s32 $0xE000, s13;
	s11 =	sadd.s32 $0x10000, s13;
	s2 =	sadd.s32 s3, s2  }
0x9: {  	s14 =	sadd.s32 s5, s4;
	s5 =	ssub.s32 s12, s16;
	s16 =	smul.u32 $0x140000, s8  }
0xa: {  	s3 =	sor.u32 $0x2000, s13;
	s4 =	sadd.s32 $0x4000, s13;
	s8 =	sadd.s32 $0xA000, s13  }
0xb: {  	s12 =	sadd.s32 $0x12000, s13;
	s13 =	sadd.s32 s13, s16;
	s17 =	sadd.s32 s16, s3  }
0xc: {  	s18 =	sadd.s32 s16, s4;
	s19 =	sadd.s32 s16, s6;
	s20 =	sadd.s32 s16, s7  }
0xd: {  	s21 =	sadd.s32 s16, s8;
	s22 =	sadd.s32 s16, s9;
	s23 =	sadd.s32 s16, s10  }
0xe: {  	s24 =	sadd.s32 s16, s11;
	s16 =	sadd.s32 s16, s12;
	s13 =	sshrl.u32 s13, $0x3  }
0xf: {  	s17 =	sshrl.u32 s17, $0x3;
	s18 =	sshrl.u32 s18, $0x3;
	s26 =	sadd.s32 s15, s13  }
0x10: {  	s19 =	sshrl.u32 s19, $0x3;
	[dreg:$0x5] =	wrdreg s26;
	s26 =	sadd.s32 s15, s17  }
0x11: {  	s20 =	sshrl.u32 s20, $0x3;
	[dreg:$0x6] =	wrdreg s26;
	s26 =	sadd.s32 s15, s18  }
0x12: {  	s21 =	sshrl.u32 s21, $0x3;
	[dreg:$0x7] =	wrdreg s26;
	s26 =	sadd.s32 s15, s19  }
0x13: {  	s22 =	sshrl.u32 s22, $0x3;
	[dreg:$0x8] =	wrdreg s26;
	s26 =	sadd.s32 s15, s20  }
0x14: {  	s23 =	sshrl.u32 s23, $0x3;
	[dreg:$0x9] =	wrdreg s26;
	s26 =	sadd.s32 s15, s21  }
0x15: {  	s24 =	sshrl.u32 s24, $0x3;
	[dreg:$0xa] =	wrdreg s26;
	s26 =	sadd.s32 s15, s22  }
0x16: {  	s16 =	sshrl.u32 s16, $0x3;
	[dreg:$0xb] =	wrdreg s26;
	s26 =	sadd.s32 s15, s23  }
0x17: {  	[dreg:$0xc] =	wrdreg s26;
	s26 =	sadd.s32 s15, s24;
	s15 =	sadd.s32 s15, s16  }
0x18: {  	[dreg:$0xe] =	wrdreg s15;
	s15 =	sadd.s32 $0x2C600, s0  }
0x19: {  	[dreg:$0xd] =	wrdreg s26;
	s13 =	sadd.s32 s15, s13  }
0x1a: {  	s17 =	sadd.s32 s15, s17;
	[dreg:$0xf] =	wrdreg s13  }
0x1b: {  	s18 =	sadd.s32 s15, s18;
	[dreg:$0x10] =	wrdreg s17  }
0x1c: {  	s19 =	sadd.s32 s15, s19;
	[dreg:$0x11] =	wrdreg s18  }
0x1d: {  	s20 =	sadd.s32 s15, s20;
	[dreg:$0x12] =	wrdreg s19  }
0x1e: {  	s2 =	sshrl.u32 s2, $0x3;
	s14 =	sshrl.u32 s14, $0x3;
	[dreg:$0x13] =	wrdreg s20  }
0x1f: {  	s5 =	smax.u32 s5, $0x1;
	s26 =	sadd.s32 s15, s21;
	s17 =	rddreg [dreg:$0x0]  }
0x20: {  	s14 =	sadd.s32 s14, s0;
	s21 =	sadd.s32 s15, s16;
	[dreg:$0x14] =	wrdreg s26  }
0x21: {  	s16 =	simm.s32 $0x2;
	s20 =	sadd.s32 s15, s24;
	s24 =	rddreg [dreg:$0x3]  }
0x22: {  	s18 =	sadd.s32 s15, s22;
	s19 =	sadd.s32 s15, s23;
	[dreg:$0x18] =	wrdreg s21  }
0x23: {  	s22 =	smul.u32 $0x50000, s25;
	s23 =	sadd.s32 s2, s0;
	[dreg:$0x15] =	wrdreg s18  }
0x24: {  	s26 =	sadd.s32 $0x2C200, s0;
	s13 =	simm.s32 $0x40;
	[dreg:$0x16] =	wrdreg s19  }
0x25: {  	s15 =	simm.s32 $0x1;
	[dreg:$0x17] =	wrdreg s20;
	s29 =	sadd.s32 s3, s24  }
0x26: {  	s30 =	sadd.s32 s4, s24;
	s31 =	sadd.s32 s6, s24;
	s19 =	sadd.s32 s7, s24  }
0x27: {  	s0 =	sadd.s32 s8, s24;
	s21 =	sadd.s32 s9, s24;
	s2 =	sadd.s32 s10, s24  }
0x28: {  	s3 =	sadd.s32 s11, s24;
	s4 =	sadd.s32 s12, s24;
	s6 =	sadd.s32 $0x2200, s14  }
0x29: {  	s7 =	sadd.s32 $0x2700, s14;
	s8 =	sadd.s32 $0x16200, s23;
	s9 =	sadd.s32 $0x16780, s23  }
0x2a: {  	s10 =	simm.s32 $0x5400;
	s11 =	simm.s32 $0x3;
	s12 =	simm.s32 $0x2C00  }
0x2b: {  	s14 =	simm.s32 $0x7400;
	s18 =	simm.s32 $0x0;
	s25 =	sshrl.u32 s22, $0x2  }
0x2c: {  	_ =	strace $0x80000047;
	[dreg:$0x19] =	wrdreg s5;
	s28 =	sadd.s32 s25, s24  }
.LBB2_1:
0x2d: {  	[tilespmem:s10], [sflag:$0x3] =	stream.linear.gather [hbm4b:s26+s1], $0x2000, $0x38;
	[tilespmem:$0x1D400] =	vst v63  }
0x2e: {  	_ =	swait.ge [sflag:s11], $0x2000  }
0x2f: {  	[sflag:s11] =	ssyncset.done $0x0  }
0x30: {  	[sflag:s11] =	ssyncadd.s32 $0xFFFFE000  }
0x31: {  	[spmem:s28] =	stream.linear.scatter [tilespmem:s10], [sflag:$0x3], $0x2000, $0x38;
	[tilespmem:$0x1D400] =	vst v63  }
0x32: {  	_ =	swait.ge [sflag:s11], $0x2000  }
0x33: {  	[sflag:s11] =	ssyncset.done $0x0  }
0x34: {  	[sflag:s11] =	ssyncadd.s32 $0xFFFFE000  }
0x35: {  	[spmem:s29] =	stream.linear.scatter [tilespmem:s10], [sflag:$0x3], $0x2000, $0x38;
	[tilespmem:$0x1D400] =	vst v63  }
0x36: {  	_ =	swait.ge [sflag:s11], $0x2000  }
0x37: {  	[sflag:s11] =	ssyncset.done $0x0  }
0x38: {  	[sflag:s11] =	ssyncadd.s32 $0xFFFFE000  }
0x39: {  	[spmem:s30] =	stream.linear.scatter [tilespmem:s10], [sflag:$0x3], $0x2000, $0x38;
	[tilespmem:$0x1D400] =	vst v63  }
0x3a: {  	_ =	swait.ge [sflag:s11], $0x2000  }
0x3b: {  	[sflag:s11] =	ssyncset.done $0x0  }
0x3c: {  	[sflag:s11] =	ssyncadd.s32 $0xFFFFE000  }
0x3d: {  	[spmem:s31] =	stream.linear.scatter [tilespmem:s10], [sflag:$0x3], $0x2000, $0x38;
	[tilespmem:$0x1D400] =	vst v63  }
0x3e: {  	_ =	swait.ge [sflag:s11], $0x2000  }
0x3f: {  	[sflag:s11] =	ssyncset.done $0x0  }
0x40: {  	[sflag:s11] =	ssyncadd.s32 $0xFFFFE000  }
0x41: {  	[spmem:s19] =	stream.linear.scatter [tilespmem:s10], [sflag:$0x3], $0x2000, $0x38;
	[tilespmem:$0x1D400] =	vst v63  }
0x42: {  	_ =	swait.ge [sflag:s11], $0x2000  }
0x43: {  	[sflag:s11] =	ssyncset.done $0x0  }
0x44: {  	[sflag:s11] =	ssyncadd.s32 $0xFFFFE000  }
0x45: {  	[spmem:s0] =	stream.linear.scatter [tilespmem:s10], [sflag:$0x3], $0x2000, $0x38;
	[tilespmem:$0x1D400] =	vst v63  }
0x46: {  	_ =	swait.ge [sflag:s11], $0x2000  }
0x47: {  	[sflag:s11] =	ssyncset.done $0x0  }
0x48: {  	[sflag:s11] =	ssyncadd.s32 $0xFFFFE000  }
0x49: {  	[spmem:s21] =	stream.linear.scatter [tilespmem:s10], [sflag:$0x3], $0x2000, $0x38;
	[tilespmem:$0x1D400] =	vst v63  }
0x4a: {  	_ =	swait.ge [sflag:s11], $0x2000  }
0x4b: {  	[sflag:s11] =	ssyncset.done $0x0  }
0x4c: {  	[sflag:s11] =	ssyncadd.s32 $0xFFFFE000  }
0x4d: {  	[spmem:s2] =	stream.linear.scatter [tilespmem:s10], [sflag:$0x3], $0x2000, $0x38;
	[tilespmem:$0x1D400] =	vst v63  }
0x4e: {  	_ =	swait.ge [sflag:s11], $0x2000  }
0x4f: {  	[sflag:s11] =	ssyncset.done $0x0  }
0x50: {  	[sflag:s11] =	ssyncadd.s32 $0xFFFFE000  }
0x51: {  	[spmem:s3] =	stream.linear.scatter [tilespmem:s10], [sflag:$0x3], $0x2000, $0x38;
	[tilespmem:$0x1D400] =	vst v63  }
0x52: {  	_ =	swait.ge [sflag:s11], $0x2000  }
0x53: {  	[sflag:s11] =	ssyncset.done $0x0  }
0x54: {  	[sflag:s11] =	ssyncadd.s32 $0xFFFFE000  }
0x55: {  	[spmem:s4] =	stream.linear.scatter [tilespmem:s10], [sflag:$0x3], $0x2000, $0x38;
	[tilespmem:$0x1D400] =	vst v63  }
0x56: {  	_ =	swait.ge [sflag:s11], $0x2000  }
0x57: {  	[sflag:s11] =	ssyncset.done $0x0  }
0x58: {  	[sflag:s11] =	ssyncadd.s32 $0xFFFFE000  }
0x59: {  	s5 =	rddreg [dreg:$0x2]  }
0x5a: {  	[tilespmem:s10], [sflag:$0x3] =	stream.linear.gather [hbm4b:s5+s1], $0x2000, $0x38;
	[tilespmem:$0x1D400] =	vst v63  }
0x5b: {  	_ =	swait.ge [sflag:s11], $0x2000  }
0x5c: {  	[sflag:s11] =	ssyncset.done $0x0  }
0x5d: {  	[sflag:s11] =	ssyncadd.s32 $0xFFFFE000  }
0x5e: {  	[bflag:$0x0] =	sbarrier.arrive $0xFFFF  }
0x5f: {  	[tilespmem:s12], [sflag:$0x3] =	stream.linear.gather [hbm4b:s6+s1], $0x2800, $0x38;
	[tilespmem:$0x1D400] =	vst v63  }
0x60: {  	_ =	swait.ge [sflag:s11], $0x2800  }
0x61: {  	[sflag:s11] =	ssyncset.done $0x0  }
0x62: {  	s20 =	simm.s32 $0x2C00;
	[sflag:s11] =	ssyncadd.s32 $0xFFFFD800  }
0x63: {  	[spmem:s24] =	stream.indirect.scatter.add.f32 [tilespmem:s10], [sflag:$0x3], $0x80, s20, s13, $0xb8;
	[tilespmem:$0x1D400] =	vst v63  }
0x64: {  	s20 =	simm.s32 $0x200;
	_ =	swait.ge [sflag:s11], $0x2000  }
.LBB2_2:
0x65: {  	s22 =	sshra.s32 s20, $0x2;
	[sflag:s11] =	ssyncset.done $0x0;
	p0 =	sne.s32 s20, $0x9E00  }
.Ltmp0:
0x66: {  	s22 =	sadd.s32 $0x2C00, s22;
	[sflag:s11] =	ssyncadd.s32 $0xFFFFE000;
	(pc) =	sbr.rel @p0 .LBB2_2-.Ltmp0, $3  }
0x67: {  	[spmem:s24] =	stream.indirect.scatter.add.f32 [tilespmem:s10], [sflag:$0x3], $0x80, s22, s13, $0xb8;
	[tilespmem:$0x1D400] =	vst v63  }
0x68: {  	s20 =	sadd.s32 $0x200, s20;
	_ =	sdelay $0x1  }
0x69: {  	_ =	swait.ge [sflag:s11], $0x2000  }
0x6a: {  	[sflag:s11] =	ssyncset.done $0x0  }
0x6b: {  	s20 =	simm.s32 $0x0;
	[sflag:s11] =	ssyncadd.s32 $0xFFFFE000  }
0x6c: {  	[tilespmem:s12], [sflag:$0x3] =	stream.linear.gather [hbm4b:s7+s20], $0x2800, $0x38;
	[tilespmem:$0x1D400] =	vst v63  }
0x6d: {  	_ =	swait.ge [sflag:s11], $0x2800  }
0x6e: {  	[sflag:s11] =	ssyncset.done $0x0  }
0x6f: {  	s25 =	simm.s32 $0x2C00;
	[sflag:s11] =	ssyncadd.s32 $0xFFFFD800  }
0x70: {  	[spmem:s24] =	stream.indirect.scatter.add.f32 [tilespmem:s10], [sflag:$0x3], $0x80, s25, s13, $0xb8;
	[tilespmem:$0x1D400] =	vst v63  }
0x71: {  	s20 =	simm.s32 $0x200;
	_ =	swait.ge [sflag:s11], $0x2000  }
.LBB2_4:
0x72: {  	s22 =	sshra.s32 s20, $0x2;
	[sflag:s11] =	ssyncset.done $0x0;
	p0 =	sne.s32 s20, $0x9E00  }
.Ltmp1:
0x73: {  	s22 =	sadd.s32 $0x2C00, s22;
	[sflag:s11] =	ssyncadd.s32 $0xFFFFE000;
	(pc) =	sbr.rel @p0 .LBB2_4-.Ltmp1, $3  }
0x74: {  	[spmem:s24] =	stream.indirect.scatter.add.f32 [tilespmem:s10], [sflag:$0x3], $0x80, s22, s13, $0xb8;
	[tilespmem:$0x1D400] =	vst v63  }
0x75: {  	s20 =	sadd.s32 $0x200, s20;
	_ =	sdelay $0x1  }
0x76: {  	_ =	swait.ge [sflag:s11], $0x2000  }
0x77: {  	[sflag:s11] =	ssyncset.done $0x0  }
0x78: {  	[sflag:s11] =	ssyncadd.s32 $0xFFFFE000  }
0x79: {  	[bflag:$0x0] =	sbarrier.arrive $0xFFFF  }
0x7a: {  	[tilespmem:s10], [sflag:$0x3] =	stream.linear.gather [spmem:s28], $0x2000, $0x38;
	[tilespmem:$0x1D400] =	vst v63  }
0x7b: {  	_ =	swait.ge [sflag:s11], $0x2000  }
0x7c: {  	[sflag:s11] =	ssyncset.done $0x0  }
0x7d: {  	s20 =	simm.s32 $0x0;
	s5 =	rddreg [dreg:$0x5];
	[sflag:s11] =	ssyncadd.s32 $0xFFFFE000  }
0x7e: {  	[hbm4b:s5+s20] =	stream.linear.scatter [tilespmem:s10], [sflag:$0x3], $0x2000, $0x38;
	[tilespmem:$0x1D400] =	vst v63  }
0x7f: {  	_ =	swait.ge [sflag:s11], $0x2000  }
0x80: {  	[sflag:s11] =	ssyncset.done $0x0  }
0x81: {  	[sflag:s11] =	ssyncadd.s32 $0xFFFFE000  }
0x82: {  	[tilespmem:s10], [sflag:$0x3] =	stream.linear.gather [spmem:s29], $0x2000, $0x38;
	[tilespmem:$0x1D400] =	vst v63  }
0x83: {  	_ =	swait.ge [sflag:s11], $0x2000  }
0x84: {  	[sflag:s11] =	ssyncset.done $0x0  }
0x85: {  	s22 =	rddreg [dreg:$0x6];
	[sflag:s11] =	ssyncadd.s32 $0xFFFFE000  }
0x86: {  	[hbm4b:s22+s20] =	stream.linear.scatter [tilespmem:s10], [sflag:$0x3], $0x2000, $0x38;
	[tilespmem:$0x1D400] =	vst v63  }
0x87: {  	_ =	swait.ge [sflag:s11], $0x2000  }
0x88: {  	[sflag:s11] =	ssyncset.done $0x0  }
0x89: {  	[sflag:s11] =	ssyncadd.s32 $0xFFFFE000  }
0x8a: {  	[tilespmem:s10], [sflag:$0x3] =	stream.linear.gather [spmem:s30], $0x2000, $0x38;
	[tilespmem:$0x1D400] =	vst v63  }
0x8b: {  	_ =	swait.ge [sflag:s11], $0x2000  }
0x8c: {  	[sflag:s11] =	ssyncset.done $0x0  }
0x8d: {  	s23 =	rddreg [dreg:$0x7];
	[sflag:s11] =	ssyncadd.s32 $0xFFFFE000  }
0x8e: {  	[hbm4b:s23+s20] =	stream.linear.scatter [tilespmem:s10], [sflag:$0x3], $0x2000, $0x38;
	[tilespmem:$0x1D400] =	vst v63  }
0x8f: {  	_ =	swait.ge [sflag:s11], $0x2000  }
0x90: {  	[sflag:s11] =	ssyncset.done $0x0  }
0x91: {  	[sflag:s11] =	ssyncadd.s32 $0xFFFFE000  }
0x92: {  	[tilespmem:s10], [sflag:$0x3] =	stream.linear.gather [spmem:s31], $0x2000, $0x38;
	[tilespmem:$0x1D400] =	vst v63  }
0x93: {  	_ =	swait.ge [sflag:s11], $0x2000  }
0x94: {  	[sflag:s11] =	ssyncset.done $0x0  }
0x95: {  	s25 =	rddreg [dreg:$0x8];
	[sflag:s11] =	ssyncadd.s32 $0xFFFFE000  }
0x96: {  	[hbm4b:s25+s20] =	stream.linear.scatter [tilespmem:s10], [sflag:$0x3], $0x2000, $0x38;
	[tilespmem:$0x1D400] =	vst v63  }
0x97: {  	_ =	swait.ge [sflag:s11], $0x2000  }
0x98: {  	[sflag:s11] =	ssyncset.done $0x0  }
0x99: {  	[sflag:s11] =	ssyncadd.s32 $0xFFFFE000  }
0x9a: {  	[tilespmem:s10], [sflag:$0x3] =	stream.linear.gather [spmem:s19], $0x2000, $0x38;
	[tilespmem:$0x1D400] =	vst v63  }
0x9b: {  	_ =	swait.ge [sflag:s11], $0x2000  }
0x9c: {  	[sflag:s11] =	ssyncset.done $0x0  }
0x9d: {  	s22 =	rddreg [dreg:$0x9];
	[sflag:s11] =	ssyncadd.s32 $0xFFFFE000  }
0x9e: {  	[hbm4b:s22+s20] =	stream.linear.scatter [tilespmem:s10], [sflag:$0x3], $0x2000, $0x38;
	[tilespmem:$0x1D400] =	vst v63  }
0x9f: {  	_ =	swait.ge [sflag:s11], $0x2000  }
0xa0: {  	[sflag:s11] =	ssyncset.done $0x0  }
0xa1: {  	[sflag:s11] =	ssyncadd.s32 $0xFFFFE000  }
0xa2: {  	[tilespmem:s10], [sflag:$0x3] =	stream.linear.gather [spmem:s0], $0x2000, $0x38;
	[tilespmem:$0x1D400] =	vst v63  }
0xa3: {  	_ =	swait.ge [sflag:s11], $0x2000  }
0xa4: {  	[sflag:s11] =	ssyncset.done $0x0  }
0xa5: {  	s23 =	rddreg [dreg:$0xa];
	[sflag:s11] =	ssyncadd.s32 $0xFFFFE000  }
0xa6: {  	[hbm4b:s23+s20] =	stream.linear.scatter [tilespmem:s10], [sflag:$0x3], $0x2000, $0x38;
	[tilespmem:$0x1D400] =	vst v63  }
0xa7: {  	_ =	swait.ge [sflag:s11], $0x2000  }
0xa8: {  	[sflag:s11] =	ssyncset.done $0x0  }
0xa9: {  	[sflag:s11] =	ssyncadd.s32 $0xFFFFE000  }
0xaa: {  	[tilespmem:s10], [sflag:$0x3] =	stream.linear.gather [spmem:s21], $0x2000, $0x38;
	[tilespmem:$0x1D400] =	vst v63  }
0xab: {  	_ =	swait.ge [sflag:s11], $0x2000  }
0xac: {  	[sflag:s11] =	ssyncset.done $0x0  }
0xad: {  	s25 =	rddreg [dreg:$0xb];
	[sflag:s11] =	ssyncadd.s32 $0xFFFFE000  }
0xae: {  	[hbm4b:s25+s20] =	stream.linear.scatter [tilespmem:s10], [sflag:$0x3], $0x2000, $0x38;
	[tilespmem:$0x1D400] =	vst v63  }
0xaf: {  	_ =	swait.ge [sflag:s11], $0x2000  }
0xb0: {  	[sflag:s11] =	ssyncset.done $0x0  }
0xb1: {  	[sflag:s11] =	ssyncadd.s32 $0xFFFFE000  }
0xb2: {  	[tilespmem:s10], [sflag:$0x3] =	stream.linear.gather [spmem:s2], $0x2000, $0x38;
	[tilespmem:$0x1D400] =	vst v63  }
0xb3: {  	_ =	swait.ge [sflag:s11], $0x2000  }
0xb4: {  	[sflag:s11] =	ssyncset.done $0x0  }
0xb5: {  	s22 =	rddreg [dreg:$0xc];
	[sflag:s11] =	ssyncadd.s32 $0xFFFFE000  }
0xb6: {  	[hbm4b:s22+s20] =	stream.linear.scatter [tilespmem:s10], [sflag:$0x3], $0x2000, $0x38;
	[tilespmem:$0x1D400] =	vst v63  }
0xb7: {  	_ =	swait.ge [sflag:s11], $0x2000  }
0xb8: {  	[sflag:s11] =	ssyncset.done $0x0  }
0xb9: {  	[sflag:s11] =	ssyncadd.s32 $0xFFFFE000  }
0xba: {  	[tilespmem:s10], [sflag:$0x3] =	stream.linear.gather [spmem:s3], $0x2000, $0x38;
	[tilespmem:$0x1D400] =	vst v63  }
0xbb: {  	_ =	swait.ge [sflag:s11], $0x2000  }
0xbc: {  	[sflag:s11] =	ssyncset.done $0x0  }
0xbd: {  	s23 =	rddreg [dreg:$0xd];
	[sflag:s11] =	ssyncadd.s32 $0xFFFFE000  }
0xbe: {  	[hbm4b:s23+s20] =	stream.linear.scatter [tilespmem:s10], [sflag:$0x3], $0x2000, $0x38;
	[tilespmem:$0x1D400] =	vst v63  }
0xbf: {  	_ =	swait.ge [sflag:s11], $0x2000  }
0xc0: {  	[sflag:s11] =	ssyncset.done $0x0  }
0xc1: {  	[sflag:s11] =	ssyncadd.s32 $0xFFFFE000  }
0xc2: {  	[tilespmem:s10], [sflag:$0x3] =	stream.linear.gather [spmem:s4], $0x2000, $0x38;
	[tilespmem:$0x1D400] =	vst v63  }
0xc3: {  	_ =	swait.ge [sflag:s11], $0x2000  }
0xc4: {  	[sflag:s11] =	ssyncset.done $0x0  }
0xc5: {  	s25 =	rddreg [dreg:$0xe];
	[sflag:s11] =	ssyncadd.s32 $0xFFFFE000  }
0xc6: {  	[hbm4b:s25+s20] =	stream.linear.scatter [tilespmem:s10], [sflag:$0x3], $0x2000, $0x38;
	[tilespmem:$0x1D400] =	vst v63  }
0xc7: {  	_ =	swait.ge [sflag:s11], $0x2000  }
0xc8: {  	[sflag:s11] =	ssyncset.done $0x0  }
0xc9: {  	[sflag:s11] =	ssyncadd.s32 $0xFFFFE000  }
0xca: {  	[tilespmem:s10], [sflag:$0x3] =	stream.linear.gather [hbm4b:s26+s20], $0x2000, $0x38;
	[tilespmem:$0x1D400] =	vst v63  }
0xcb: {  	_ =	swait.ge [sflag:s11], $0x2000  }
0xcc: {  	[sflag:s11] =	ssyncset.done $0x0  }
0xcd: {  	[sflag:s11] =	ssyncadd.s32 $0xFFFFE000  }
0xce: {  	[spmem:s28] =	stream.linear.scatter [tilespmem:s10], [sflag:$0x3], $0x2000, $0x38;
	[tilespmem:$0x1D400] =	vst v63  }
0xcf: {  	_ =	swait.ge [sflag:s11], $0x2000  }
0xd0: {  	[sflag:s11] =	ssyncset.done $0x0  }
0xd1: {  	[sflag:s11] =	ssyncadd.s32 $0xFFFFE000  }
0xd2: {  	[spmem:s29] =	stream.linear.scatter [tilespmem:s10], [sflag:$0x3], $0x2000, $0x38;
	[tilespmem:$0x1D400] =	vst v63  }
0xd3: {  	_ =	swait.ge [sflag:s11], $0x2000  }
0xd4: {  	[sflag:s11] =	ssyncset.done $0x0  }
0xd5: {  	[sflag:s11] =	ssyncadd.s32 $0xFFFFE000  }
0xd6: {  	[spmem:s30] =	stream.linear.scatter [tilespmem:s10], [sflag:$0x3], $0x2000, $0x38;
	[tilespmem:$0x1D400] =	vst v63  }
0xd7: {  	_ =	swait.ge [sflag:s11], $0x2000  }
0xd8: {  	[sflag:s11] =	ssyncset.done $0x0  }
0xd9: {  	[sflag:s11] =	ssyncadd.s32 $0xFFFFE000  }
0xda: {  	[spmem:s31] =	stream.linear.scatter [tilespmem:s10], [sflag:$0x3], $0x2000, $0x38;
	[tilespmem:$0x1D400] =	vst v63  }
0xdb: {  	_ =	swait.ge [sflag:s11], $0x2000  }
0xdc: {  	[sflag:s11] =	ssyncset.done $0x0  }
0xdd: {  	[sflag:s11] =	ssyncadd.s32 $0xFFFFE000  }
0xde: {  	[spmem:s19] =	stream.linear.scatter [tilespmem:s10], [sflag:$0x3], $0x2000, $0x38;
	[tilespmem:$0x1D400] =	vst v63  }
0xdf: {  	_ =	swait.ge [sflag:s11], $0x2000  }
0xe0: {  	[sflag:s11] =	ssyncset.done $0x0  }
0xe1: {  	[sflag:s11] =	ssyncadd.s32 $0xFFFFE000  }
0xe2: {  	[spmem:s0] =	stream.linear.scatter [tilespmem:s10], [sflag:$0x3], $0x2000, $0x38;
	[tilespmem:$0x1D400] =	vst v63  }
0xe3: {  	_ =	swait.ge [sflag:s11], $0x2000  }
0xe4: {  	[sflag:s11] =	ssyncset.done $0x0  }
0xe5: {  	[sflag:s11] =	ssyncadd.s32 $0xFFFFE000  }
0xe6: {  	[spmem:s21] =	stream.linear.scatter [tilespmem:s10], [sflag:$0x3], $0x2000, $0x38;
	[tilespmem:$0x1D400] =	vst v63  }
0xe7: {  	_ =	swait.ge [sflag:s11], $0x2000  }
0xe8: {  	[sflag:s11] =	ssyncset.done $0x0  }
0xe9: {  	[sflag:s11] =	ssyncadd.s32 $0xFFFFE000  }
0xea: {  	[spmem:s2] =	stream.linear.scatter [tilespmem:s10], [sflag:$0x3], $0x2000, $0x38;
	[tilespmem:$0x1D400] =	vst v63  }
0xeb: {  	_ =	swait.ge [sflag:s11], $0x2000  }
0xec: {  	[sflag:s11] =	ssyncset.done $0x0  }
0xed: {  	[sflag:s11] =	ssyncadd.s32 $0xFFFFE000  }
0xee: {  	[spmem:s3] =	stream.linear.scatter [tilespmem:s10], [sflag:$0x3], $0x2000, $0x38;
	[tilespmem:$0x1D400] =	vst v63  }
0xef: {  	_ =	swait.ge [sflag:s11], $0x2000  }
0xf0: {  	[sflag:s11] =	ssyncset.done $0x0  }
0xf1: {  	[sflag:s11] =	ssyncadd.s32 $0xFFFFE000  }
0xf2: {  	[spmem:s4] =	stream.linear.scatter [tilespmem:s10], [sflag:$0x3], $0x2000, $0x38;
	[tilespmem:$0x1D400] =	vst v63  }
0xf3: {  	_ =	swait.ge [sflag:s11], $0x2000  }
0xf4: {  	[sflag:s11] =	ssyncset.done $0x0  }
0xf5: {  	[sflag:s11] =	ssyncadd.s32 $0xFFFFE000  }
0xf6: {  	[bflag:$0x0] =	sbarrier.arrive $0xFFFF  }
0xf7: {  	[tilespmem:s20], [sflag:$0x3] =	stream.linear.gather [hbm4b:s8+s20], $0x2900, $0x38;
	[tilespmem:$0x1D400] =	vst v63  }
0xf8: {  	_ =	swait.ge [sflag:s11], $0x2900  }
0xf9: {  	[sflag:s11] =	ssyncset.done $0x0  }
0xfa: {  	[sflag:s11] =	ssyncadd.s32 $0xFFFFD700  }
0xfb: {  	[tilespmem:s12], [sflag:$0x3] =	stream.linear.gather [hbm4b:s6+s20], $0x2800, $0x38;
	[tilespmem:$0x1D400] =	vst v63  }
0xfc: {  	_ =	swait.ge [sflag:s11], $0x2800  }
0xfd: {  	[sflag:s11] =	ssyncset.done $0x0  }
0xfe: {  	[sflag:s11] =	ssyncadd.s32 $0xFFFFD800  }
0xff: {  	[tilespmem:s10], [sflag:$0x1] =	stream.indirect.gather [hbm4b:s17+s13], $0x80, s20, s13, $0xb8;
	[tilespmem:$0x1D400] =	vst v63  }
0x100: {  	s5 =	simm.s32 $0x80  }
0x101: {  	[tilespmem:s14], [sflag:$0x2] =	stream.indirect.gather [hbm4b:s17+s13], $0x80, s5, s13, $0xb8;
	[tilespmem:$0x1D400] =	vst v63  }
0x102: {  	_ =	swait.ge [sflag:s15], $0x2000  }
0x103: {  	[sflag:s15] =	ssyncset.done $0x0  }
0x104: {  	s22 =	simm.s32 $0x2C00;
	[sflag:s15] =	ssyncadd.s32 $0xFFFFE000  }
0x105: {  	[spmem:s24] =	stream.indirect.scatter.add.f32 [tilespmem:s10], [sflag:$0x3], $0x80, s22, s13, $0xb8;
	[tilespmem:$0x1D400] =	vst v63  }
0x106: {  	_ =	swait.ge [sflag:s11], $0x2000  }
0x107: {  	[sflag:s11] =	ssyncset.done $0x0  }
0x108: {  	s23 =	simm.s32 $0x100;
	[sflag:s11] =	ssyncadd.s32 $0xFFFFE000  }
0x109: {  	[tilespmem:s10], [sflag:$0x1] =	stream.indirect.gather [hbm4b:s17+s13], $0x80, s23, s13, $0xb8;
	[tilespmem:$0x1D400] =	vst v63  }
0x10a: {  	_ =	swait.ge [sflag:s16], $0x2000  }
0x10b: {  	[sflag:s16] =	ssyncset.done $0x0  }
0x10c: {  	s25 =	simm.s32 $0x2C80;
	[sflag:s16] =	ssyncadd.s32 $0xFFFFE000  }
0x10d: {  	[spmem:s24] =	stream.indirect.scatter.add.f32 [tilespmem:s14], [sflag:$0x3], $0x80, s25, s13, $0xb8;
	[tilespmem:$0x1D400] =	vst v63  }
0x10e: {  	_ =	swait.ge [sflag:s11], $0x2000  }
0x10f: {  	s20 =	simm.s32 $0x100;
	s22 =	simm.s32 $0x800;
	[sflag:s11] =	ssyncset.done $0x0  }
.LBB2_6:
0x110: {  	s23 =	sadd.s32 $0x80, s20  }
0x111: {  	[sflag:s11] =	ssyncadd.s32 $0xFFFFE000;
	s25 =	smov.u32 s22;
	s5 =	sadd.s32 $0x400, s22  }
0x112: {  	[tilespmem:s14], [sflag:$0x2] =	stream.indirect.gather [hbm4b:s17+s13], $0x80, s23, s13, $0xb8;
	[tilespmem:$0x1D400] =	vst v63  }
0x113: {  	p0 =	sne.s32 s22, $0x9C00;
	_ =	swait.ge [sflag:s15], $0x2000  }
0x114: {  	[sflag:s15] =	ssyncset.done $0x0  }
0x115: {  	s22 =	sadd.s32 $0x2C00, s20;
	[sflag:s15] =	ssyncadd.s32 $0xFFFFE000  }
0x116: {  	[spmem:s24] =	stream.indirect.scatter.add.f32 [tilespmem:s10], [sflag:$0x3], $0x80, s22, s13, $0xb8;
	[tilespmem:$0x1D400] =	vst v63  }
0x117: {  	_ =	swait.ge [sflag:s11], $0x2000  }
0x118: {  	[sflag:s11] =	ssyncset.done $0x0  }
0x119: {  	s22 =	sadd.s32 $0x100, s20;
	[sflag:s11] =	ssyncadd.s32 $0xFFFFE000  }
0x11a: {  	[tilespmem:s10], [sflag:$0x1] =	stream.indirect.gather [hbm4b:s17+s13], $0x80, s22, s13, $0xb8;
	[tilespmem:$0x1D400] =	vst v63  }
0x11b: {  	_ =	swait.ge [sflag:s16], $0x2000  }
.Ltmp2:
0x11c: {  	[sflag:s16] =	ssyncset.done $0x0;
	(pc) =	sbr.rel @p0 .LBB2_6-.Ltmp2, $4  }
0x11d: {  	s20 =	sadd.s32 $0x2C80, s20;
	[sflag:s16] =	ssyncadd.s32 $0xFFFFE000  }
0x11e: {  	[spmem:s24] =	stream.indirect.scatter.add.f32 [tilespmem:s14], [sflag:$0x3], $0x80, s20, s13, $0xb8;
	[tilespmem:$0x1D400] =	vst v63  }
0x11f: {  	_ =	swait.ge [sflag:s11], $0x2000  }
0x120: {  	s22 =	smov.u32 s5;
	s20 =	sshra.s32 s25, $0x2;
	[sflag:s11] =	ssyncset.done $0x0  }
0x121: {  	s5 =	sadd.s32 $0x80, s20;
	[sflag:s11] =	ssyncadd.s32 $0xFFFFE000  }
0x122: {  	[tilespmem:s14], [sflag:$0x2] =	stream.indirect.gather [hbm4b:s17+s13], $0x80, s5, s13, $0xb8;
	[tilespmem:$0x1D400] =	vst v63  }
0x123: {  	_ =	swait.ge [sflag:s15], $0x2000  }
0x124: {  	[sflag:s15] =	ssyncset.done $0x0  }
0x125: {  	s25 =	sadd.s32 $0x2C00, s20;
	[sflag:s15] =	ssyncadd.s32 $0xFFFFE000  }
0x126: {  	[spmem:s24] =	stream.indirect.scatter.add.f32 [tilespmem:s10], [sflag:$0x3], $0x80, s25, s13, $0xb8;
	[tilespmem:$0x1D400] =	vst v63  }
0x127: {  	_ =	swait.ge [sflag:s11], $0x2000  }
0x128: {  	[sflag:s11] =	ssyncset.done $0x0  }
0x129: {  	s22 =	sadd.s32 $0x100, s20;
	[sflag:s11] =	ssyncadd.s32 $0xFFFFE000  }
0x12a: {  	[tilespmem:s10], [sflag:$0x1] =	stream.indirect.gather [hbm4b:s17+s13], $0x80, s22, s13, $0xb8;
	[tilespmem:$0x1D400] =	vst v63  }
0x12b: {  	_ =	swait.ge [sflag:s16], $0x2000  }
0x12c: {  	[sflag:s16] =	ssyncset.done $0x0  }
0x12d: {  	s23 =	sadd.s32 $0x2C80, s20;
	[sflag:s16] =	ssyncadd.s32 $0xFFFFE000  }
0x12e: {  	[spmem:s24] =	stream.indirect.scatter.add.f32 [tilespmem:s14], [sflag:$0x3], $0x80, s23, s13, $0xb8;
	[tilespmem:$0x1D400] =	vst v63  }
0x12f: {  	_ =	swait.ge [sflag:s11], $0x2000  }
0x130: {  	[sflag:s11] =	ssyncset.done $0x0  }
0x131: {  	[sflag:s11] =	ssyncadd.s32 $0xFFFFE000  }
0x132: {  	_ =	swait.ge [sflag:s15], $0x2000  }
0x133: {  	[sflag:s15] =	ssyncset.done $0x0  }
0x134: {  	s25 =	simm.s32 $0x0;
	[sflag:s15] =	ssyncadd.s32 $0xFFFFE000  }
0x135: {  	[tilespmem:s25], [sflag:$0x3] =	stream.linear.gather [hbm4b:s9+s25], $0x2900, $0x38;
	[tilespmem:$0x1D400] =	vst v63  }
0x136: {  	_ =	swait.ge [sflag:s11], $0x2900  }
0x137: {  	[sflag:s11] =	ssyncset.done $0x0  }
0x138: {  	[sflag:s11] =	ssyncadd.s32 $0xFFFFD700  }
0x139: {  	[tilespmem:s12], [sflag:$0x3] =	stream.linear.gather [hbm4b:s7+s25], $0x2800, $0x38;
	[tilespmem:$0x1D400] =	vst v63  }
0x13a: {  	_ =	swait.ge [sflag:s11], $0x2800  }
0x13b: {  	[sflag:s11] =	ssyncset.done $0x0  }
0x13c: {  	[sflag:s11] =	ssyncadd.s32 $0xFFFFD800  }
0x13d: {  	[tilespmem:s10], [sflag:$0x1] =	stream.indirect.gather [hbm4b:s17+s13], $0x80, s25, s13, $0xb8;
	[tilespmem:$0x1D400] =	vst v63  }
0x13e: {  	s20 =	simm.s32 $0x80  }
0x13f: {  	[tilespmem:s14], [sflag:$0x2] =	stream.indirect.gather [hbm4b:s17+s13], $0x80, s20, s13, $0xb8;
	[tilespmem:$0x1D400] =	vst v63  }
0x140: {  	_ =	swait.ge [sflag:s15], $0x2000  }
0x141: {  	[sflag:s15] =	ssyncset.done $0x0  }
0x142: {  	s22 =	simm.s32 $0x2C00;
	[sflag:s15] =	ssyncadd.s32 $0xFFFFE000  }
0x143: {  	[spmem:s24] =	stream.indirect.scatter.add.f32 [tilespmem:s10], [sflag:$0x3], $0x80, s22, s13, $0xb8;
	[tilespmem:$0x1D400] =	vst v63  }
0x144: {  	_ =	swait.ge [sflag:s11], $0x2000  }
0x145: {  	[sflag:s11] =	ssyncset.done $0x0  }
0x146: {  	s23 =	simm.s32 $0x100;
	[sflag:s11] =	ssyncadd.s32 $0xFFFFE000  }
0x147: {  	[tilespmem:s10], [sflag:$0x1] =	stream.indirect.gather [hbm4b:s17+s13], $0x80, s23, s13, $0xb8;
	[tilespmem:$0x1D400] =	vst v63  }
0x148: {  	_ =	swait.ge [sflag:s16], $0x2000  }
0x149: {  	[sflag:s16] =	ssyncset.done $0x0  }
0x14a: {  	s25 =	simm.s32 $0x2C80;
	[sflag:s16] =	ssyncadd.s32 $0xFFFFE000  }
0x14b: {  	[spmem:s24] =	stream.indirect.scatter.add.f32 [tilespmem:s14], [sflag:$0x3], $0x80, s25, s13, $0xb8;
	[tilespmem:$0x1D400] =	vst v63  }
0x14c: {  	_ =	swait.ge [sflag:s11], $0x2000  }
0x14d: {  	s20 =	simm.s32 $0x100;
	s22 =	simm.s32 $0x800;
	[sflag:s11] =	ssyncset.done $0x0  }
.LBB2_8:
0x14e: {  	s5 =	sadd.s32 $0x80, s20  }
0x14f: {  	[sflag:s11] =	ssyncadd.s32 $0xFFFFE000;
	s23 =	smov.u32 s22;
	s25 =	sadd.s32 $0x400, s22  }
0x150: {  	[tilespmem:s14], [sflag:$0x2] =	stream.indirect.gather [hbm4b:s17+s13], $0x80, s5, s13, $0xb8;
	[tilespmem:$0x1D400] =	vst v63  }
0x151: {  	p0 =	sne.s32 s22, $0x9C00;
	_ =	swait.ge [sflag:s15], $0x2000  }
0x152: {  	[sflag:s15] =	ssyncset.done $0x0  }
0x153: {  	s5 =	sadd.s32 $0x2C00, s20;
	[sflag:s15] =	ssyncadd.s32 $0xFFFFE000  }
0x154: {  	[spmem:s24] =	stream.indirect.scatter.add.f32 [tilespmem:s10], [sflag:$0x3], $0x80, s5, s13, $0xb8;
	[tilespmem:$0x1D400] =	vst v63  }
0x155: {  	_ =	swait.ge [sflag:s11], $0x2000  }
0x156: {  	[sflag:s11] =	ssyncset.done $0x0  }
0x157: {  	s5 =	sadd.s32 $0x100, s20;
	[sflag:s11] =	ssyncadd.s32 $0xFFFFE000  }
0x158: {  	[tilespmem:s10], [sflag:$0x1] =	stream.indirect.gather [hbm4b:s17+s13], $0x80, s5, s13, $0xb8;
	[tilespmem:$0x1D400] =	vst v63  }
0x159: {  	_ =	swait.ge [sflag:s16], $0x2000  }
.Ltmp3:
0x15a: {  	[sflag:s16] =	ssyncset.done $0x0;
	(pc) =	sbr.rel @p0 .LBB2_8-.Ltmp3, $4  }
0x15b: {  	s5 =	sadd.s32 $0x2C80, s20;
	[sflag:s16] =	ssyncadd.s32 $0xFFFFE000  }
0x15c: {  	[spmem:s24] =	stream.indirect.scatter.add.f32 [tilespmem:s14], [sflag:$0x3], $0x80, s5, s13, $0xb8;
	[tilespmem:$0x1D400] =	vst v63  }
0x15d: {  	_ =	swait.ge [sflag:s11], $0x2000  }
0x15e: {  	s22 =	smov.u32 s25;
	s20 =	sshra.s32 s23, $0x2;
	[sflag:s11] =	ssyncset.done $0x0  }
0x15f: {  	s5 =	sadd.s32 $0x80, s20;
	[sflag:s11] =	ssyncadd.s32 $0xFFFFE000  }
0x160: {  	[tilespmem:s14], [sflag:$0x2] =	stream.indirect.gather [hbm4b:s17+s13], $0x80, s5, s13, $0xb8;
	[tilespmem:$0x1D400] =	vst v63  }
0x161: {  	_ =	swait.ge [sflag:s15], $0x2000  }
0x162: {  	[sflag:s15] =	ssyncset.done $0x0  }
0x163: {  	s23 =	sadd.s32 $0x2C00, s20;
	[sflag:s15] =	ssyncadd.s32 $0xFFFFE000  }
0x164: {  	[spmem:s24] =	stream.indirect.scatter.add.f32 [tilespmem:s10], [sflag:$0x3], $0x80, s23, s13, $0xb8;
	[tilespmem:$0x1D400] =	vst v63  }
0x165: {  	_ =	swait.ge [sflag:s11], $0x2000  }
0x166: {  	[sflag:s11] =	ssyncset.done $0x0  }
0x167: {  	s25 =	sadd.s32 $0x100, s20;
	[sflag:s11] =	ssyncadd.s32 $0xFFFFE000  }
0x168: {  	[tilespmem:s10], [sflag:$0x1] =	stream.indirect.gather [hbm4b:s17+s13], $0x80, s25, s13, $0xb8;
	[tilespmem:$0x1D400] =	vst v63  }
0x169: {  	_ =	swait.ge [sflag:s16], $0x2000  }
0x16a: {  	[sflag:s16] =	ssyncset.done $0x0  }
0x16b: {  	s20 =	sadd.s32 $0x2C80, s20;
	[sflag:s16] =	ssyncadd.s32 $0xFFFFE000  }
0x16c: {  	[spmem:s24] =	stream.indirect.scatter.add.f32 [tilespmem:s14], [sflag:$0x3], $0x80, s20, s13, $0xb8;
	[tilespmem:$0x1D400] =	vst v63  }
0x16d: {  	_ =	swait.ge [sflag:s11], $0x2000  }
0x16e: {  	[sflag:s11] =	ssyncset.done $0x0  }
0x16f: {  	[sflag:s11] =	ssyncadd.s32 $0xFFFFE000  }
0x170: {  	_ =	swait.ge [sflag:s15], $0x2000  }
0x171: {  	[sflag:s15] =	ssyncset.done $0x0  }
0x172: {  	[sflag:s15] =	ssyncadd.s32 $0xFFFFE000  }
0x173: {  	[bflag:$0x0] =	sbarrier.arrive $0xFFFF  }
0x174: {  	[tilespmem:s10], [sflag:$0x3] =	stream.linear.gather [spmem:s28], $0x2000, $0x38;
	[tilespmem:$0x1D400] =	vst v63  }
0x175: {  	_ =	swait.ge [sflag:s11], $0x2000  }
0x176: {  	[sflag:s11] =	ssyncset.done $0x0  }
0x177: {  	s22 =	rddreg [dreg:$0xf];
	[sflag:s11] =	ssyncadd.s32 $0xFFFFE000  }
0x178: {  	[hbm4b:s22+s1] =	stream.linear.scatter [tilespmem:s10], [sflag:$0x3], $0x2000, $0x38;
	[tilespmem:$0x1D400] =	vst v63  }
0x179: {  	_ =	swait.ge [sflag:s11], $0x2000  }
0x17a: {  	[sflag:s11] =	ssyncset.done $0x0  }
0x17b: {  	[sflag:s11] =	ssyncadd.s32 $0xFFFFE000  }
0x17c: {  	[tilespmem:s10], [sflag:$0x3] =	stream.linear.gather [spmem:s29], $0x2000, $0x38;
	[tilespmem:$0x1D400] =	vst v63  }
0x17d: {  	_ =	swait.ge [sflag:s11], $0x2000  }
0x17e: {  	[sflag:s11] =	ssyncset.done $0x0  }
0x17f: {  	s23 =	rddreg [dreg:$0x10];
	[sflag:s11] =	ssyncadd.s32 $0xFFFFE000  }
0x180: {  	[hbm4b:s23+s1] =	stream.linear.scatter [tilespmem:s10], [sflag:$0x3], $0x2000, $0x38;
	[tilespmem:$0x1D400] =	vst v63  }
0x181: {  	_ =	swait.ge [sflag:s11], $0x2000  }
0x182: {  	[sflag:s11] =	ssyncset.done $0x0  }
0x183: {  	[sflag:s11] =	ssyncadd.s32 $0xFFFFE000  }
0x184: {  	[tilespmem:s10], [sflag:$0x3] =	stream.linear.gather [spmem:s30], $0x2000, $0x38;
	[tilespmem:$0x1D400] =	vst v63  }
0x185: {  	_ =	swait.ge [sflag:s11], $0x2000  }
0x186: {  	[sflag:s11] =	ssyncset.done $0x0  }
0x187: {  	s25 =	rddreg [dreg:$0x11];
	[sflag:s11] =	ssyncadd.s32 $0xFFFFE000  }
0x188: {  	[hbm4b:s25+s1] =	stream.linear.scatter [tilespmem:s10], [sflag:$0x3], $0x2000, $0x38;
	[tilespmem:$0x1D400] =	vst v63  }
0x189: {  	_ =	swait.ge [sflag:s11], $0x2000  }
0x18a: {  	[sflag:s11] =	ssyncset.done $0x0  }
0x18b: {  	[sflag:s11] =	ssyncadd.s32 $0xFFFFE000  }
0x18c: {  	[tilespmem:s10], [sflag:$0x3] =	stream.linear.gather [spmem:s31], $0x2000, $0x38;
	[tilespmem:$0x1D400] =	vst v63  }
0x18d: {  	_ =	swait.ge [sflag:s11], $0x2000  }
0x18e: {  	[sflag:s11] =	ssyncset.done $0x0  }
0x18f: {  	s20 =	rddreg [dreg:$0x12];
	[sflag:s11] =	ssyncadd.s32 $0xFFFFE000  }
0x190: {  	[hbm4b:s20+s1] =	stream.linear.scatter [tilespmem:s10], [sflag:$0x3], $0x2000, $0x38;
	[tilespmem:$0x1D400] =	vst v63  }
0x191: {  	_ =	swait.ge [sflag:s11], $0x2000  }
0x192: {  	[sflag:s11] =	ssyncset.done $0x0  }
0x193: {  	[sflag:s11] =	ssyncadd.s32 $0xFFFFE000  }
0x194: {  	[tilespmem:s10], [sflag:$0x3] =	stream.linear.gather [spmem:s19], $0x2000, $0x38;
	[tilespmem:$0x1D400] =	vst v63  }
0x195: {  	_ =	swait.ge [sflag:s11], $0x2000  }
0x196: {  	[sflag:s11] =	ssyncset.done $0x0  }
0x197: {  	s22 =	rddreg [dreg:$0x13];
	[sflag:s11] =	ssyncadd.s32 $0xFFFFE000  }
0x198: {  	[hbm4b:s22+s1] =	stream.linear.scatter [tilespmem:s10], [sflag:$0x3], $0x2000, $0x38;
	[tilespmem:$0x1D400] =	vst v63  }
0x199: {  	_ =	swait.ge [sflag:s11], $0x2000  }
0x19a: {  	[sflag:s11] =	ssyncset.done $0x0  }
0x19b: {  	[sflag:s11] =	ssyncadd.s32 $0xFFFFE000  }
0x19c: {  	[tilespmem:s10], [sflag:$0x3] =	stream.linear.gather [spmem:s0], $0x2000, $0x38;
	[tilespmem:$0x1D400] =	vst v63  }
0x19d: {  	_ =	swait.ge [sflag:s11], $0x2000  }
0x19e: {  	[sflag:s11] =	ssyncset.done $0x0  }
0x19f: {  	s23 =	rddreg [dreg:$0x14];
	[sflag:s11] =	ssyncadd.s32 $0xFFFFE000  }
0x1a0: {  	[hbm4b:s23+s1] =	stream.linear.scatter [tilespmem:s10], [sflag:$0x3], $0x2000, $0x38;
	[tilespmem:$0x1D400] =	vst v63  }
0x1a1: {  	_ =	swait.ge [sflag:s11], $0x2000  }
0x1a2: {  	[sflag:s11] =	ssyncset.done $0x0  }
0x1a3: {  	[sflag:s11] =	ssyncadd.s32 $0xFFFFE000  }
0x1a4: {  	[tilespmem:s10], [sflag:$0x3] =	stream.linear.gather [spmem:s21], $0x2000, $0x38;
	[tilespmem:$0x1D400] =	vst v63  }
0x1a5: {  	_ =	swait.ge [sflag:s11], $0x2000  }
0x1a6: {  	[sflag:s11] =	ssyncset.done $0x0  }
0x1a7: {  	s25 =	rddreg [dreg:$0x15];
	[sflag:s11] =	ssyncadd.s32 $0xFFFFE000  }
0x1a8: {  	[hbm4b:s25+s1] =	stream.linear.scatter [tilespmem:s10], [sflag:$0x3], $0x2000, $0x38;
	[tilespmem:$0x1D400] =	vst v63  }
0x1a9: {  	_ =	swait.ge [sflag:s11], $0x2000  }
0x1aa: {  	[sflag:s11] =	ssyncset.done $0x0  }
0x1ab: {  	[sflag:s11] =	ssyncadd.s32 $0xFFFFE000  }
0x1ac: {  	[tilespmem:s10], [sflag:$0x3] =	stream.linear.gather [spmem:s2], $0x2000, $0x38;
	[tilespmem:$0x1D400] =	vst v63  }
0x1ad: {  	_ =	swait.ge [sflag:s11], $0x2000  }
0x1ae: {  	[sflag:s11] =	ssyncset.done $0x0  }
0x1af: {  	s20 =	rddreg [dreg:$0x16];
	[sflag:s11] =	ssyncadd.s32 $0xFFFFE000  }
0x1b0: {  	[hbm4b:s20+s1] =	stream.linear.scatter [tilespmem:s10], [sflag:$0x3], $0x2000, $0x38;
	[tilespmem:$0x1D400] =	vst v63  }
0x1b1: {  	_ =	swait.ge [sflag:s11], $0x2000  }
0x1b2: {  	[sflag:s11] =	ssyncset.done $0x0  }
0x1b3: {  	[sflag:s11] =	ssyncadd.s32 $0xFFFFE000  }
0x1b4: {  	[tilespmem:s10], [sflag:$0x3] =	stream.linear.gather [spmem:s3], $0x2000, $0x38;
	[tilespmem:$0x1D400] =	vst v63  }
0x1b5: {  	_ =	swait.ge [sflag:s11], $0x2000  }
0x1b6: {  	[sflag:s11] =	ssyncset.done $0x0  }
0x1b7: {  	s22 =	rddreg [dreg:$0x17];
	[sflag:s11] =	ssyncadd.s32 $0xFFFFE000  }
0x1b8: {  	[hbm4b:s22+s1] =	stream.linear.scatter [tilespmem:s10], [sflag:$0x3], $0x2000, $0x38;
	[tilespmem:$0x1D400] =	vst v63  }
0x1b9: {  	_ =	swait.ge [sflag:s11], $0x2000  }
0x1ba: {  	[sflag:s11] =	ssyncset.done $0x0  }
0x1bb: {  	[sflag:s11] =	ssyncadd.s32 $0xFFFFE000  }
0x1bc: {  	[tilespmem:s10], [sflag:$0x3] =	stream.linear.gather [spmem:s4], $0x2000, $0x38;
	[tilespmem:$0x1D400] =	vst v63  }
0x1bd: {  	_ =	swait.ge [sflag:s11], $0x2000  }
0x1be: {  	[sflag:s11] =	ssyncset.done $0x0  }
0x1bf: {  	s23 =	rddreg [dreg:$0x18];
	[sflag:s11] =	ssyncadd.s32 $0xFFFFE000  }
0x1c0: {  	[hbm4b:s23+s1] =	stream.linear.scatter [tilespmem:s10], [sflag:$0x3], $0x2000, $0x38;
	[tilespmem:$0x1D400] =	vst v63  }
0x1c1: {  	_ =	swait.ge [sflag:s11], $0x2000  }
0x1c2: {  	s18 =	sadd.s32 $0x1, s18;
	s25 =	rddreg [dreg:$0x19]  }
0x1c3: {  	p0 =	sne.s32 s18, s25  }
.Ltmp4:
0x1c4: {  	_ = 	snop;
	(pc) =	sbr.rel @p0 .LBB2_1-.Ltmp4, $3  }
0x1c5: {  	_ =	sdelay $0x1  }
0x1c6: {  	[sflag:s11] =	ssyncset.done $0x0  }
0x1c7: {  	[sflag:s11] =	ssyncadd.s32 $0xFFFFE000  }
0x1c8: {  	_ =	sfence.sel $0x180000  }
0x1c9: {  	[bflag:$0x0] =	sbarrier.arrive $0xFFFF  }
0x1ca: {  	_ =	strace $0x90000047  }
0x1cb: {  	s0 =	stileid.u32;
	[bflag:$0x2] =	sbarrier.arrive $0xFFFF  }
0x1cc: {  	p0 =	sne.s32 s0, $0x0;
	s0 =	rddreg [dreg:$0x4]  }
0x1cd: {  	s0 =	sadd.s32 @!p0 $0x100000, s0  }
0x1ce: {  	[sflag:s0] =	ssyncadd.tile.s32 @!p0 $0x1;
	_ =	shalt  }
.Lfunc_end2:
_tile_overlayer_lowered:
.L_overlay_start_2:
0x1cf: {  	(tag) =	ssettag $0x2  }
0x1d0: {  	s0 =	rddreg [dreg:$0x0];
	s2 =	stileid.u32  }
0x1d1: {  	s1 =	rddreg [dreg:$0x1];
	p0 =	sne.s32 s2, $0x0  }
0x1d2: {  	s3 =	rddreg [dreg:$0x2];
	[bflag:$0x3] =	sbarrier.arrive $0xFFFF;
	s2 =	simm.s32 @!p0 $0x1C03  }
0x1d3: {  	[timem:s3], [sflag:s2] =	dma.local @!p0 [hbm:s0], s1  }
0x1d4: {  	s0 =	simm.s32 @!p0 $0x3  }
0x1d5: {  	_ =	swait.ge @!p0 [sflag:s0], s1  }
0x1d6: {  	s1 =	ssub.s32 @!p0 $0x0, s1;
	[sflag:s0] =	ssyncset.done @!p0 $0x0  }
0x1d7: {  	[sflag:s0] =	ssyncadd.s32 @!p0 s1  }
0x1d8: {  	[bflag:$0x3] =	sbarrier.arrive $0xFFFF  }
0x1d9: {  	_ =	shalt  }

// kernel: kernel.9.cloned.1.call-start
scs
__scs_entry_jumppad:
0x0: {  	(pc) =	sbr.rel $0x88, $3  }
0x1: {  	(tag) =	ssettag $0x0;
	lr =	simm.s32 $0x1  }
0x2: {  	[smem:$0x3F99] =	sst lr;
	_ =	strace $0xD0000000  }
0x3: {  	_ = 	snop  }
0x4: {  	_ = 	snop  }
0x5: {  	_ = 	snop  }
0x6: {  	_ = 	snop  }
0x7: {  	_ = 	snop  }
__scs_overlays_trampoline_lowered:
0x8: {  	[smem:$0x3FA8] =	sst s0  }
0x9: {  	[smem:$0x3FA9] =	sst s1  }
0xa: {  	[smem:$0x3FAA] =	sst s2  }
0xb: {  	[smem:$0x3FAB] =	sst s3  }
0xc: {  	[smem:$0x3FAC] =	sst s4  }
0xd: {  	[smem:$0x3FAD] =	sst s5  }
0xe: {  	[smem:$0x3FAE] =	sst s6  }
0xf: {  	[smem:$0x3FAF] =	sst s7  }
0x10: {  	[smem:$0x3FB0] =	sst s8  }
0x11: {  	[smem:$0x3FB1] =	sst s9;
	s0 =	simm.s32 @!p0 $0x0  }
0x12: {  	s1 =	sld [smem:$0x3F97];
	s0 =	simm.s32 @p0 $0x1  }
0x13: {  	[smem:$0x3FB2] =	sst s0;
	s0 =	simm.s32 @!p1 $0x0  }
0x14: {  	s2 =	sld [smem:$0x3F96];
	s0 =	simm.s32 @p1 $0x1  }
0x15: {  	[smem:$0x3FB3] =	sst s0;
	s0 =	simm.s32 @!p2 $0x0  }
0x16: {  	s3 =	sld [smem:$0x3FDB];
	s0 =	simm.s32 @p2 $0x1  }
0x17: {  	s4 =	simm.s32 $0x1BF5;
	[smem:$0x3FB5] =	sst s0  }
0x18: {  	s0 =	sld [smem:$0x3F98];
	_ =	swait.ge [sflag:s4], $0x0  }
0x19: {  	s7 =	sld [smem:$0x3F99]  }
0x1a: {  	s8 =	sadd.s32 $0xFFFFE003, lr  }
0x1b: {  	s9 =	sadd.s32 $0xFFFFFEF7, lr;
	s5 =	simm.s32 $0xFFFFFFFF;
	p2 =	slt.u32 s8, $0xFFFFF086  }
0x1c: {  	p1 =	slt.u32 s9, $0xF7A;
	s5 =	simm.s32 @!p2 $0x0  }
0x1d: {  	s5 =	simm.s32 @p1 $0x1;
	p0 =	seq.s32 s7, s2  }
0x1e: {  	s7 =	smul.u32 @!p0 $0xF7A, s2;
	p2 =	seq.s32 @!p0 s5, $0x0  }
0x1f: {  	s9 =	smul.u32 $0xF7A, s1;
	s8 =	simm.s32 @!p0 $0x1BF5;
	p2 =	por !p2, p0  }
0x20: {  	[sflag:s8] =	ssyncset.s32 @!p0 $0xFFFFF086;
	s6 =	sadd.s32 @!p0 s3, s7;
	s7 =	simm.s32 @!p0 $0x108  }
0x21: {  	s3 =	sadd.s32 s3, s9;
	s6 =	sadd.s32 @!p0 $0x88, s6;
	s7 =	simm.s32 @p2 $0x1082  }
0x22: {  	[simem:s7], [sflag:s8] =	dma.local @!p0 [hbm:s6], $0xF7A  }
0x23: {  	s9 =	sor.u32 $0xD0000000, s2;
	s6 =	simm.s32 $0x108;
	_ =	swait.ge @!p0 [sflag:s8], $0x0  }
0x24: {  	s3 =	sadd.s32 $0x88, s3;
	s6 =	simm.s32 @!p1 $0x1082;
	[sflag:s4] =	ssyncset.s32 $0xFFFFF086  }
0x25: {  	[simem:s6], [sflag:s4] =	dma.local [hbm:s3], $0xF7A  }
0x26: {  	[smem:$0x3F99] =	sst s1;
	(tag) =	ssettag s2;
	_ =	strace s9  }
0x27: {  	s1 =	sld [smem:$0x3FA9]  }
0x28: {  	s2 =	sld [smem:$0x3FAA]  }
0x29: {  	s4 =	sld [smem:$0x3FAC]  }
0x2a: {  	p0 =	seq.s32 s5, $0x0;
	s5 =	sld [smem:$0x3FAD]  }
0x2b: {  	s6 =	sld [smem:$0x3FAE]  }
0x2c: {  	s7 =	sld [smem:$0x3FAF]  }
0x2d: {  	s3 =	simm.s32 $0x108;
	s8 =	sld [smem:$0x3FB0]  }
0x2e: {  	s3 =	simm.s32 @!p0 $0x1082;
	s9 =	sld [smem:$0x3FB1]  }
0x2f: {  	lr =	sadd.s32 s0, s3;
	s0 =	sld [smem:$0x3FA8]  }
0x30: {  	s3 =	sld [smem:$0x3FAB]  }
0x31: {  	[smem:$0x3FB4] =	sst s10  }
0x32: {  	s10 =	sld [smem:$0x3FB2];
	_ =	sdelay $0x3  }
0x33: {  	p0 =	seq.s32 s10, $0x1;
	s10 =	sld [smem:$0x3FB4];
	_ =	sdelay $0x3  }
0x34: {  	[smem:$0x3FB4] =	sst s10  }
0x35: {  	s10 =	sld [smem:$0x3FB3];
	_ =	sdelay $0x3  }
0x36: {  	p1 =	seq.s32 s10, $0x1;
	s10 =	sld [smem:$0x3FB4];
	_ =	sdelay $0x3  }
0x37: {  	[smem:$0x3FB4] =	sst s10  }
0x38: {  	s10 =	sld [smem:$0x3FB5]  }
0x39: {  	_ = 	snop;
	(pc) =	sbr.ind lr, $3  }
0x3a: {  	_ = 	snop  }
0x3b: {  	_ = 	snop  }
0x3c: {  	p2 =	seq.s32 s10, $0x1;
	s10 =	sld [smem:$0x3FB4]  }
0x3d: {  	_ =	shalt  }
0x3e: {  	_ =	shalt  }
0x3f: {  	_ =	shalt  }
0x40: {  	_ =	shalt  }
0x41: {  	_ =	shalt  }
0x42: {  	_ =	shalt  }
0x43: {  	_ =	shalt  }
0x44: {  	_ =	shalt  }
0x45: {  	_ =	shalt  }
0x46: {  	_ =	shalt  }
0x47: {  	_ =	shalt  }
0x48: {  	_ =	shalt  }
0x49: {  	_ =	shalt  }
0x4a: {  	_ =	shalt  }
0x4b: {  	_ =	shalt  }
0x4c: {  	_ =	shalt  }
0x4d: {  	_ =	shalt  }
0x4e: {  	_ =	shalt  }
0x4f: {  	_ =	shalt  }
0x50: {  	_ =	shalt  }
0x51: {  	_ =	shalt  }
0x52: {  	_ =	shalt  }
0x53: {  	_ =	shalt  }
0x54: {  	_ =	shalt  }
0x55: {  	_ =	shalt  }
0x56: {  	_ =	shalt  }
0x57: {  	_ =	shalt  }
0x58: {  	_ =	shalt  }
0x59: {  	_ =	shalt  }
0x5a: {  	_ =	shalt  }
0x5b: {  	_ =	shalt  }
0x5c: {  	_ =	shalt  }
0x5d: {  	_ =	shalt  }
0x5e: {  	_ =	shalt  }
0x5f: {  	_ =	shalt  }
0x60: {  	_ =	shalt  }
0x61: {  	_ =	shalt  }
0x62: {  	_ =	shalt  }
0x63: {  	_ =	shalt  }
0x64: {  	_ =	shalt  }
0x65: {  	_ =	shalt  }
0x66: {  	_ =	shalt  }
0x67: {  	_ =	shalt  }
0x68: {  	_ =	shalt  }
0x69: {  	_ =	shalt  }
0x6a: {  	_ =	shalt  }
0x6b: {  	_ =	shalt  }
0x6c: {  	_ =	shalt  }
0x6d: {  	_ =	shalt  }
0x6e: {  	_ =	shalt  }
0x6f: {  	_ =	shalt  }
0x70: {  	_ =	shalt  }
0x71: {  	_ =	shalt  }
0x72: {  	_ =	shalt  }
0x73: {  	_ =	shalt  }
0x74: {  	_ =	shalt  }
0x75: {  	_ =	shalt  }
0x76: {  	_ =	shalt  }
0x77: {  	_ =	shalt  }
0x78: {  	_ =	shalt  }
0x79: {  	_ =	shalt  }
0x7a: {  	_ =	shalt  }
0x7b: {  	_ =	shalt  }
0x7c: {  	_ =	shalt  }
0x7d: {  	_ =	shalt  }
0x7e: {  	_ =	shalt  }
0x7f: {  	_ =	shalt  }
0x80: {  	_ =	shalt  }
0x81: {  	_ =	shalt  }
0x82: {  	_ =	shalt  }
0x83: {  	_ =	shalt  }
0x84: {  	_ =	shalt  }
0x85: {  	_ =	shalt  }
0x86: {  	_ =	shalt  }
0x87: {  	_ =	shalt  }
.Lfunc_end0:
.L_simem_size_0:
called_computation.1_lowered:
.L_overlay_start_0:
0x88: {  	s2 =	sld [smem:$0x3FD9]  }
0x89: {  	s3 =	sld [smem:$0x3FFE];
	_ =	sdelay $0x1  }
0x8a: {  	s1 =	srdreg.scid  }
0x8b: {  	s0 =	sand.u32 $0x1, s1  }
0x8c: {  	s17 =	sshll.u32 s0, $0xA;
	s2 =	sadd.s32 s3, s2  }
0x8d: {  	s2 =	sadd.s32 s2, s17  }
0x8e: {  	[smem:$0x3FC0] =	sst s2  }
0x8f: {  	_ = 	snop  }
0x90: {  	s2 =	sld [smem:$0x3FD0];
	(tm) =	ssettm $0x1  }
0x91: {  	s18 =	sld [smem:$0x3FFB];
	_ =	sdelay $0x3  }
0x92: {  	_ =	strace s18  }
0x93: {  	s3 =	sld [smem:$0x3FFC];
	_ =	sdelay $0x3  }
0x94: {  	_ =	strace s3  }
0x95: {  	s3 =	sld [smem:$0x3FFD];
	_ =	sdelay $0x3  }
0x96: {  	_ =	strace s3  }
0x97: {  	_ =	strace $0x8FFFFFFF  }
0x98: {  	s19 =	sld [smem:$0x3FDB];
	_ =	sdelay $0x1  }
0x99: {  	s4 =	simm.s32 $_scs_section_size  }
0x9a: {  	s5 =	simm.s32 $_size__tile_overlayer_lowered;
	s6 =	simm.s32 $_tile_overlayer_lowered  }
0x9b: {  	s22 =	simm.s32 $0x1BFF;
	s21 =	sshll.u32 s6, $0x1;
	s3 =	sadd.s32 s4, s19  }
0x9c: {  	s7 =	simm.s32 $0x0;
	s20 =	sshll.u32 s5, $0x1;
	s5 =	sadd.s32 s21, s3  }
0x9d: {  	[timem:s7], [sflag:s22] =	dma.local [hbm:s5], s20  }
0x9e: {  	_ =	swait.ge [sflag:s22], s20  }
0x9f: {  	s4 =	ssub.s32 $0x0, s20;
	[sflag:s22] =	ssyncset.done $0x0  }
0xa0: {  	[sflag:s22] =	ssyncadd.s32 s4;
	_ =	sdelay $0x1  }
0xa1: {  	s23 =	simm.s32 $0x1B8B  }
0xa2: {  	_ =	swait.ge [sflag:s23], $0x1  }
0xa3: {  	[sflag:s23] =	ssyncset.done $0x0  }
0xa4: {  	s25 =	simm.s32 $0x1B8E;
	s24 =	sld [smem:$0x3FFE];
	[sflag:s23] =	ssyncadd.s32 $0xFFFFFFFF  }
0xa5: {  	s26 =	simm.s32 $execute0_lowered;
	[smem:$0x3FD2] =	sst s25  }
0xa6: {  	s5 =	sshll.u32 s26, $0x1;
	_ =	strace $0x80000049;
	[dreg:$0x1] =	wrdreg $0xFFFFFFFF  }
0xa7: {  	s28 =	simm.s32 $_size_execute0_lowered;
	s3 =	sadd.s32 s3, s5;
	[dreg:$0x0] =	wrdreg $0x0  }
0xa8: {  	s5 =	sshll.u32 s28, $0x1;
	[dreg:$0x2] =	wrdreg s3  }
0xa9: {  	[dreg:$0x3] =	wrdreg s5  }
0xaa: {  	[dreg:$0x4] =	wrdreg $0xC0  }
0xab: {  	_ =	task [dreg:s7], $0x5FFFF  }
0xac: {  	[dreg:$0x1] =	wrdreg $0xFFFFFFFF  }
0xad: {  	[dreg:$0x0] =	wrdreg $0x60  }
0xae: {  	[dreg:$0x2] =	wrdreg s2  }
0xaf: {  	[dreg:$0x3] =	wrdreg s24  }
0xb0: {  	[dreg:$0x4] =	wrdreg $0x94000  }
0xb1: {  	[dreg:$0x5] =	wrdreg $0x9  }
0xb2: {  	_ =	task.clear_ibuf [dreg:s7], $0x6FFFF;
	_ =	strace $0x90000049  }
0xb3: {  	s29 =	simm.s32 $0x9;
	_ =	strace $0x8000004B  }
0xb4: {  	_ =	swait.ge [sflag:s29], $0x1  }
0xb5: {  	[sflag:s29] =	ssyncadd.s32 $0xFFFFFFFF  }
0xb6: {  	_ =	strace $0x9000004B  }
0xb7: {  	_ =	sfence  }
0xb8: {  	s30 =	sld [smem:$0x0];
	_ =	sdelay $0x2  }
0xb9: {  	s31 =	sshll.u32 s1, $0xD;
	s1 =	sshrl.u32 s1, $0x2  }
0xba: {  	s3 =	sand.u32 $0x4000, s31;
	s1 =	sadd.s32 s1, s30  }
0xbb: {  	s0 =	sor.u32 s3, s0;
	s1 =	sshll.u32 s1, $0x11  }
0xbc: {  	s0 =	sor.u32 s1, s0  }
0xbd: {  	s0 =	sadd.s32 $0x8F2B, s0  }
0xbe: {  	[sflag:s0] =	ssyncadd.remote.s32 $0x1  }
0xbf: {  	_ =	sfence.sel $0xFFFF  }
0xc0: {  	[dreg:$0x0] =	wrdreg $0xFFFFFFFF;
	(pc) =	sbr.abs _section_cstart, $3  }
0xc1: {  	[dreg:$0x1] =	wrdreg $0xFFFFFFFF  }
0xc2: {  	_ =	task.clear_ibuf [dreg:s7], $0x2FFFF;
	_ =	strace $0x9FFFFFFF  }
0xc3: {  	(tm) =	ssettm $0x7FFFFFFF  }
tec
execute0_lowered:
.L_overlay_start_1:
0x0: {  	(tag) =	ssettag $0x1  }
0x1: {  	s14 =	stileid.u32  }
0x2: {  	s3 =	smul.u32 $0x5800, s14  }
0x3: {  	s0 =	srdreg.scid;
	s6 =	smul.u32 $0x5000, s14  }
0x4: {  	s0 =	sand.u32 $0x1, s0;
	s7 =	smul.u32 $0x14000, s14  }
0x5: {  	s4 =	rddreg [dreg:$0x1];
	s2 =	smul.u32 $0x58000, s0  }
0x6: {  	s1 =	simm.s32 $0x0;
	s5 =	smul.u32 $0x50000, s0;
	s15 =	ssub.s32 $0x2, s0  }
0x7: {  	[smem:$0x7FF] =	sst s1;
	s0 =	smul.u32 $0x140000, s0;
	s8 =	sshrl.u32 s15, $0x1  }
0x8: {  	s9 =	sadd.s32 $0x4000, s7;
	s10 =	sadd.s32 $0x6000, s7;
	s20 =	sadd.s32 $0x8000, s7  }
0x9: {  	s21 =	sadd.s32 $0xA000, s7;
	s22 =	sadd.s32 $0xC000, s7;
	s23 =	sadd.s32 $0xE000, s7  }
0xa: {  	s24 =	sadd.s32 $0x10000, s7;
	s2 =	sadd.s32 s3, s2;
	s5 =	sadd.s32 s6, s5  }
0xb: {  	s6 =	sadd.s32 $0x2C600, s4;
	s3 =	ssub.s32 s15, s8;
	s8 =	sor.u32 $0x2000, s7  }
0xc: {  	s11 =	sadd.s32 s7, s0;
	s7 =	sadd.s32 $0x12000, s7;
	s17 =	sadd.s32 s0, s9  }
0xd: {  	s18 =	sadd.s32 s0, s10;
	s13 =	sadd.s32 s0, s20;
	s15 =	sadd.s32 s0, s23  }
0xe: {  	s12 =	sadd.s32 s0, s8;
	s11 =	sshrl.u32 s11, $0x3;
	s19 =	sshrl.u32 s18, $0x3  }
0xf: {  	s25 =	sshrl.u32 s13, $0x3;
	s13 =	sadd.s32 s0, s22;
	s2 =	sshrl.u32 s2, $0x3  }
0x10: {  	s5 =	sshrl.u32 s5, $0x3;
	s12 =	sshrl.u32 s12, $0x3;
	s11 =	sadd.s32 s6, s11  }
0x11: {  	s26 =	sadd.s32 s6, s25;
	s2 =	sadd.s32 s2, s4;
	s5 =	sadd.s32 s5, s4  }
0x12: {  	s4 =	sadd.s32 $0x2C200, s4;
	[dreg:$0x4] =	wrdreg s11;
	s16 =	sadd.s32 s6, s12  }
0x13: {  	s11 =	sshrl.u32 s17, $0x3;
	[dreg:$0x8] =	wrdreg s26;
	s12 =	sadd.s32 s0, s21  }
0x14: {  	s17 =	sshrl.u32 s15, $0x3;
	s26 =	smul.u32 $0x50000, s14;
	s28 =	sadd.s32 $0x16200, s2  }
0x15: {  	s29 =	sadd.s32 $0x16780, s2;
	s30 =	sadd.s32 $0x2200, s5;
	s31 =	sadd.s32 $0x2700, s5  }
0x16: {  	s2 =	simm.s32 $0x2C00;
	s5 =	simm.s32 $0x1;
	[dreg:$0x5] =	wrdreg s16  }
0x17: {  	s11 =	sadd.s32 s6, s11;
	s16 =	sshrl.u32 s13, $0x3;
	s13 =	rddreg [dreg:$0x2]  }
0x18: {  	s18 =	sadd.s32 s6, s17;
	[dreg:$0x6] =	wrdreg s11;
	s11 =	sadd.s32 s6, s19  }
0x19: {  	[dreg:$0xb] =	wrdreg s18;
	s19 =	sadd.s32 s0, s24;
	s0 =	sadd.s32 s0, s7  }
0x1a: {  	s17 =	sadd.s32 s8, s13;
	s18 =	sadd.s32 s9, s13;
	s20 =	sadd.s32 s20, s13  }
0x1b: {  	s21 =	sadd.s32 s21, s13;
	s22 =	sadd.s32 s22, s13;
	s23 =	sadd.s32 s23, s13  }
0x1c: {  	s24 =	sadd.s32 s24, s13;
	[dreg:$0x7] =	wrdreg s11;
	s11 =	sshrl.u32 s12, $0x3  }
0x1d: {  	s25 =	sshrl.u32 s19, $0x3;
	s0 =	sshrl.u32 s0, $0x3;
	s19 =	sadd.s32 s10, s13  }
0x1e: {  	s10 =	simm.s32 $0x5400;
	s11 =	sadd.s32 s6, s11;
	s12 =	sadd.s32 s6, s25  }
0x1f: {  	s0 =	sadd.s32 s6, s0;
	s25 =	sadd.s32 s7, s13;
	[dreg:$0x9] =	wrdreg s11  }
0x20: {  	s7 =	simm.s32 $0x0;
	s11 =	sadd.s32 s6, s16;
	[dreg:$0xc] =	wrdreg s12  }
0x21: {  	[dreg:$0xd] =	wrdreg s0;
	s0 =	sshrl.u32 s26, $0x2;
	s26 =	smax.u32 s3, $0x1  }
0x22: {  	s3 =	simm.s32 $0x40;
	s6 =	simm.s32 $0x2;
	[dreg:$0xa] =	wrdreg s11  }
0x23: {  	s11 =	rddreg [dreg:$0x0];
	s16 =	sadd.s32 s0, s13;
	s0 =	simm.s32 $0x3  }
0x24: {  	_ =	strace $0x8000004A;
	[dreg:$0xe] =	wrdreg s4;
	s4 =	simm.s32 $0x7400  }
.LBB2_1:
0x25: {  	s8 =	rddreg [dreg:$0xe]  }
0x26: {  	[tilespmem:s10], [sflag:$0x3] =	stream.linear.gather [hbm4b:s8+s1], $0x2000, $0x38;
	[tilespmem:$0x1D400] =	vst v63  }
0x27: {  	_ =	swait.ge [sflag:s0], $0x2000  }
0x28: {  	[sflag:s0] =	ssyncset.done $0x0  }
0x29: {  	[sflag:s0] =	ssyncadd.s32 $0xFFFFE000  }
0x2a: {  	[spmem:s16] =	stream.linear.scatter [tilespmem:s10], [sflag:$0x3], $0x2000, $0x38;
	[tilespmem:$0x1D400] =	vst v63  }
0x2b: {  	_ =	swait.ge [sflag:s0], $0x2000  }
0x2c: {  	[sflag:s0] =	ssyncset.done $0x0  }
0x2d: {  	[sflag:s0] =	ssyncadd.s32 $0xFFFFE000  }
0x2e: {  	[spmem:s17] =	stream.linear.scatter [tilespmem:s10], [sflag:$0x3], $0x2000, $0x38;
	[tilespmem:$0x1D400] =	vst v63  }
0x2f: {  	_ =	swait.ge [sflag:s0], $0x2000  }
0x30: {  	[sflag:s0] =	ssyncset.done $0x0  }
0x31: {  	[sflag:s0] =	ssyncadd.s32 $0xFFFFE000  }
0x32: {  	[spmem:s18] =	stream.linear.scatter [tilespmem:s10], [sflag:$0x3], $0x2000, $0x38;
	[tilespmem:$0x1D400] =	vst v63  }
0x33: {  	_ =	swait.ge [sflag:s0], $0x2000  }
0x34: {  	[sflag:s0] =	ssyncset.done $0x0  }
0x35: {  	[sflag:s0] =	ssyncadd.s32 $0xFFFFE000  }
0x36: {  	[spmem:s19] =	stream.linear.scatter [tilespmem:s10], [sflag:$0x3], $0x2000, $0x38;
	[tilespmem:$0x1D400] =	vst v63  }
0x37: {  	_ =	swait.ge [sflag:s0], $0x2000  }
0x38: {  	[sflag:s0] =	ssyncset.done $0x0  }
0x39: {  	[sflag:s0] =	ssyncadd.s32 $0xFFFFE000  }
0x3a: {  	[spmem:s20] =	stream.linear.scatter [tilespmem:s10], [sflag:$0x3], $0x2000, $0x38;
	[tilespmem:$0x1D400] =	vst v63  }
0x3b: {  	_ =	swait.ge [sflag:s0], $0x2000  }
0x3c: {  	[sflag:s0] =	ssyncset.done $0x0  }
0x3d: {  	[sflag:s0] =	ssyncadd.s32 $0xFFFFE000  }
0x3e: {  	[spmem:s21] =	stream.linear.scatter [tilespmem:s10], [sflag:$0x3], $0x2000, $0x38;
	[tilespmem:$0x1D400] =	vst v63  }
0x3f: {  	_ =	swait.ge [sflag:s0], $0x2000  }
0x40: {  	[sflag:s0] =	ssyncset.done $0x0  }
0x41: {  	[sflag:s0] =	ssyncadd.s32 $0xFFFFE000  }
0x42: {  	[spmem:s22] =	stream.linear.scatter [tilespmem:s10], [sflag:$0x3], $0x2000, $0x38;
	[tilespmem:$0x1D400] =	vst v63  }
0x43: {  	_ =	swait.ge [sflag:s0], $0x2000  }
0x44: {  	[sflag:s0] =	ssyncset.done $0x0  }
0x45: {  	[sflag:s0] =	ssyncadd.s32 $0xFFFFE000  }
0x46: {  	[spmem:s23] =	stream.linear.scatter [tilespmem:s10], [sflag:$0x3], $0x2000, $0x38;
	[tilespmem:$0x1D400] =	vst v63  }
0x47: {  	_ =	swait.ge [sflag:s0], $0x2000  }
0x48: {  	[sflag:s0] =	ssyncset.done $0x0  }
0x49: {  	[sflag:s0] =	ssyncadd.s32 $0xFFFFE000  }
0x4a: {  	[spmem:s24] =	stream.linear.scatter [tilespmem:s10], [sflag:$0x3], $0x2000, $0x38;
	[tilespmem:$0x1D400] =	vst v63  }
0x4b: {  	_ =	swait.ge [sflag:s0], $0x2000  }
0x4c: {  	[sflag:s0] =	ssyncset.done $0x0  }
0x4d: {  	[sflag:s0] =	ssyncadd.s32 $0xFFFFE000  }
0x4e: {  	[spmem:s25] =	stream.linear.scatter [tilespmem:s10], [sflag:$0x3], $0x2000, $0x38;
	[tilespmem:$0x1D400] =	vst v63  }
0x4f: {  	_ =	swait.ge [sflag:s0], $0x2000  }
0x50: {  	[sflag:s0] =	ssyncset.done $0x0  }
0x51: {  	[sflag:s0] =	ssyncadd.s32 $0xFFFFE000  }
0x52: {  	[bflag:$0x0] =	sbarrier.arrive $0xFFFF  }
0x53: {  	[tilespmem:s1], [sflag:$0x3] =	stream.linear.gather [hbm4b:s28+s1], $0x2900, $0x38;
	[tilespmem:$0x1D400] =	vst v63  }
0x54: {  	_ =	swait.ge [sflag:s0], $0x2900  }
0x55: {  	[sflag:s0] =	ssyncset.done $0x0  }
0x56: {  	[sflag:s0] =	ssyncadd.s32 $0xFFFFD700  }
0x57: {  	[tilespmem:s2], [sflag:$0x3] =	stream.linear.gather [hbm4b:s30+s1], $0x2800, $0x38;
	[tilespmem:$0x1D400] =	vst v63  }
0x58: {  	_ =	swait.ge [sflag:s0], $0x2800  }
0x59: {  	[sflag:s0] =	ssyncset.done $0x0  }
0x5a: {  	[sflag:s0] =	ssyncadd.s32 $0xFFFFD800  }
0x5b: {  	[tilespmem:s10], [sflag:$0x1] =	stream.indirect.gather [hbm4b:s11+s3], $0x80, s1, s3, $0xb8;
	[tilespmem:$0x1D400] =	vst v63  }
0x5c: {  	s9 =	simm.s32 $0x80  }
0x5d: {  	[tilespmem:s4], [sflag:$0x2] =	stream.indirect.gather [hbm4b:s11+s3], $0x80, s9, s3, $0xb8;
	[tilespmem:$0x1D400] =	vst v63  }
0x5e: {  	_ =	swait.ge [sflag:s5], $0x2000  }
0x5f: {  	[sflag:s5] =	ssyncset.done $0x0  }
0x60: {  	s12 =	simm.s32 $0x2C00;
	[sflag:s5] =	ssyncadd.s32 $0xFFFFE000  }
0x61: {  	[spmem:s13] =	stream.indirect.scatter.add.f32 [tilespmem:s10], [sflag:$0x3], $0x80, s12, s3, $0xb8;
	[tilespmem:$0x1D400] =	vst v63  }
0x62: {  	_ =	swait.ge [sflag:s0], $0x2000  }
0x63: {  	[sflag:s0] =	ssyncset.done $0x0  }
0x64: {  	s14 =	simm.s32 $0x100;
	[sflag:s0] =	ssyncadd.s32 $0xFFFFE000  }
0x65: {  	[tilespmem:s10], [sflag:$0x1] =	stream.indirect.gather [hbm4b:s11+s3], $0x80, s14, s3, $0xb8;
	[tilespmem:$0x1D400] =	vst v63  }
0x66: {  	_ =	swait.ge [sflag:s6], $0x2000  }
0x67: {  	[sflag:s6] =	ssyncset.done $0x0  }
0x68: {  	s15 =	simm.s32 $0x2C80;
	[sflag:s6] =	ssyncadd.s32 $0xFFFFE000  }
0x69: {  	[spmem:s13] =	stream.indirect.scatter.add.f32 [tilespmem:s4], [sflag:$0x3], $0x80, s15, s3, $0xb8;
	[tilespmem:$0x1D400] =	vst v63  }
0x6a: {  	_ =	swait.ge [sflag:s0], $0x2000  }
0x6b: {  	s8 =	simm.s32 $0x100;
	s9 =	simm.s32 $0x800;
	[sflag:s0] =	ssyncset.done $0x0  }
.LBB2_2:
0x6c: {  	s12 =	sadd.s32 $0x80, s8  }
0x6d: {  	[sflag:s0] =	ssyncadd.s32 $0xFFFFE000;
	s14 =	smov.u32 s9;
	s15 =	sadd.s32 $0x400, s9  }
0x6e: {  	[tilespmem:s4], [sflag:$0x2] =	stream.indirect.gather [hbm4b:s11+s3], $0x80, s12, s3, $0xb8;
	[tilespmem:$0x1D400] =	vst v63  }
0x6f: {  	p0 =	sne.s32 s9, $0x9C00;
	_ =	swait.ge [sflag:s5], $0x2000  }
0x70: {  	[sflag:s5] =	ssyncset.done $0x0  }
0x71: {  	s9 =	sadd.s32 $0x2C00, s8;
	[sflag:s5] =	ssyncadd.s32 $0xFFFFE000  }
0x72: {  	[spmem:s13] =	stream.indirect.scatter.add.f32 [tilespmem:s10], [sflag:$0x3], $0x80, s9, s3, $0xb8;
	[tilespmem:$0x1D400] =	vst v63  }
0x73: {  	_ =	swait.ge [sflag:s0], $0x2000  }
0x74: {  	[sflag:s0] =	ssyncset.done $0x0  }
0x75: {  	s9 =	sadd.s32 $0x100, s8;
	[sflag:s0] =	ssyncadd.s32 $0xFFFFE000  }
0x76: {  	[tilespmem:s10], [sflag:$0x1] =	stream.indirect.gather [hbm4b:s11+s3], $0x80, s9, s3, $0xb8;
	[tilespmem:$0x1D400] =	vst v63  }
0x77: {  	_ =	swait.ge [sflag:s6], $0x2000  }
.Ltmp0:
0x78: {  	[sflag:s6] =	ssyncset.done $0x0;
	(pc) =	sbr.rel @p0 .LBB2_2-.Ltmp0, $4  }
0x79: {  	s8 =	sadd.s32 $0x2C80, s8;
	[sflag:s6] =	ssyncadd.s32 $0xFFFFE000  }
0x7a: {  	[spmem:s13] =	stream.indirect.scatter.add.f32 [tilespmem:s4], [sflag:$0x3], $0x80, s8, s3, $0xb8;
	[tilespmem:$0x1D400] =	vst v63  }
0x7b: {  	_ =	swait.ge [sflag:s0], $0x2000  }
0x7c: {  	s9 =	smov.u32 s15;
	s8 =	sshra.s32 s14, $0x2;
	[sflag:s0] =	ssyncset.done $0x0  }
0x7d: {  	s9 =	sadd.s32 $0x80, s8;
	[sflag:s0] =	ssyncadd.s32 $0xFFFFE000  }
0x7e: {  	[tilespmem:s4], [sflag:$0x2] =	stream.indirect.gather [hbm4b:s11+s3], $0x80, s9, s3, $0xb8;
	[tilespmem:$0x1D400] =	vst v63  }
0x7f: {  	_ =	swait.ge [sflag:s5], $0x2000  }
0x80: {  	[sflag:s5] =	ssyncset.done $0x0  }
0x81: {  	s15 =	sadd.s32 $0x2C00, s8;
	[sflag:s5] =	ssyncadd.s32 $0xFFFFE000  }
0x82: {  	[spmem:s13] =	stream.indirect.scatter.add.f32 [tilespmem:s10], [sflag:$0x3], $0x80, s15, s3, $0xb8;
	[tilespmem:$0x1D400] =	vst v63  }
0x83: {  	_ =	swait.ge [sflag:s0], $0x2000  }
0x84: {  	[sflag:s0] =	ssyncset.done $0x0  }
0x85: {  	s12 =	sadd.s32 $0x100, s8;
	[sflag:s0] =	ssyncadd.s32 $0xFFFFE000  }
0x86: {  	[tilespmem:s10], [sflag:$0x1] =	stream.indirect.gather [hbm4b:s11+s3], $0x80, s12, s3, $0xb8;
	[tilespmem:$0x1D400] =	vst v63  }
0x87: {  	_ =	swait.ge [sflag:s6], $0x2000  }
0x88: {  	[sflag:s6] =	ssyncset.done $0x0  }
0x89: {  	s14 =	sadd.s32 $0x2C80, s8;
	[sflag:s6] =	ssyncadd.s32 $0xFFFFE000  }
0x8a: {  	[spmem:s13] =	stream.indirect.scatter.add.f32 [tilespmem:s4], [sflag:$0x3], $0x80, s14, s3, $0xb8;
	[tilespmem:$0x1D400] =	vst v63  }
0x8b: {  	_ =	swait.ge [sflag:s0], $0x2000  }
0x8c: {  	[sflag:s0] =	ssyncset.done $0x0  }
0x8d: {  	[sflag:s0] =	ssyncadd.s32 $0xFFFFE000  }
0x8e: {  	_ =	swait.ge [sflag:s5], $0x2000  }
0x8f: {  	[sflag:s5] =	ssyncset.done $0x0  }
0x90: {  	s15 =	simm.s32 $0x0;
	[sflag:s5] =	ssyncadd.s32 $0xFFFFE000  }
0x91: {  	[tilespmem:s15], [sflag:$0x3] =	stream.linear.gather [hbm4b:s29+s15], $0x2900, $0x38;
	[tilespmem:$0x1D400] =	vst v63  }
0x92: {  	_ =	swait.ge [sflag:s0], $0x2900  }
0x93: {  	[sflag:s0] =	ssyncset.done $0x0  }
0x94: {  	[sflag:s0] =	ssyncadd.s32 $0xFFFFD700  }
0x95: {  	[tilespmem:s2], [sflag:$0x3] =	stream.linear.gather [hbm4b:s31+s15], $0x2800, $0x38;
	[tilespmem:$0x1D400] =	vst v63  }
0x96: {  	_ =	swait.ge [sflag:s0], $0x2800  }
0x97: {  	[sflag:s0] =	ssyncset.done $0x0  }
0x98: {  	[sflag:s0] =	ssyncadd.s32 $0xFFFFD800  }
0x99: {  	[tilespmem:s10], [sflag:$0x1] =	stream.indirect.gather [hbm4b:s11+s3], $0x80, s15, s3, $0xb8;
	[tilespmem:$0x1D400] =	vst v63  }
0x9a: {  	s9 =	simm.s32 $0x80  }
0x9b: {  	[tilespmem:s4], [sflag:$0x2] =	stream.indirect.gather [hbm4b:s11+s3], $0x80, s9, s3, $0xb8;
	[tilespmem:$0x1D400] =	vst v63  }
0x9c: {  	_ =	swait.ge [sflag:s5], $0x2000  }
0x9d: {  	[sflag:s5] =	ssyncset.done $0x0  }
0x9e: {  	s12 =	simm.s32 $0x2C00;
	[sflag:s5] =	ssyncadd.s32 $0xFFFFE000  }
0x9f: {  	[spmem:s13] =	stream.indirect.scatter.add.f32 [tilespmem:s10], [sflag:$0x3], $0x80, s12, s3, $0xb8;
	[tilespmem:$0x1D400] =	vst v63  }
0xa0: {  	_ =	swait.ge [sflag:s0], $0x2000  }
0xa1: {  	[sflag:s0] =	ssyncset.done $0x0  }
0xa2: {  	s14 =	simm.s32 $0x100;
	[sflag:s0] =	ssyncadd.s32 $0xFFFFE000  }
0xa3: {  	[tilespmem:s10], [sflag:$0x1] =	stream.indirect.gather [hbm4b:s11+s3], $0x80, s14, s3, $0xb8;
	[tilespmem:$0x1D400] =	vst v63  }
0xa4: {  	_ =	swait.ge [sflag:s6], $0x2000  }
0xa5: {  	[sflag:s6] =	ssyncset.done $0x0  }
0xa6: {  	s15 =	simm.s32 $0x2C80;
	[sflag:s6] =	ssyncadd.s32 $0xFFFFE000  }
0xa7: {  	[spmem:s13] =	stream.indirect.scatter.add.f32 [tilespmem:s4], [sflag:$0x3], $0x80, s15, s3, $0xb8;
	[tilespmem:$0x1D400] =	vst v63  }
0xa8: {  	_ =	swait.ge [sflag:s0], $0x2000  }
0xa9: {  	s8 =	simm.s32 $0x100;
	s9 =	simm.s32 $0x800;
	[sflag:s0] =	ssyncset.done $0x0  }
.LBB2_4:
0xaa: {  	s12 =	sadd.s32 $0x80, s8  }
0xab: {  	[sflag:s0] =	ssyncadd.s32 $0xFFFFE000;
	s14 =	smov.u32 s9;
	s15 =	sadd.s32 $0x400, s9  }
0xac: {  	[tilespmem:s4], [sflag:$0x2] =	stream.indirect.gather [hbm4b:s11+s3], $0x80, s12, s3, $0xb8;
	[tilespmem:$0x1D400] =	vst v63  }
0xad: {  	p0 =	sne.s32 s9, $0x9C00;
	_ =	swait.ge [sflag:s5], $0x2000  }
0xae: {  	[sflag:s5] =	ssyncset.done $0x0  }
0xaf: {  	s9 =	sadd.s32 $0x2C00, s8;
	[sflag:s5] =	ssyncadd.s32 $0xFFFFE000  }
0xb0: {  	[spmem:s13] =	stream.indirect.scatter.add.f32 [tilespmem:s10], [sflag:$0x3], $0x80, s9, s3, $0xb8;
	[tilespmem:$0x1D400] =	vst v63  }
0xb1: {  	_ =	swait.ge [sflag:s0], $0x2000  }
0xb2: {  	[sflag:s0] =	ssyncset.done $0x0  }
0xb3: {  	s9 =	sadd.s32 $0x100, s8;
	[sflag:s0] =	ssyncadd.s32 $0xFFFFE000  }
0xb4: {  	[tilespmem:s10], [sflag:$0x1] =	stream.indirect.gather [hbm4b:s11+s3], $0x80, s9, s3, $0xb8;
	[tilespmem:$0x1D400] =	vst v63  }
0xb5: {  	_ =	swait.ge [sflag:s6], $0x2000  }
.Ltmp1:
0xb6: {  	[sflag:s6] =	ssyncset.done $0x0;
	(pc) =	sbr.rel @p0 .LBB2_4-.Ltmp1, $4  }
0xb7: {  	s8 =	sadd.s32 $0x2C80, s8;
	[sflag:s6] =	ssyncadd.s32 $0xFFFFE000  }
0xb8: {  	[spmem:s13] =	stream.indirect.scatter.add.f32 [tilespmem:s4], [sflag:$0x3], $0x80, s8, s3, $0xb8;
	[tilespmem:$0x1D400] =	vst v63  }
0xb9: {  	_ =	swait.ge [sflag:s0], $0x2000  }
0xba: {  	s9 =	smov.u32 s15;
	s8 =	sshra.s32 s14, $0x2;
	[sflag:s0] =	ssyncset.done $0x0  }
0xbb: {  	s9 =	sadd.s32 $0x80, s8;
	[sflag:s0] =	ssyncadd.s32 $0xFFFFE000  }
0xbc: {  	[tilespmem:s4], [sflag:$0x2] =	stream.indirect.gather [hbm4b:s11+s3], $0x80, s9, s3, $0xb8;
	[tilespmem:$0x1D400] =	vst v63  }
0xbd: {  	_ =	swait.ge [sflag:s5], $0x2000  }
0xbe: {  	[sflag:s5] =	ssyncset.done $0x0  }
0xbf: {  	s14 =	sadd.s32 $0x2C00, s8;
	[sflag:s5] =	ssyncadd.s32 $0xFFFFE000  }
0xc0: {  	[spmem:s13] =	stream.indirect.scatter.add.f32 [tilespmem:s10], [sflag:$0x3], $0x80, s14, s3, $0xb8;
	[tilespmem:$0x1D400] =	vst v63  }
0xc1: {  	_ =	swait.ge [sflag:s0], $0x2000  }
0xc2: {  	[sflag:s0] =	ssyncset.done $0x0  }
0xc3: {  	s15 =	sadd.s32 $0x100, s8;
	[sflag:s0] =	ssyncadd.s32 $0xFFFFE000  }
0xc4: {  	[tilespmem:s10], [sflag:$0x1] =	stream.indirect.gather [hbm4b:s11+s3], $0x80, s15, s3, $0xb8;
	[tilespmem:$0x1D400] =	vst v63  }
0xc5: {  	_ =	swait.ge [sflag:s6], $0x2000  }
0xc6: {  	[sflag:s6] =	ssyncset.done $0x0  }
0xc7: {  	s12 =	sadd.s32 $0x2C80, s8;
	[sflag:s6] =	ssyncadd.s32 $0xFFFFE000  }
0xc8: {  	[spmem:s13] =	stream.indirect.scatter.add.f32 [tilespmem:s4], [sflag:$0x3], $0x80, s12, s3, $0xb8;
	[tilespmem:$0x1D400] =	vst v63  }
0xc9: {  	_ =	swait.ge [sflag:s0], $0x2000  }
0xca: {  	[sflag:s0] =	ssyncset.done $0x0  }
0xcb: {  	[sflag:s0] =	ssyncadd.s32 $0xFFFFE000  }
0xcc: {  	_ =	swait.ge [sflag:s5], $0x2000  }
0xcd: {  	[sflag:s5] =	ssyncset.done $0x0  }
0xce: {  	[sflag:s5] =	ssyncadd.s32 $0xFFFFE000  }
0xcf: {  	[bflag:$0x0] =	sbarrier.arrive $0xFFFF  }
0xd0: {  	[tilespmem:s10], [sflag:$0x3] =	stream.linear.gather [spmem:s16], $0x2000, $0x38;
	[tilespmem:$0x1D400] =	vst v63  }
0xd1: {  	_ =	swait.ge [sflag:s0], $0x2000  }
0xd2: {  	[sflag:s0] =	ssyncset.done $0x0  }
0xd3: {  	s14 =	rddreg [dreg:$0x4];
	[sflag:s0] =	ssyncadd.s32 $0xFFFFE000  }
0xd4: {  	[hbm4b:s14+s1] =	stream.linear.scatter [tilespmem:s10], [sflag:$0x3], $0x2000, $0x38;
	[tilespmem:$0x1D400] =	vst v63  }
0xd5: {  	_ =	swait.ge [sflag:s0], $0x2000  }
0xd6: {  	[sflag:s0] =	ssyncset.done $0x0  }
0xd7: {  	[sflag:s0] =	ssyncadd.s32 $0xFFFFE000  }
0xd8: {  	[tilespmem:s10], [sflag:$0x3] =	stream.linear.gather [spmem:s17], $0x2000, $0x38;
	[tilespmem:$0x1D400] =	vst v63  }
0xd9: {  	_ =	swait.ge [sflag:s0], $0x2000  }
0xda: {  	[sflag:s0] =	ssyncset.done $0x0  }
0xdb: {  	s15 =	rddreg [dreg:$0x5];
	[sflag:s0] =	ssyncadd.s32 $0xFFFFE000  }
0xdc: {  	[hbm4b:s15+s1] =	stream.linear.scatter [tilespmem:s10], [sflag:$0x3], $0x2000, $0x38;
	[tilespmem:$0x1D400] =	vst v63  }
0xdd: {  	_ =	swait.ge [sflag:s0], $0x2000  }
0xde: {  	[sflag:s0] =	ssyncset.done $0x0  }
0xdf: {  	[sflag:s0] =	ssyncadd.s32 $0xFFFFE000  }
0xe0: {  	[tilespmem:s10], [sflag:$0x3] =	stream.linear.gather [spmem:s18], $0x2000, $0x38;
	[tilespmem:$0x1D400] =	vst v63  }
0xe1: {  	_ =	swait.ge [sflag:s0], $0x2000  }
0xe2: {  	[sflag:s0] =	ssyncset.done $0x0  }
0xe3: {  	s9 =	rddreg [dreg:$0x6];
	[sflag:s0] =	ssyncadd.s32 $0xFFFFE000  }
0xe4: {  	[hbm4b:s9+s1] =	stream.linear.scatter [tilespmem:s10], [sflag:$0x3], $0x2000, $0x38;
	[tilespmem:$0x1D400] =	vst v63  }
0xe5: {  	_ =	swait.ge [sflag:s0], $0x2000  }
0xe6: {  	[sflag:s0] =	ssyncset.done $0x0  }
0xe7: {  	[sflag:s0] =	ssyncadd.s32 $0xFFFFE000  }
0xe8: {  	[tilespmem:s10], [sflag:$0x3] =	stream.linear.gather [spmem:s19], $0x2000, $0x38;
	[tilespmem:$0x1D400] =	vst v63  }
0xe9: {  	_ =	swait.ge [sflag:s0], $0x2000  }
0xea: {  	[sflag:s0] =	ssyncset.done $0x0  }
0xeb: {  	s12 =	rddreg [dreg:$0x7];
	[sflag:s0] =	ssyncadd.s32 $0xFFFFE000  }
0xec: {  	[hbm4b:s12+s1] =	stream.linear.scatter [tilespmem:s10], [sflag:$0x3], $0x2000, $0x38;
	[tilespmem:$0x1D400] =	vst v63  }
0xed: {  	_ =	swait.ge [sflag:s0], $0x2000  }
0xee: {  	[sflag:s0] =	ssyncset.done $0x0  }
0xef: {  	[sflag:s0] =	ssyncadd.s32 $0xFFFFE000  }
0xf0: {  	[tilespmem:s10], [sflag:$0x3] =	stream.linear.gather [spmem:s20], $0x2000, $0x38;
	[tilespmem:$0x1D400] =	vst v63  }
0xf1: {  	_ =	swait.ge [sflag:s0], $0x2000  }
0xf2: {  	[sflag:s0] =	ssyncset.done $0x0  }
0xf3: {  	s14 =	rddreg [dreg:$0x8];
	[sflag:s0] =	ssyncadd.s32 $0xFFFFE000  }
0xf4: {  	[hbm4b:s14+s1] =	stream.linear.scatter [tilespmem:s10], [sflag:$0x3], $0x2000, $0x38;
	[tilespmem:$0x1D400] =	vst v63  }
0xf5: {  	_ =	swait.ge [sflag:s0], $0x2000  }
0xf6: {  	[sflag:s0] =	ssyncset.done $0x0  }
0xf7: {  	[sflag:s0] =	ssyncadd.s32 $0xFFFFE000  }
0xf8: {  	[tilespmem:s10], [sflag:$0x3] =	stream.linear.gather [spmem:s21], $0x2000, $0x38;
	[tilespmem:$0x1D400] =	vst v63  }
0xf9: {  	_ =	swait.ge [sflag:s0], $0x2000  }
0xfa: {  	[sflag:s0] =	ssyncset.done $0x0  }
0xfb: {  	s15 =	rddreg [dreg:$0x9];
	[sflag:s0] =	ssyncadd.s32 $0xFFFFE000  }
0xfc: {  	[hbm4b:s15+s1] =	stream.linear.scatter [tilespmem:s10], [sflag:$0x3], $0x2000, $0x38;
	[tilespmem:$0x1D400] =	vst v63  }
0xfd: {  	_ =	swait.ge [sflag:s0], $0x2000  }
0xfe: {  	[sflag:s0] =	ssyncset.done $0x0  }
0xff: {  	[sflag:s0] =	ssyncadd.s32 $0xFFFFE000  }
0x100: {  	[tilespmem:s10], [sflag:$0x3] =	stream.linear.gather [spmem:s22], $0x2000, $0x38;
	[tilespmem:$0x1D400] =	vst v63  }
0x101: {  	_ =	swait.ge [sflag:s0], $0x2000  }
0x102: {  	[sflag:s0] =	ssyncset.done $0x0  }
0x103: {  	s9 =	rddreg [dreg:$0xa];
	[sflag:s0] =	ssyncadd.s32 $0xFFFFE000  }
0x104: {  	[hbm4b:s9+s1] =	stream.linear.scatter [tilespmem:s10], [sflag:$0x3], $0x2000, $0x38;
	[tilespmem:$0x1D400] =	vst v63  }
0x105: {  	_ =	swait.ge [sflag:s0], $0x2000  }
0x106: {  	[sflag:s0] =	ssyncset.done $0x0  }
0x107: {  	[sflag:s0] =	ssyncadd.s32 $0xFFFFE000  }
0x108: {  	[tilespmem:s10], [sflag:$0x3] =	stream.linear.gather [spmem:s23], $0x2000, $0x38;
	[tilespmem:$0x1D400] =	vst v63  }
0x109: {  	_ =	swait.ge [sflag:s0], $0x2000  }
0x10a: {  	[sflag:s0] =	ssyncset.done $0x0  }
0x10b: {  	s12 =	rddreg [dreg:$0xb];
	[sflag:s0] =	ssyncadd.s32 $0xFFFFE000  }
0x10c: {  	[hbm4b:s12+s1] =	stream.linear.scatter [tilespmem:s10], [sflag:$0x3], $0x2000, $0x38;
	[tilespmem:$0x1D400] =	vst v63  }
0x10d: {  	_ =	swait.ge [sflag:s0], $0x2000  }
0x10e: {  	[sflag:s0] =	ssyncset.done $0x0  }
0x10f: {  	[sflag:s0] =	ssyncadd.s32 $0xFFFFE000  }
0x110: {  	[tilespmem:s10], [sflag:$0x3] =	stream.linear.gather [spmem:s24], $0x2000, $0x38;
	[tilespmem:$0x1D400] =	vst v63  }
0x111: {  	_ =	swait.ge [sflag:s0], $0x2000  }
0x112: {  	[sflag:s0] =	ssyncset.done $0x0  }
0x113: {  	s14 =	rddreg [dreg:$0xc];
	[sflag:s0] =	ssyncadd.s32 $0xFFFFE000  }
0x114: {  	[hbm4b:s14+s1] =	stream.linear.scatter [tilespmem:s10], [sflag:$0x3], $0x2000, $0x38;
	[tilespmem:$0x1D400] =	vst v63  }
0x115: {  	_ =	swait.ge [sflag:s0], $0x2000  }
0x116: {  	[sflag:s0] =	ssyncset.done $0x0  }
0x117: {  	[sflag:s0] =	ssyncadd.s32 $0xFFFFE000  }
0x118: {  	[tilespmem:s10], [sflag:$0x3] =	stream.linear.gather [spmem:s25], $0x2000, $0x38;
	[tilespmem:$0x1D400] =	vst v63  }
0x119: {  	s7 =	sadd.s32 $0x1, s7;
	_ =	swait.ge [sflag:s0], $0x2000  }
0x11a: {  	p0 =	sne.s32 s7, s26;
	[sflag:s0] =	ssyncset.done $0x0  }
.Ltmp2:
0x11b: {  	s15 =	rddreg [dreg:$0xd];
	[sflag:s0] =	ssyncadd.s32 $0xFFFFE000;
	(pc) =	sbr.rel @p0 .LBB2_1-.Ltmp2, $4  }
0x11c: {  	[hbm4b:s15+s1] =	stream.linear.scatter [tilespmem:s10], [sflag:$0x3], $0x2000, $0x38;
	[tilespmem:$0x1D400] =	vst v63  }
0x11d: {  	_ =	swait.ge [sflag:s0], $0x2000  }
0x11e: {  	[sflag:s0] =	ssyncset.done $0x0  }
0x11f: {  	[sflag:s0] =	ssyncadd.s32 $0xFFFFE000  }
0x120: {  	_ =	sfence.sel $0x180000  }
0x121: {  	[bflag:$0x0] =	sbarrier.arrive $0xFFFF  }
0x122: {  	_ =	strace $0x9000004A  }
0x123: {  	s0 =	stileid.u32;
	[bflag:$0x2] =	sbarrier.arrive $0xFFFF  }
0x124: {  	p0 =	sne.s32 s0, $0x0;
	s0 =	rddreg [dreg:$0x3]  }
0x125: {  	s0 =	sadd.s32 @!p0 $0x100000, s0  }
0x126: {  	[sflag:s0] =	ssyncadd.tile.s32 @!p0 $0x1;
	_ =	shalt  }
.Lfunc_end2:
_tile_overlayer_lowered:
.L_overlay_start_2:
0x127: {  	(tag) =	ssettag $0x2  }
0x128: {  	s0 =	rddreg [dreg:$0x0];
	s2 =	stileid.u32  }
0x129: {  	s1 =	rddreg [dreg:$0x1];
	p0 =	sne.s32 s2, $0x0  }
0x12a: {  	s3 =	rddreg [dreg:$0x2];
	[bflag:$0x3] =	sbarrier.arrive $0xFFFF;
	s2 =	simm.s32 @!p0 $0x1C03  }
0x12b: {  	[timem:s3], [sflag:s2] =	dma.local @!p0 [hbm:s0], s1  }
0x12c: {  	s0 =	simm.s32 @!p0 $0x3  }
0x12d: {  	_ =	swait.ge @!p0 [sflag:s0], s1  }
0x12e: {  	s1 =	ssub.s32 @!p0 $0x0, s1;
	[sflag:s0] =	ssyncset.done @!p0 $0x0  }
0x12f: {  	[sflag:s0] =	ssyncadd.s32 @!p0 s1  }
0x130: {  	[bflag:$0x3] =	sbarrier.arrive $0xFFFF  }
0x131: {  	_ =	shalt  }

</sc_bundles>
